<compile_context>
chip_gen: v7x
topology: tpu7x:2x2x1
jax: 0.10.2.dev20260603
libtpu: 0.0.44.dev20260713+nightly
codegen_flags: <defaults>
</compile_context>

<pallas_src>
import functools

import jax
import jax.numpy as jnp
from jax import lax
from jax.experimental import pallas as pl
from jax.experimental.pallas import tpu as pltpu
from jax.experimental.pallas import tpu_sc as plsc

_M = 256
_J = 4096
_K = 32
_NNZ = 13107
_NNZ_PAD = 13120
_EXT = _NNZ_PAD + 16
_NTILES = 32
_JT = _J // _NTILES
_CH = _JT * _K
_S1 = 12

_JB = 1024

_WCH = 2048


def _sc_scatter_body(fav_hbm, swv_hbm, off_hbm,
                     as_hbm, vs_hbm, cs_hbm, fl_hbm,
                     f_v, av_v, sw_v, v_v, off_v, rs_v, as_v, vs_v, cs_v,
                     sem, sem2):
    nc = 2
    wid = lax.axis_index("s") * nc + lax.axis_index("c")
    base = wid * _CH
    c_off = pltpu.async_copy(off_hbm, off_v, sem2)
    c_sw = pltpu.async_copy(swv_hbm.at[pl.ds(base, _CH)], sw_v, sem)
    c_v = pltpu.async_copy(swv_hbm.at[pl.ds(_K * _J + base, _CH)], v_v, sem)

    zf = jnp.zeros((16,), jnp.float32)
    zi = jnp.zeros((16,), jnp.int32)

    def zero_body(i, c):
        r = i >> 3
        col = (i & 7) * 16
        as_v[r, pl.ds(col, 16)] = zf
        vs_v[r, pl.ds(col, 16)] = zf
        cs_v[r, pl.ds(col, 16)] = zi
        return c

    lax.fori_loop(0, _K * _JT // 16, zero_body, 0)
    c_off.wait()

    offs = off_v[pl.ds(wid, 16)]
    lo = offs[0]
    hi = offs[1]
    lo_fl = (lo // 16) * 16
    nch = (hi - lo_fl + _WCH - 1) // _WCH
    basev = jnp.full((16,), base, jnp.int32)
    chv = jnp.full((16,), _CH, jnp.int32)
    lanes = lax.iota(jnp.int32, 16)

    def chunkA(c, carry):
        oc = jnp.minimum(lo_fl + c * _WCH, _EXT - (_WCH + 16))
        pltpu.sync_copy(fav_hbm.at[pl.ds(oc, _WCH + 16)], f_v)
        s_hi = jnp.minimum((hi - oc + 15) // 16, _WCH // 16)

        def body(s, cc):
            cur = f_v[pl.ds(16 + s * 16, 16)]
            prv = f_v[pl.ds(15 + s * 16, 16)]
            loc = cur - basev
            m = (loc >= 0) & (loc < chv)
            jj = jnp.right_shift(jnp.where(m, loc, 0), 5)
            first = m & (jnp.right_shift(cur, 5) != jnp.right_shift(prv, 5))
            ivec = jnp.full((16,), oc + s * 16, jnp.int32) + lanes
            plsc.store_scatter(rs_v, [jj], ivec, mask=first)
            return cc

        lax.fori_loop(0, s_hi, body, 0)
        return carry

    lax.fori_loop(0, nch, chunkA, 0)
    c_sw.wait()
    c_v.wait()

    def chunkB(c, ovf):
        oc = jnp.minimum(lo_fl + c * _WCH, _EXT - (_WCH + 16))

        @pl.when(nch > 1)
        def _refetch():
            pltpu.sync_copy(fav_hbm.at[pl.ds(oc, _WCH + 16)], f_v)

        pltpu.sync_copy(fav_hbm.at[pl.ds(_EXT + oc, _WCH + 16)], av_v)
        s_hi = jnp.minimum((hi - oc + 15) // 16, _WCH // 16)

        def body(s, ovf_in):
            cur = f_v[pl.ds(16 + s * 16, 16)]
            a = plsc.bitcast(av_v[pl.ds(16 + s * 16, 16)], jnp.float32)
            loc = cur - basev
            m = (loc >= 0) & (loc < chv)
            locc = jnp.where(m, loc, 0)
            jj = jnp.right_shift(locc, 5)
            sw = plsc.load_gather(sw_v, [locc], mask=m)
            vv = plsc.load_gather(v_v, [locc], mask=m)
            ivec = jnp.full((16,), oc + s * 16, jnp.int32) + lanes
            slot = ivec - plsc.load_gather(rs_v, [jj], mask=m)
            slot = jnp.where(m, slot, 0)
            cidx = jnp.right_shift(jnp.bitwise_and(locc, _K - 1), 1)
            plsc.store_scatter(as_v, [slot, jj], a * sw, mask=m)
            plsc.store_scatter(vs_v, [slot, jj], vv * sw, mask=m)
            plsc.store_scatter(cs_v, [slot, jj], cidx, mask=m)
            return ovf_in | jnp.where(m & (slot >= _S1), 1, 0)

        return lax.fori_loop(0, s_hi, body, ovf)

    ovf = lax.fori_loop(0, nch, chunkB, jnp.zeros((16,), jnp.int32))

    flag = jnp.max(ovf)
    rs_v[pl.ds(0, 16)] = jnp.full((16,), flag, jnp.int32)
    o1 = pltpu.async_copy(as_v, as_hbm.at[:, pl.ds(wid * _JT, _JT)], sem)
    o2 = pltpu.async_copy(vs_v, vs_hbm.at[:, pl.ds(wid * _JT, _JT)], sem)
    o3 = pltpu.async_copy(cs_v, cs_hbm.at[:, pl.ds(wid * _JT, _JT)], sem)
    o4 = pltpu.async_copy(rs_v.at[pl.ds(0, 16)], fl_hbm.at[pl.ds(wid * 16, 16)], sem)
    o1.wait()
    o2.wait()
    o3.wait()
    o4.wait()


@functools.cache
def _get_sc_scatter():
    return pl.kernel(
        _sc_scatter_body,
        mesh=plsc.VectorSubcoreMesh(core_axis_name="c", subcore_axis_name="s"),
        compiler_params=pltpu.CompilerParams(needs_layout_passes=False),
        out_type=[
            jax.ShapeDtypeStruct((_K, _J), jnp.float32),
            jax.ShapeDtypeStruct((_K, _J), jnp.float32),
            jax.ShapeDtypeStruct((_K, _J), jnp.int32),
            jax.ShapeDtypeStruct((_NTILES * 16,), jnp.int32),
        ],
        scratch_types=[
            pltpu.VMEM((_WCH + 16,), jnp.int32),
            pltpu.VMEM((_WCH + 16,), jnp.int32),
            pltpu.VMEM((_CH,), jnp.float32),
            pltpu.VMEM((_CH,), jnp.float32),
            pltpu.VMEM((_NTILES + 16,), jnp.int32),
            pltpu.VMEM((_JT,), jnp.int32),
            pltpu.VMEM((_K, _JT), jnp.float32),
            pltpu.VMEM((_K, _JT), jnp.float32),
            pltpu.VMEM((_K, _JT), jnp.int32),
            pltpu.SemaphoreType.DMA,
            pltpu.SemaphoreType.DMA,
        ],
    )


def _slot_terms(xhi, xlo, a_blk, v_blk, c_blk, s_range, iota_c):
    out = None
    for s in s_range:
        ci = c_blk[s]
        b = jnp.where(iota_c == ci[None, :], a_blk[s][None, :], 0.0)
        bh = b.astype(jnp.bfloat16).astype(jnp.float32)
        bl = b - bh
        xa = (jnp.dot(xhi, bh, preferred_element_type=jnp.float32)
              + jnp.dot(xhi, bl, preferred_element_type=jnp.float32)
              + jnp.dot(xlo, bh, preferred_element_type=jnp.float32))
        t = jnp.maximum(xa - v_blk[s][None, :], 0.0)
        out = t * t if out is None else out + t * t
    return out


def _tc_body(fl_ref, xh_ref, xl_ref, a_ref, v_ref, c_ref, f_ref, o_ref, acc_ref):
    jb = pl.program_id(0)

    xhi = xh_ref[...]
    xlo = xl_ref[...]
    a_blk = a_ref[...]
    v_blk = v_ref[...]
    c_blk = c_ref[...]
    iota_c = lax.broadcasted_iota(jnp.int32, (_K, _JB), 0)

    acc_ref[...] = _slot_terms(xhi, xlo, a_blk, v_blk, c_blk,
                               range(_S1), iota_c)

    blockflag = (fl_ref[(4 * jb) * 16] + fl_ref[(4 * jb + 1) * 16]
                 + fl_ref[(4 * jb + 2) * 16] + fl_ref[(4 * jb + 3) * 16])

    @pl.when(blockflag > 0)
    def _overflow():
        acc_ref[...] += _slot_terms(xhi, xlo, a_blk, v_blk, c_blk,
                                    range(_S1, _K), iota_c)

    delta = jnp.exp(-acc_ref[...])
    part = jnp.sum(delta * f_ref[...][None, :], axis=1)

    @pl.when(jb == 0)
    def _zero_out():
        o_ref[...] = jnp.zeros_like(o_ref)

    o_ref[...] += part


_tc_compute = pl.pallas_call(
    _tc_body,
    grid=(_J // _JB,),
    in_specs=[
        pl.BlockSpec(memory_space=pltpu.SMEM),
        pl.BlockSpec((_M, _K), lambda jb: (0, 0)),
        pl.BlockSpec((_M, _K), lambda jb: (0, 0)),
        pl.BlockSpec((_K, _JB), lambda jb: (0, jb)),
        pl.BlockSpec((_K, _JB), lambda jb: (0, jb)),
        pl.BlockSpec((_K, _JB), lambda jb: (0, jb)),
        pl.BlockSpec((_JB,), lambda jb: (jb,)),
    ],
    out_specs=pl.BlockSpec((_M,), lambda jb: (0,)),
    out_shape=jax.ShapeDtypeStruct((_M,), jnp.float32),
    scratch_shapes=[pltpu.VMEM((_M, _JB), jnp.float32)],
)


def kernel(X, a_vals, rows, cols, V, F_vec, W):
    rows = rows.astype(jnp.int32)
    cols = cols.astype(jnp.int32)
    f = rows * _K + cols
    f_e = jnp.pad(f, (16, _NNZ_PAD - _NNZ), constant_values=-1)
    av_e = jnp.pad(a_vals, (16, _NNZ_PAD - _NNZ))
    fav = jnp.concatenate([f_e, lax.bitcast_convert_type(av_e, jnp.int32)])
    bnds = jnp.arange(_NTILES + 16, dtype=jnp.int32) * _CH
    off = jnp.sum((f[None, :] < bnds[:, None]).astype(jnp.int32), axis=1)
    swv = jnp.concatenate([jnp.sqrt(W).reshape(-1), V.reshape(-1)])
    a_s, v_s, c_s, flags = _get_sc_scatter()(fav, swv, off)
    x_aug = jnp.concatenate(
        [X, jnp.zeros((_M, _K - X.shape[1]), jnp.float32)], axis=1)
    x_hi = x_aug.astype(jnp.bfloat16).astype(jnp.float32)
    x_lo = x_aug - x_hi
    return _tc_compute(flags, x_hi, x_lo, a_s, v_s, c_s, F_vec)

# --- scband reference (transcript-rebuilt; emitter-appended) ---
"""Pipeline reference for scband-dfe-model-57423712748163 (READ-ONLY COPY).

The authoritative reference and input builder live on the scoring server;
editing this copy changes nothing except your own understanding.
"""

import jax, jax.numpy as jnp
import numpy as np

M = 256
J = 4096
K = 32
NNZ = 13107


def setup_inputs(seed: int = 0) -> dict:
    key = jax.random.key(seed)
    k1, k2, k3, k4, k5, k6 = jax.random.split(key, 6)
    X = jax.random.normal(k1, (M, K // 2), dtype=jnp.float32)
    # Unique sparse coordinates for the COO matrix A [J, K]
    flat = jax.random.choice(k2, J * K, shape=(NNZ,), replace=False)
    flat = jnp.sort(flat)
    rows = (flat // K).astype(jnp.int32)
    cols = (flat % K).astype(jnp.int32)
    a_vals = jax.random.normal(k3, (NNZ,), dtype=jnp.float32)
    V = jax.random.normal(k4, (J, K), dtype=jnp.float32)
    F_vec = jax.random.normal(k5, (J,), dtype=jnp.float32)
    # Keep W mildly positive so exp(-sum W*D^2) stays numerically tame
    W = jax.random.uniform(k6, (J, K), dtype=jnp.float32, minval=0.0, maxval=0.2)
    return {"X": X, "a_vals": a_vals, "rows": rows, "cols": cols, "V": V, "F_vec": F_vec, "W": W}


def reference(X, a_vals, rows, cols, V, F_vec, W):
    m = X.shape[0]
    j_dim, k_dim = V.shape
    # dist: scatter-overwrite into dense zeros D[m, j, k] = A_vals[i] * X[:, k//2] - V[j, k]
    vals = a_vals[None, :] * X[:, cols // 2] - V[rows, cols][None, :]  # [M, NNZ]
    D = jnp.zeros((m, j_dim, k_dim), dtype=X.dtype).at[:, rows, cols].set(vals)
    D = jax.nn.relu(D)
    # delta: exp(einsum('mjk,mjk->mj', -(D*W), D))
    Delta = jnp.exp(jnp.einsum('mjk,mjk->mj', -(D * W[None, :, :]), D))
    # h: (Delta * F).sum(-1)
    H = (Delta * F_vec[None, :]).sum(axis=-1)
    return H

if __name__ == "__main__":
    import jax
    _d = setup_inputs()
    print(jax.jit(kernel)(*tuple(_d.values())))

</pallas_src>

<mosaic_0001>
#map = affine_map<(d0, d1) -> (0)>
#map1 = affine_map<(d0, d1) -> (0, 0)>
module attributes {stable_mosaic.version = 14 : i64} {
  func.func @_sc_scatter_body(%arg0: i32, %arg1: i32, %arg2: memref<26272xi32, #tpu.memory_space<hbm>>, %arg3: memref<262144xf32, #tpu.memory_space<hbm>>, %arg4: memref<48xi32, #tpu.memory_space<hbm>>, %arg5: memref<32x4096xf32, #tpu.memory_space<hbm>>, %arg6: memref<32x4096xf32, #tpu.memory_space<hbm>>, %arg7: memref<32x4096xi32, #tpu.memory_space<hbm>>, %arg8: memref<512xi32, #tpu.memory_space<hbm>>, %arg9: memref<2064xi32, #tpu.memory_space<vmem>>, %arg10: memref<2064xi32, #tpu.memory_space<vmem>>, %arg11: memref<4096xf32, #tpu.memory_space<vmem>>, %arg12: memref<4096xf32, #tpu.memory_space<vmem>>, %arg13: memref<48xi32, #tpu.memory_space<vmem>>, %arg14: memref<128xi32, #tpu.memory_space<vmem>>, %arg15: memref<32x128xf32, #tpu.memory_space<vmem>>, %arg16: memref<32x128xf32, #tpu.memory_space<vmem>>, %arg17: memref<32x128xi32, #tpu.memory_space<vmem>>, %arg18: memref<!tpu.dma_semaphore, #tpu.memory_space<semaphore_mem>>, %arg19: memref<!tpu.dma_semaphore, #tpu.memory_space<semaphore_mem>>) attributes {dimension_semantics = [#tpu.dimension_semantics<core_parallel>, #tpu.dimension_semantics<subcore_parallel>], iteration_bounds = array<i64: 2, 16>, scalar_prefetch = 0 : i64, scratch_operands = 11 : i64, tpu.core_type = #tpu.core_type<sc_vector_subcore>, window_params = [{transform_indices = #map}, {transform_indices = #map}, {transform_indices = #map}, {transform_indices = #map1}, {transform_indices = #map1}, {transform_indices = #map1}, {transform_indices = #map}]} {
    %mul3A = arith.constant 2 : i32
    %mul3A_0 = arith.muli %arg1, %mul3A : i32
    %add3A = arith.addi %mul3A_0, %arg0 : i32
    %mul3A_1 = arith.constant 4096 : i32
    %mul3A_2 = arith.muli %add3A, %mul3A_1 : i32
    tpu.enqueue_dma source(%arg4 : memref<48xi32, #tpu.memory_space<hbm>>) target(%arg13 : memref<48xi32, #tpu.memory_space<vmem>>) target_semaphore(%arg19 : memref<!tpu.dma_semaphore, #tpu.memory_space<semaphore_mem>>)
    %dma_start3A = tpu.memref_slice %arg3[%mul3A_2] : memref<262144xf32, #tpu.memory_space<hbm>> -> memref<4096xf32, #tpu.memory_space<hbm>>
    %dma_start3A_3 = tpu.memref_slice %arg3[%mul3A_2] : memref<262144xf32, #tpu.memory_space<hbm>> -> memref<4096xf32, #tpu.memory_space<hbm>>
    tpu.enqueue_dma source(%dma_start3A_3 : memref<4096xf32, #tpu.memory_space<hbm>>) target(%arg11 : memref<4096xf32, #tpu.memory_space<vmem>>) target_semaphore(%arg18 : memref<!tpu.dma_semaphore, #tpu.memory_space<semaphore_mem>>)
    %add3A_4 = arith.constant 131072 : i32
    %add3A_5 = arith.addi %add3A_4, %mul3A_2 : i32
    %dma_start3A_6 = tpu.memref_slice %arg3[%add3A_5] : memref<262144xf32, #tpu.memory_space<hbm>> -> memref<4096xf32, #tpu.memory_space<hbm>>
    %dma_start3A_7 = tpu.memref_slice %arg3[%add3A_5] : memref<262144xf32, #tpu.memory_space<hbm>> -> memref<4096xf32, #tpu.memory_space<hbm>>
    tpu.enqueue_dma source(%dma_start3A_7 : memref<4096xf32, #tpu.memory_space<hbm>>) target(%arg12 : memref<4096xf32, #tpu.memory_space<vmem>>) target_semaphore(%arg18 : memref<!tpu.dma_semaphore, #tpu.memory_space<semaphore_mem>>)
    %broadcast_in_dim3A = arith.constant 0.000000e+00 : f32
    %broadcast_in_dim3A_8 = vector.broadcast %broadcast_in_dim3A : f32 to vector<16xf32>
    %broadcast_in_dim3A_9 = arith.constant 0 : i32
    %broadcast_in_dim3A_10 = vector.broadcast %broadcast_in_dim3A_9 : i32 to vector<16xi32>
    %scan3A = arith.constant 0 : i32
    %scan3A_11 = arith.constant 0 : i32
    %scan3A_12 = arith.constant 256 : i32
    %scan3A_13 = arith.addi %scan3A_11, %scan3A_12 : i32
    %scan3A_14 = arith.constant 1 : i32
    scf.for %scan3A_147 = %scan3A_11 to %scan3A_13 step %scan3A_14  : i32 {
      %shift_right_arithmetic3A = arith.constant 3 : i32
      %shift_right_arithmetic3A_148 = arith.shrsi %scan3A_147, %shift_right_arithmetic3A : i32
      %and3A_149 = arith.constant 7 : i32
      %and3A_150 = arith.andi %scan3A_147, %and3A_149 : i32
      %mul3A_151 = arith.constant 16 : i32
      %mul3A_152 = arith.muli %and3A_150, %mul3A_151 : i32
      %swap3A_153 = arith.index_cast %shift_right_arithmetic3A_148 : i32 to index
      %swap3A_154 = arith.index_cast %mul3A_152 : i32 to index
      %swap3A_155 = tpu.vector_load %arg15[%swap3A_153, %swap3A_154] {strides = array<i32>} : memref<32x128xf32, #tpu.memory_space<vmem>>, vector<16xf32>,
      tpu.vector_store %arg15[%swap3A_153, %swap3A_154], %broadcast_in_dim3A_8 {strides = array<i32>} : memref<32x128xf32, #tpu.memory_space<vmem>>, vector<16xf32>,
      %swap3A_156 = arith.index_cast %shift_right_arithmetic3A_148 : i32 to index
      %swap3A_157 = arith.index_cast %mul3A_152 : i32 to index
      %swap3A_158 = tpu.vector_load %arg16[%swap3A_156, %swap3A_157] {strides = array<i32>} : memref<32x128xf32, #tpu.memory_space<vmem>>, vector<16xf32>,
      tpu.vector_store %arg16[%swap3A_156, %swap3A_157], %broadcast_in_dim3A_8 {strides = array<i32>} : memref<32x128xf32, #tpu.memory_space<vmem>>, vector<16xf32>,
      %swap3A_159 = arith.index_cast %shift_right_arithmetic3A_148 : i32 to index
      %swap3A_160 = arith.index_cast %mul3A_152 : i32 to index
      %swap3A_161 = tpu.vector_load %arg17[%swap3A_159, %swap3A_160] {strides = array<i32>} : memref<32x128xi32, #tpu.memory_space<vmem>>, vector<16xi32>,
      tpu.vector_store %arg17[%swap3A_159, %swap3A_160], %broadcast_in_dim3A_10 {strides = array<i32>} : memref<32x128xi32, #tpu.memory_space<vmem>>, vector<16xi32>,
    }
    %scan3A_15 = arith.constant 256 : i32
    tpu.wait_dma2 semaphore(%arg19 : memref<!tpu.dma_semaphore, #tpu.memory_space<semaphore_mem>>) src(%arg4 : memref<48xi32, #tpu.memory_space<hbm>>) dst(%arg13 : memref<48xi32, #tpu.memory_space<vmem>>)
    %get3A = arith.index_cast %add3A : i32 to index
    %get3A_16 = tpu.vector_load %arg13[%get3A] {strides = array<i32>} : memref<48xi32, #tpu.memory_space<vmem>>, vector<16xi32>,
    %slice3A = vector.extract_strided_slice %get3A_16 {offsets = [0], sizes = [1], strides = [1]} : vector<16xi32> to vector<1xi32>
    %squeeze3A = vector.extract %slice3A[0] : i32 from vector<1xi32>
    %slice3A_17 = vector.extract_strided_slice %get3A_16 {offsets = [1], sizes = [1], strides = [1]} : vector<16xi32> to vector<1xi32>
    %squeeze3A_18 = vector.extract %slice3A_17[0] : i32 from vector<1xi32>
    %jit3A = arith.constant 16 : i32
    %div3A = arith.divsi %squeeze3A, %jit3A : i32
    %sign3A = arith.constant 0 : i32
    %sign3A_19 = arith.cmpi sgt, %squeeze3A, %sign3A : i32
    %sign3A_20 = arith.extui %sign3A_19 : i1 to i32
    %sign3A_21 = arith.constant 0 : i32
    %sign3A_22 = arith.cmpi slt, %squeeze3A, %sign3A_21 : i32
    %sign3A_23 = arith.extui %sign3A_22 : i1 to i32
    %sign3A_24 = arith.subi %sign3A_20, %sign3A_23 : i32
    %sign3A_25 = arith.constant 0 : i32
    %sign3A_26 = arith.cmpi sgt, %jit3A, %sign3A_25 : i32
    %sign3A_27 = arith.extui %sign3A_26 : i1 to i32
    %sign3A_28 = arith.constant 0 : i32
    %sign3A_29 = arith.cmpi slt, %jit3A, %sign3A_28 : i32
    %sign3A_30 = arith.extui %sign3A_29 : i1 to i32
    %sign3A_31 = arith.subi %sign3A_27, %sign3A_30 : i32
    %ne3A = arith.cmpi ne, %sign3A_24, %sign3A_31 : i32
    %rem3A = arith.remsi %squeeze3A, %jit3A : i32
    %ne3A_32 = arith.constant 0 : i32
    %ne3A_33 = arith.cmpi ne, %rem3A, %ne3A_32 : i32
    %and3A = arith.andi %ne3A, %ne3A_33 : i1
    %sub3A = arith.constant 1 : i32
    %sub3A_34 = arith.subi %div3A, %sub3A : i32
    %select_n3A = arith.select %and3A, %sub3A_34, %div3A : i32
    %mul3A_35 = arith.constant 16 : i32
    %mul3A_36 = arith.muli %select_n3A, %mul3A_35 : i32
    %sub3A_37 = arith.subi %squeeze3A_18, %mul3A_36 : i32
    %add3A_38 = arith.constant 2048 : i32
    %add3A_39 = arith.addi %sub3A_37, %add3A_38 : i32
    %sub3A_40 = arith.constant 1 : i32
    %sub3A_41 = arith.subi %add3A_39, %sub3A_40 : i32
    %jit3A_42 = arith.constant 2048 : i32
    %div3A_43 = arith.divsi %sub3A_41, %jit3A_42 : i32
    %sign3A_44 = arith.constant 0 : i32
    %sign3A_45 = arith.cmpi sgt, %sub3A_41, %sign3A_44 : i32
    %sign3A_46 = arith.extui %sign3A_45 : i1 to i32
    %sign3A_47 = arith.constant 0 : i32
    %sign3A_48 = arith.cmpi slt, %sub3A_41, %sign3A_47 : i32
    %sign3A_49 = arith.extui %sign3A_48 : i1 to i32
    %sign3A_50 = arith.subi %sign3A_46, %sign3A_49 : i32
    %sign3A_51 = arith.constant 0 : i32
    %sign3A_52 = arith.cmpi sgt, %jit3A_42, %sign3A_51 : i32
    %sign3A_53 = arith.extui %sign3A_52 : i1 to i32
    %sign3A_54 = arith.constant 0 : i32
    %sign3A_55 = arith.cmpi slt, %jit3A_42, %sign3A_54 : i32
    %sign3A_56 = arith.extui %sign3A_55 : i1 to i32
    %sign3A_57 = arith.subi %sign3A_53, %sign3A_56 : i32
    %ne3A_58 = arith.cmpi ne, %sign3A_50, %sign3A_57 : i32
    %rem3A_59 = arith.remsi %sub3A_41, %jit3A_42 : i32
    %ne3A_60 = arith.constant 0 : i32
    %ne3A_61 = arith.cmpi ne, %rem3A_59, %ne3A_60 : i32
    %and3A_62 = arith.andi %ne3A_58, %ne3A_61 : i1
    %sub3A_63 = arith.constant 1 : i32
    %sub3A_64 = arith.subi %div3A_43, %sub3A_63 : i32
    %select_n3A_65 = arith.select %and3A_62, %sub3A_64, %div3A_43 : i32
    %broadcast_in_dim3A_66 = vector.broadcast %mul3A_2 : i32 to vector<16xi32>
    %broadcast_in_dim3A_67 = arith.constant 4096 : i32
    %broadcast_in_dim3A_68 = vector.broadcast %broadcast_in_dim3A_67 : i32 to vector<16xi32>
    %iota3A = tpu.iota {dimensions = array<i32: 0>} : vector<16xi32>
    %while3A = arith.constant 0 : i32
    %while3A_69 = arith.constant 0 : i32
    %while3A_70 = arith.subi %select_n3A_65, %while3A_69 : i32
    %while3A_71 = arith.addi %while3A_69, %while3A_70 : i32
    %while3A_72 = arith.constant 1 : i32
    %while3A_73 = arith.divsi %while3A_70, %while3A_72 : i32
    %while3A_74 = arith.muli %while3A_73, %while3A_72 : i32
    %while3A_75 = arith.addi %while3A_69, %while3A_74 : i32
    %while3A_76 = arith.constant 1 : i32
    scf.for %while3A_147 = %while3A_69 to %while3A_75 step %while3A_76  : i32 {
      %mul3A_148 = arith.constant 2048 : i32
      %mul3A_149 = arith.muli %while3A_147, %mul3A_148 : i32
      %add3A_150 = arith.addi %mul3A_36, %mul3A_149 : i32
      %min3A = arith.constant 11072 : i32
      %min3A_151 = arith.minsi %add3A_150, %min3A : i32
      "tpu.region"() ({
        %run_scoped3A = tpu.sem_alloc : memref<!tpu.dma_semaphore, #tpu.memory_space<semaphore_mem>>
        %dma_start3A_191 = tpu.memref_slice %arg2[%min3A_151] : memref<26272xi32, #tpu.memory_space<hbm>> -> memref<2064xi32, #tpu.memory_space<hbm>>
        %dma_start3A_192 = tpu.memref_slice %arg2[%min3A_151] : memref<26272xi32, #tpu.memory_space<hbm>> -> memref<2064xi32, #tpu.memory_space<hbm>>
        tpu.enqueue_dma source(%dma_start3A_192 : memref<2064xi32, #tpu.memory_space<hbm>>) target(%arg9 : memref<2064xi32, #tpu.memory_space<vmem>>) target_semaphore(%run_scoped3A : memref<!tpu.dma_semaphore, #tpu.memory_space<semaphore_mem>>)
        %dma_wait3A_193 = tpu.memref_slice %arg2[%min3A_151] : memref<26272xi32, #tpu.memory_space<hbm>> -> memref<2064xi32, #tpu.memory_space<hbm>>
        %dma_wait3A_194 = tpu.memref_slice %arg2[%min3A_151] : memref<26272xi32, #tpu.memory_space<hbm>> -> memref<2064xi32, #tpu.memory_space<hbm>>
        tpu.wait_dma2 semaphore(%run_scoped3A : memref<!tpu.dma_semaphore, #tpu.memory_space<semaphore_mem>>) src(%dma_wait3A_194 : memref<2064xi32, #tpu.memory_space<hbm>>) dst(%arg9 : memref<2064xi32, #tpu.memory_space<vmem>>)
        tpu.yield
      }) : () -> ()
      %sub3A_152 = arith.subi %squeeze3A_18, %min3A_151 : i32
      %add3A_153 = arith.constant 15 : i32
      %add3A_154 = arith.addi %sub3A_152, %add3A_153 : i32
      %jit3A_155 = arith.constant 16 : i32
      %div3A_156 = arith.divsi %add3A_154, %jit3A_155 : i32
      %sign3A_157 = arith.constant 0 : i32
      %sign3A_158 = arith.cmpi sgt, %add3A_154, %sign3A_157 : i32
      %sign3A_159 = arith.extui %sign3A_158 : i1 to i32
      %sign3A_160 = arith.constant 0 : i32
      %sign3A_161 = arith.cmpi slt, %add3A_154, %sign3A_160 : i32
      %sign3A_162 = arith.extui %sign3A_161 : i1 to i32
      %sign3A_163 = arith.subi %sign3A_159, %sign3A_162 : i32
      %sign3A_164 = arith.constant 0 : i32
      %sign3A_165 = arith.cmpi sgt, %jit3A_155, %sign3A_164 : i32
      %sign3A_166 = arith.extui %sign3A_165 : i1 to i32
      %sign3A_167 = arith.constant 0 : i32
      %sign3A_168 = arith.cmpi slt, %jit3A_155, %sign3A_167 : i32
      %sign3A_169 = arith.extui %sign3A_168 : i1 to i32
      %sign3A_170 = arith.subi %sign3A_166, %sign3A_169 : i32
      %ne3A_171 = arith.cmpi ne, %sign3A_163, %sign3A_170 : i32
      %rem3A_172 = arith.remsi %add3A_154, %jit3A_155 : i32
      %ne3A_173 = arith.constant 0 : i32
      %ne3A_174 = arith.cmpi ne, %rem3A_172, %ne3A_173 : i32
      %and3A_175 = arith.andi %ne3A_171, %ne3A_174 : i1
      %sub3A_176 = arith.constant 1 : i32
      %sub3A_177 = arith.subi %div3A_156, %sub3A_176 : i32
      %select_n3A_178 = arith.select %and3A_175, %sub3A_177, %div3A_156 : i32
      %min3A_179 = arith.constant 128 : i32
      %min3A_180 = arith.minsi %select_n3A_178, %min3A_179 : i32
      %while3A_181 = arith.constant 0 : i32
      %while3A_182 = arith.constant 0 : i32
      %while3A_183 = arith.subi %min3A_180, %while3A_182 : i32
      %while3A_184 = arith.addi %while3A_182, %while3A_183 : i32
      %while3A_185 = arith.constant 1 : i32
      %while3A_186 = arith.divsi %while3A_183, %while3A_185 : i32
      %while3A_187 = arith.muli %while3A_186, %while3A_185 : i32
      %while3A_188 = arith.addi %while3A_182, %while3A_187 : i32
      %while3A_189 = arith.constant 1 : i32
      scf.for %while3A_191 = %while3A_182 to %while3A_188 step %while3A_189  : i32 {
        %mul3A_192 = arith.constant 16 : i32
        %mul3A_193 = arith.muli %while3A_191, %mul3A_192 : i32
        %add3A_194 = arith.constant 16 : i32
        %add3A_195 = arith.addi %add3A_194, %mul3A_193 : i32
        %get3A_196 = arith.index_cast %add3A_195 : i32 to index
        %get3A_197 = tpu.vector_load %arg9[%get3A_196] {strides = array<i32>} : memref<2064xi32, #tpu.memory_space<vmem>>, vector<16xi32>,
        %mul3A_198 = arith.constant 16 : i32
        %mul3A_199 = arith.muli %while3A_191, %mul3A_198 : i32
        %add3A_200 = arith.constant 15 : i32
        %add3A_201 = arith.addi %add3A_200, %mul3A_199 : i32
        %get3A_202 = arith.index_cast %add3A_201 : i32 to index
        %get3A_203 = tpu.vector_load %arg9[%get3A_202] {strides = array<i32>} : memref<2064xi32, #tpu.memory_space<vmem>>, vector<16xi32>,
        %sub3A_204 = arith.subi %get3A_197, %broadcast_in_dim3A_66 : vector<16xi32>
        %ge3A = arith.constant 0 : i32
        %ge3A_205 = vector.broadcast %ge3A : i32 to vector<16xi32>
        %ge3A_206 = arith.cmpi sge, %sub3A_204, %ge3A_205 : vector<16xi32>
        %lt3A = arith.cmpi slt, %sub3A_204, %broadcast_in_dim3A_68 : vector<16xi32>
        %and3A_207 = arith.andi %ge3A_206, %lt3A : vector<16xi1>
        %jit3A_208 = arith.constant 0 : i32
        %broadcast_in_dim3A_209 = vector.broadcast %jit3A_208 : i32 to vector<16xi32>
        %select_n3A_210 = arith.select %and3A_207, %sub3A_204, %broadcast_in_dim3A_209 : vector<16xi1>, vector<16xi32>
        %shift_right_arithmetic3A = arith.constant 5 : i32
        %shift_right_arithmetic3A_211 = vector.broadcast %shift_right_arithmetic3A : i32 to vector<16xi32>
        %shift_right_arithmetic3A_212 = arith.shrsi %select_n3A_210, %shift_right_arithmetic3A_211 : vector<16xi32>
        %shift_right_arithmetic3A_213 = arith.constant 5 : i32
        %shift_right_arithmetic3A_214 = vector.broadcast %shift_right_arithmetic3A_213 : i32 to vector<16xi32>
        %shift_right_arithmetic3A_215 = arith.shrsi %get3A_197, %shift_right_arithmetic3A_214 : vector<16xi32>
        %shift_right_arithmetic3A_216 = arith.constant 5 : i32
        %shift_right_arithmetic3A_217 = vector.broadcast %shift_right_arithmetic3A_216 : i32 to vector<16xi32>
        %shift_right_arithmetic3A_218 = arith.shrsi %get3A_203, %shift_right_arithmetic3A_217 : vector<16xi32>
        %ne3A_219 = arith.cmpi ne, %shift_right_arithmetic3A_215, %shift_right_arithmetic3A_218 : vector<16xi32>
        %and3A_220 = arith.andi %and3A_207, %ne3A_219 : vector<16xi1>
        %mul3A_221 = arith.constant 16 : i32
        %mul3A_222 = arith.muli %while3A_191, %mul3A_221 : i32
        %add3A_223 = arith.addi %min3A_151, %mul3A_222 : i32
        %broadcast_in_dim3A_224 = vector.broadcast %add3A_223 : i32 to vector<16xi32>
        %add3A_225 = arith.addi %broadcast_in_dim3A_224, %iota3A : vector<16xi32>
        tpu.vector_store_idx %arg14[%shift_right_arithmetic3A_212], %add3A_225 masked %and3A_220 : memref<128xi32, #tpu.memory_space<vmem>>[vector<16xi32>], vector<16xi32>, vector<16xi1>
      }
      %while3A_190 = arith.constant 1 : i32
      scf.for %while3A_191 = %while3A_188 to %while3A_184 step %while3A_190  : i32 {
        %mul3A_192 = arith.constant 16 : i32
        %mul3A_193 = arith.muli %while3A_191, %mul3A_192 : i32
        %add3A_194 = arith.constant 16 : i32
        %add3A_195 = arith.addi %add3A_194, %mul3A_193 : i32
        %get3A_196 = arith.index_cast %add3A_195 : i32 to index
        %get3A_197 = tpu.vector_load %arg9[%get3A_196] {strides = array<i32>} : memref<2064xi32, #tpu.memory_space<vmem>>, vector<16xi32>,
        %mul3A_198 = arith.constant 16 : i32
        %mul3A_199 = arith.muli %while3A_191, %mul3A_198 : i32
        %add3A_200 = arith.constant 15 : i32
        %add3A_201 = arith.addi %add3A_200, %mul3A_199 : i32
        %get3A_202 = arith.index_cast %add3A_201 : i32 to index
        %get3A_203 = tpu.vector_load %arg9[%get3A_202] {strides = array<i32>} : memref<2064xi32, #tpu.memory_space<vmem>>, vector<16xi32>,
        %sub3A_204 = arith.subi %get3A_197, %broadcast_in_dim3A_66 : vector<16xi32>
        %ge3A = arith.constant 0 : i32
        %ge3A_205 = vector.broadcast %ge3A : i32 to vector<16xi32>
        %ge3A_206 = arith.cmpi sge, %sub3A_204, %ge3A_205 : vector<16xi32>
        %lt3A = arith.cmpi slt, %sub3A_204, %broadcast_in_dim3A_68 : vector<16xi32>
        %and3A_207 = arith.andi %ge3A_206, %lt3A : vector<16xi1>
        %jit3A_208 = arith.constant 0 : i32
        %broadcast_in_dim3A_209 = vector.broadcast %jit3A_208 : i32 to vector<16xi32>
        %select_n3A_210 = arith.select %and3A_207, %sub3A_204, %broadcast_in_dim3A_209 : vector<16xi1>, vector<16xi32>
        %shift_right_arithmetic3A = arith.constant 5 : i32
        %shift_right_arithmetic3A_211 = vector.broadcast %shift_right_arithmetic3A : i32 to vector<16xi32>
        %shift_right_arithmetic3A_212 = arith.shrsi %select_n3A_210, %shift_right_arithmetic3A_211 : vector<16xi32>
        %shift_right_arithmetic3A_213 = arith.constant 5 : i32
        %shift_right_arithmetic3A_214 = vector.broadcast %shift_right_arithmetic3A_213 : i32 to vector<16xi32>
        %shift_right_arithmetic3A_215 = arith.shrsi %get3A_197, %shift_right_arithmetic3A_214 : vector<16xi32>
        %shift_right_arithmetic3A_216 = arith.constant 5 : i32
        %shift_right_arithmetic3A_217 = vector.broadcast %shift_right_arithmetic3A_216 : i32 to vector<16xi32>
        %shift_right_arithmetic3A_218 = arith.shrsi %get3A_203, %shift_right_arithmetic3A_217 : vector<16xi32>
        %ne3A_219 = arith.cmpi ne, %shift_right_arithmetic3A_215, %shift_right_arithmetic3A_218 : vector<16xi32>
        %and3A_220 = arith.andi %and3A_207, %ne3A_219 : vector<16xi1>
        %mul3A_221 = arith.constant 16 : i32
        %mul3A_222 = arith.muli %while3A_191, %mul3A_221 : i32
        %add3A_223 = arith.addi %min3A_151, %mul3A_222 : i32
        %broadcast_in_dim3A_224 = vector.broadcast %add3A_223 : i32 to vector<16xi32>
        %add3A_225 = arith.addi %broadcast_in_dim3A_224, %iota3A : vector<16xi32>
        tpu.vector_store_idx %arg14[%shift_right_arithmetic3A_212], %add3A_225 masked %and3A_220 : memref<128xi32, #tpu.memory_space<vmem>>[vector<16xi32>], vector<16xi32>, vector<16xi1>
      }
    }
    %while3A_77 = arith.constant 1 : i32
    scf.for %while3A_147 = %while3A_75 to %while3A_71 step %while3A_77  : i32 {
      %mul3A_148 = arith.constant 2048 : i32
      %mul3A_149 = arith.muli %while3A_147, %mul3A_148 : i32
      %add3A_150 = arith.addi %mul3A_36, %mul3A_149 : i32
      %min3A = arith.constant 11072 : i32
      %min3A_151 = arith.minsi %add3A_150, %min3A : i32
      "tpu.region"() ({
        %run_scoped3A = tpu.sem_alloc : memref<!tpu.dma_semaphore, #tpu.memory_space<semaphore_mem>>
        %dma_start3A_191 = tpu.memref_slice %arg2[%min3A_151] : memref<26272xi32, #tpu.memory_space<hbm>> -> memref<2064xi32, #tpu.memory_space<hbm>>
        %dma_start3A_192 = tpu.memref_slice %arg2[%min3A_151] : memref<26272xi32, #tpu.memory_space<hbm>> -> memref<2064xi32, #tpu.memory_space<hbm>>
        tpu.enqueue_dma source(%dma_start3A_192 : memref<2064xi32, #tpu.memory_space<hbm>>) target(%arg9 : memref<2064xi32, #tpu.memory_space<vmem>>) target_semaphore(%run_scoped3A : memref<!tpu.dma_semaphore, #tpu.memory_space<semaphore_mem>>)
        %dma_wait3A_193 = tpu.memref_slice %arg2[%min3A_151] : memref<26272xi32, #tpu.memory_space<hbm>> -> memref<2064xi32, #tpu.memory_space<hbm>>
        %dma_wait3A_194 = tpu.memref_slice %arg2[%min3A_151] : memref<26272xi32, #tpu.memory_space<hbm>> -> memref<2064xi32, #tpu.memory_space<hbm>>
        tpu.wait_dma2 semaphore(%run_scoped3A : memref<!tpu.dma_semaphore, #tpu.memory_space<semaphore_mem>>) src(%dma_wait3A_194 : memref<2064xi32, #tpu.memory_space<hbm>>) dst(%arg9 : memref<2064xi32, #tpu.memory_space<vmem>>)
        tpu.yield
      }) : () -> ()
      %sub3A_152 = arith.subi %squeeze3A_18, %min3A_151 : i32
      %add3A_153 = arith.constant 15 : i32
      %add3A_154 = arith.addi %sub3A_152, %add3A_153 : i32
      %jit3A_155 = arith.constant 16 : i32
      %div3A_156 = arith.divsi %add3A_154, %jit3A_155 : i32
      %sign3A_157 = arith.constant 0 : i32
      %sign3A_158 = arith.cmpi sgt, %add3A_154, %sign3A_157 : i32
      %sign3A_159 = arith.extui %sign3A_158 : i1 to i32
      %sign3A_160 = arith.constant 0 : i32
      %sign3A_161 = arith.cmpi slt, %add3A_154, %sign3A_160 : i32
      %sign3A_162 = arith.extui %sign3A_161 : i1 to i32
      %sign3A_163 = arith.subi %sign3A_159, %sign3A_162 : i32
      %sign3A_164 = arith.constant 0 : i32
      %sign3A_165 = arith.cmpi sgt, %jit3A_155, %sign3A_164 : i32
      %sign3A_166 = arith.extui %sign3A_165 : i1 to i32
      %sign3A_167 = arith.constant 0 : i32
      %sign3A_168 = arith.cmpi slt, %jit3A_155, %sign3A_167 : i32
      %sign3A_169 = arith.extui %sign3A_168 : i1 to i32
      %sign3A_170 = arith.subi %sign3A_166, %sign3A_169 : i32
      %ne3A_171 = arith.cmpi ne, %sign3A_163, %sign3A_170 : i32
      %rem3A_172 = arith.remsi %add3A_154, %jit3A_155 : i32
      %ne3A_173 = arith.constant 0 : i32
      %ne3A_174 = arith.cmpi ne, %rem3A_172, %ne3A_173 : i32
      %and3A_175 = arith.andi %ne3A_171, %ne3A_174 : i1
      %sub3A_176 = arith.constant 1 : i32
      %sub3A_177 = arith.subi %div3A_156, %sub3A_176 : i32
      %select_n3A_178 = arith.select %and3A_175, %sub3A_177, %div3A_156 : i32
      %min3A_179 = arith.constant 128 : i32
      %min3A_180 = arith.minsi %select_n3A_178, %min3A_179 : i32
      %while3A_181 = arith.constant 0 : i32
      %while3A_182 = arith.constant 0 : i32
      %while3A_183 = arith.subi %min3A_180, %while3A_182 : i32
      %while3A_184 = arith.addi %while3A_182, %while3A_183 : i32
      %while3A_185 = arith.constant 1 : i32
      %while3A_186 = arith.divsi %while3A_183, %while3A_185 : i32
      %while3A_187 = arith.muli %while3A_186, %while3A_185 : i32
      %while3A_188 = arith.addi %while3A_182, %while3A_187 : i32
      %while3A_189 = arith.constant 1 : i32
      scf.for %while3A_191 = %while3A_182 to %while3A_188 step %while3A_189  : i32 {
        %mul3A_192 = arith.constant 16 : i32
        %mul3A_193 = arith.muli %while3A_191, %mul3A_192 : i32
        %add3A_194 = arith.constant 16 : i32
        %add3A_195 = arith.addi %add3A_194, %mul3A_193 : i32
        %get3A_196 = arith.index_cast %add3A_195 : i32 to index
        %get3A_197 = tpu.vector_load %arg9[%get3A_196] {strides = array<i32>} : memref<2064xi32, #tpu.memory_space<vmem>>, vector<16xi32>,
        %mul3A_198 = arith.constant 16 : i32
        %mul3A_199 = arith.muli %while3A_191, %mul3A_198 : i32
        %add3A_200 = arith.constant 15 : i32
        %add3A_201 = arith.addi %add3A_200, %mul3A_199 : i32
        %get3A_202 = arith.index_cast %add3A_201 : i32 to index
        %get3A_203 = tpu.vector_load %arg9[%get3A_202] {strides = array<i32>} : memref<2064xi32, #tpu.memory_space<vmem>>, vector<16xi32>,
        %sub3A_204 = arith.subi %get3A_197, %broadcast_in_dim3A_66 : vector<16xi32>
        %ge3A = arith.constant 0 : i32
        %ge3A_205 = vector.broadcast %ge3A : i32 to vector<16xi32>
        %ge3A_206 = arith.cmpi sge, %sub3A_204, %ge3A_205 : vector<16xi32>
        %lt3A = arith.cmpi slt, %sub3A_204, %broadcast_in_dim3A_68 : vector<16xi32>
        %and3A_207 = arith.andi %ge3A_206, %lt3A : vector<16xi1>
        %jit3A_208 = arith.constant 0 : i32
        %broadcast_in_dim3A_209 = vector.broadcast %jit3A_208 : i32 to vector<16xi32>
        %select_n3A_210 = arith.select %and3A_207, %sub3A_204, %broadcast_in_dim3A_209 : vector<16xi1>, vector<16xi32>
        %shift_right_arithmetic3A = arith.constant 5 : i32
        %shift_right_arithmetic3A_211 = vector.broadcast %shift_right_arithmetic3A : i32 to vector<16xi32>
        %shift_right_arithmetic3A_212 = arith.shrsi %select_n3A_210, %shift_right_arithmetic3A_211 : vector<16xi32>
        %shift_right_arithmetic3A_213 = arith.constant 5 : i32
        %shift_right_arithmetic3A_214 = vector.broadcast %shift_right_arithmetic3A_213 : i32 to vector<16xi32>
        %shift_right_arithmetic3A_215 = arith.shrsi %get3A_197, %shift_right_arithmetic3A_214 : vector<16xi32>
        %shift_right_arithmetic3A_216 = arith.constant 5 : i32
        %shift_right_arithmetic3A_217 = vector.broadcast %shift_right_arithmetic3A_216 : i32 to vector<16xi32>
        %shift_right_arithmetic3A_218 = arith.shrsi %get3A_203, %shift_right_arithmetic3A_217 : vector<16xi32>
        %ne3A_219 = arith.cmpi ne, %shift_right_arithmetic3A_215, %shift_right_arithmetic3A_218 : vector<16xi32>
        %and3A_220 = arith.andi %and3A_207, %ne3A_219 : vector<16xi1>
        %mul3A_221 = arith.constant 16 : i32
        %mul3A_222 = arith.muli %while3A_191, %mul3A_221 : i32
        %add3A_223 = arith.addi %min3A_151, %mul3A_222 : i32
        %broadcast_in_dim3A_224 = vector.broadcast %add3A_223 : i32 to vector<16xi32>
        %add3A_225 = arith.addi %broadcast_in_dim3A_224, %iota3A : vector<16xi32>
        tpu.vector_store_idx %arg14[%shift_right_arithmetic3A_212], %add3A_225 masked %and3A_220 : memref<128xi32, #tpu.memory_space<vmem>>[vector<16xi32>], vector<16xi32>, vector<16xi1>
      }
      %while3A_190 = arith.constant 1 : i32
      scf.for %while3A_191 = %while3A_188 to %while3A_184 step %while3A_190  : i32 {
        %mul3A_192 = arith.constant 16 : i32
        %mul3A_193 = arith.muli %while3A_191, %mul3A_192 : i32
        %add3A_194 = arith.constant 16 : i32
        %add3A_195 = arith.addi %add3A_194, %mul3A_193 : i32
        %get3A_196 = arith.index_cast %add3A_195 : i32 to index
        %get3A_197 = tpu.vector_load %arg9[%get3A_196] {strides = array<i32>} : memref<2064xi32, #tpu.memory_space<vmem>>, vector<16xi32>,
        %mul3A_198 = arith.constant 16 : i32
        %mul3A_199 = arith.muli %while3A_191, %mul3A_198 : i32
        %add3A_200 = arith.constant 15 : i32
        %add3A_201 = arith.addi %add3A_200, %mul3A_199 : i32
        %get3A_202 = arith.index_cast %add3A_201 : i32 to index
        %get3A_203 = tpu.vector_load %arg9[%get3A_202] {strides = array<i32>} : memref<2064xi32, #tpu.memory_space<vmem>>, vector<16xi32>,
        %sub3A_204 = arith.subi %get3A_197, %broadcast_in_dim3A_66 : vector<16xi32>
        %ge3A = arith.constant 0 : i32
        %ge3A_205 = vector.broadcast %ge3A : i32 to vector<16xi32>
        %ge3A_206 = arith.cmpi sge, %sub3A_204, %ge3A_205 : vector<16xi32>
        %lt3A = arith.cmpi slt, %sub3A_204, %broadcast_in_dim3A_68 : vector<16xi32>
        %and3A_207 = arith.andi %ge3A_206, %lt3A : vector<16xi1>
        %jit3A_208 = arith.constant 0 : i32
        %broadcast_in_dim3A_209 = vector.broadcast %jit3A_208 : i32 to vector<16xi32>
        %select_n3A_210 = arith.select %and3A_207, %sub3A_204, %broadcast_in_dim3A_209 : vector<16xi1>, vector<16xi32>
        %shift_right_arithmetic3A = arith.constant 5 : i32
        %shift_right_arithmetic3A_211 = vector.broadcast %shift_right_arithmetic3A : i32 to vector<16xi32>
        %shift_right_arithmetic3A_212 = arith.shrsi %select_n3A_210, %shift_right_arithmetic3A_211 : vector<16xi32>
        %shift_right_arithmetic3A_213 = arith.constant 5 : i32
        %shift_right_arithmetic3A_214 = vector.broadcast %shift_right_arithmetic3A_213 : i32 to vector<16xi32>
        %shift_right_arithmetic3A_215 = arith.shrsi %get3A_197, %shift_right_arithmetic3A_214 : vector<16xi32>
        %shift_right_arithmetic3A_216 = arith.constant 5 : i32
        %shift_right_arithmetic3A_217 = vector.broadcast %shift_right_arithmetic3A_216 : i32 to vector<16xi32>
        %shift_right_arithmetic3A_218 = arith.shrsi %get3A_203, %shift_right_arithmetic3A_217 : vector<16xi32>
        %ne3A_219 = arith.cmpi ne, %shift_right_arithmetic3A_215, %shift_right_arithmetic3A_218 : vector<16xi32>
        %and3A_220 = arith.andi %and3A_207, %ne3A_219 : vector<16xi1>
        %mul3A_221 = arith.constant 16 : i32
        %mul3A_222 = arith.muli %while3A_191, %mul3A_221 : i32
        %add3A_223 = arith.addi %min3A_151, %mul3A_222 : i32
        %broadcast_in_dim3A_224 = vector.broadcast %add3A_223 : i32 to vector<16xi32>
        %add3A_225 = arith.addi %broadcast_in_dim3A_224, %iota3A : vector<16xi32>
        tpu.vector_store_idx %arg14[%shift_right_arithmetic3A_212], %add3A_225 masked %and3A_220 : memref<128xi32, #tpu.memory_space<vmem>>[vector<16xi32>], vector<16xi32>, vector<16xi1>
      }
    }
    %dma_wait3A = tpu.memref_slice %arg3[%mul3A_2] : memref<262144xf32, #tpu.memory_space<hbm>> -> memref<4096xf32, #tpu.memory_space<hbm>>
    %dma_wait3A_78 = tpu.memref_slice %arg3[%mul3A_2] : memref<262144xf32, #tpu.memory_space<hbm>> -> memref<4096xf32, #tpu.memory_space<hbm>>
    tpu.wait_dma2 semaphore(%arg18 : memref<!tpu.dma_semaphore, #tpu.memory_space<semaphore_mem>>) src(%dma_wait3A_78 : memref<4096xf32, #tpu.memory_space<hbm>>) dst(%arg11 : memref<4096xf32, #tpu.memory_space<vmem>>)
    %dma_wait3A_79 = tpu.memref_slice %arg3[%add3A_5] : memref<262144xf32, #tpu.memory_space<hbm>> -> memref<4096xf32, #tpu.memory_space<hbm>>
    %dma_wait3A_80 = tpu.memref_slice %arg3[%add3A_5] : memref<262144xf32, #tpu.memory_space<hbm>> -> memref<4096xf32, #tpu.memory_space<hbm>>
    tpu.wait_dma2 semaphore(%arg18 : memref<!tpu.dma_semaphore, #tpu.memory_space<semaphore_mem>>) src(%dma_wait3A_80 : memref<4096xf32, #tpu.memory_space<hbm>>) dst(%arg12 : memref<4096xf32, #tpu.memory_space<vmem>>)
    %broadcast_in_dim3A_81 = arith.constant 0 : i32
    %broadcast_in_dim3A_82 = vector.broadcast %broadcast_in_dim3A_81 : i32 to vector<16xi32>
    %while3A_83 = arith.constant 0 : i32
    %while3A_84 = arith.subi %select_n3A_65, %while3A_83 : i32
    %while3A_85 = arith.addi %while3A_83, %while3A_84 : i32
    %while3A_86 = arith.constant 1 : i32
    %while3A_87 = arith.divsi %while3A_84, %while3A_86 : i32
    %while3A_88 = arith.muli %while3A_87, %while3A_86 : i32
    %while3A_89 = arith.addi %while3A_83, %while3A_88 : i32
    %while3A_90 = arith.constant 1 : i32
    %while3A_91 = scf.for %while3A_147 = %while3A_83 to %while3A_89 step %while3A_90 iter_args(%while3A_148 = %broadcast_in_dim3A_82) -> (vector<16xi32>)  : i32 {
      %mul3A_149 = arith.constant 2048 : i32
      %mul3A_150 = arith.muli %while3A_147, %mul3A_149 : i32
      %add3A_151 = arith.addi %mul3A_36, %mul3A_150 : i32
      %min3A = arith.constant 11072 : i32
      %min3A_152 = arith.minsi %add3A_151, %min3A : i32
      %gt3A = arith.constant 1 : i32
      %gt3A_153 = arith.cmpi sgt, %select_n3A_65, %gt3A : i32
      %convert_element_type3A = arith.extui %gt3A_153 : i1 to i32
      %cond3A = arith.constant 0 : i32
      %cond3A_154 = arith.cmpi ne, %convert_element_type3A, %cond3A : i32
      scf.if %cond3A_154 {
        "tpu.region"() ({
          %run_scoped3A = tpu.sem_alloc : memref<!tpu.dma_semaphore, #tpu.memory_space<semaphore_mem>>
          %dma_start3A_197 = tpu.memref_slice %arg2[%min3A_152] : memref<26272xi32, #tpu.memory_space<hbm>> -> memref<2064xi32, #tpu.memory_space<hbm>>
          %dma_start3A_198 = tpu.memref_slice %arg2[%min3A_152] : memref<26272xi32, #tpu.memory_space<hbm>> -> memref<2064xi32, #tpu.memory_space<hbm>>
          tpu.enqueue_dma source(%dma_start3A_198 : memref<2064xi32, #tpu.memory_space<hbm>>) target(%arg9 : memref<2064xi32, #tpu.memory_space<vmem>>) target_semaphore(%run_scoped3A : memref<!tpu.dma_semaphore, #tpu.memory_space<semaphore_mem>>)
          %dma_wait3A_199 = tpu.memref_slice %arg2[%min3A_152] : memref<26272xi32, #tpu.memory_space<hbm>> -> memref<2064xi32, #tpu.memory_space<hbm>>
          %dma_wait3A_200 = tpu.memref_slice %arg2[%min3A_152] : memref<26272xi32, #tpu.memory_space<hbm>> -> memref<2064xi32, #tpu.memory_space<hbm>>
          tpu.wait_dma2 semaphore(%run_scoped3A : memref<!tpu.dma_semaphore, #tpu.memory_space<semaphore_mem>>) src(%dma_wait3A_200 : memref<2064xi32, #tpu.memory_space<hbm>>) dst(%arg9 : memref<2064xi32, #tpu.memory_space<vmem>>)
          tpu.yield
        }) : () -> ()
      } else {
      }
      %add3A_155 = arith.constant 13136 : i32
      %add3A_156 = arith.addi %add3A_155, %min3A_152 : i32
      "tpu.region"() ({
        %run_scoped3A = tpu.sem_alloc : memref<!tpu.dma_semaphore, #tpu.memory_space<semaphore_mem>>
        %dma_start3A_197 = tpu.memref_slice %arg2[%add3A_156] : memref<26272xi32, #tpu.memory_space<hbm>> -> memref<2064xi32, #tpu.memory_space<hbm>>
        %dma_start3A_198 = tpu.memref_slice %arg2[%add3A_156] : memref<26272xi32, #tpu.memory_space<hbm>> -> memref<2064xi32, #tpu.memory_space<hbm>>
        tpu.enqueue_dma source(%dma_start3A_198 : memref<2064xi32, #tpu.memory_space<hbm>>) target(%arg10 : memref<2064xi32, #tpu.memory_space<vmem>>) target_semaphore(%run_scoped3A : memref<!tpu.dma_semaphore, #tpu.memory_space<semaphore_mem>>)
        %dma_wait3A_199 = tpu.memref_slice %arg2[%add3A_156] : memref<26272xi32, #tpu.memory_space<hbm>> -> memref<2064xi32, #tpu.memory_space<hbm>>
        %dma_wait3A_200 = tpu.memref_slice %arg2[%add3A_156] : memref<26272xi32, #tpu.memory_space<hbm>> -> memref<2064xi32, #tpu.memory_space<hbm>>
        tpu.wait_dma2 semaphore(%run_scoped3A : memref<!tpu.dma_semaphore, #tpu.memory_space<semaphore_mem>>) src(%dma_wait3A_200 : memref<2064xi32, #tpu.memory_space<hbm>>) dst(%arg10 : memref<2064xi32, #tpu.memory_space<vmem>>)
        tpu.yield
      }) : () -> ()
      %sub3A_157 = arith.subi %squeeze3A_18, %min3A_152 : i32
      %add3A_158 = arith.constant 15 : i32
      %add3A_159 = arith.addi %sub3A_157, %add3A_158 : i32
      %jit3A_160 = arith.constant 16 : i32
      %div3A_161 = arith.divsi %add3A_159, %jit3A_160 : i32
      %sign3A_162 = arith.constant 0 : i32
      %sign3A_163 = arith.cmpi sgt, %add3A_159, %sign3A_162 : i32
      %sign3A_164 = arith.extui %sign3A_163 : i1 to i32
      %sign3A_165 = arith.constant 0 : i32
      %sign3A_166 = arith.cmpi slt, %add3A_159, %sign3A_165 : i32
      %sign3A_167 = arith.extui %sign3A_166 : i1 to i32
      %sign3A_168 = arith.subi %sign3A_164, %sign3A_167 : i32
      %sign3A_169 = arith.constant 0 : i32
      %sign3A_170 = arith.cmpi sgt, %jit3A_160, %sign3A_169 : i32
      %sign3A_171 = arith.extui %sign3A_170 : i1 to i32
      %sign3A_172 = arith.constant 0 : i32
      %sign3A_173 = arith.cmpi slt, %jit3A_160, %sign3A_172 : i32
      %sign3A_174 = arith.extui %sign3A_173 : i1 to i32
      %sign3A_175 = arith.subi %sign3A_171, %sign3A_174 : i32
      %ne3A_176 = arith.cmpi ne, %sign3A_168, %sign3A_175 : i32
      %rem3A_177 = arith.remsi %add3A_159, %jit3A_160 : i32
      %ne3A_178 = arith.constant 0 : i32
      %ne3A_179 = arith.cmpi ne, %rem3A_177, %ne3A_178 : i32
      %and3A_180 = arith.andi %ne3A_176, %ne3A_179 : i1
      %sub3A_181 = arith.constant 1 : i32
      %sub3A_182 = arith.subi %div3A_161, %sub3A_181 : i32
      %select_n3A_183 = arith.select %and3A_180, %sub3A_182, %div3A_161 : i32
      %min3A_184 = arith.constant 128 : i32
      %min3A_185 = arith.minsi %select_n3A_183, %min3A_184 : i32
      %while3A_186 = arith.constant 0 : i32
      %while3A_187 = arith.subi %min3A_185, %while3A_186 : i32
      %while3A_188 = arith.addi %while3A_186, %while3A_187 : i32
      %while3A_189 = arith.constant 1 : i32
      %while3A_190 = arith.divsi %while3A_187, %while3A_189 : i32
      %while3A_191 = arith.muli %while3A_190, %while3A_189 : i32
      %while3A_192 = arith.addi %while3A_186, %while3A_191 : i32
      %while3A_193 = arith.constant 1 : i32
      %while3A_194 = scf.for %while3A_197 = %while3A_186 to %while3A_192 step %while3A_193 iter_args(%while3A_198 = %while3A_148) -> (vector<16xi32>)  : i32 {
        %mul3A_199 = arith.constant 16 : i32
        %mul3A_200 = arith.muli %while3A_197, %mul3A_199 : i32
        %add3A_201 = arith.constant 16 : i32
        %add3A_202 = arith.addi %add3A_201, %mul3A_200 : i32
        %get3A_203 = arith.index_cast %add3A_202 : i32 to index
        %get3A_204 = tpu.vector_load %arg9[%get3A_203] {strides = array<i32>} : memref<2064xi32, #tpu.memory_space<vmem>>, vector<16xi32>,
        %mul3A_205 = arith.constant 16 : i32
        %mul3A_206 = arith.muli %while3A_197, %mul3A_205 : i32
        %add3A_207 = arith.constant 16 : i32
        %add3A_208 = arith.addi %add3A_207, %mul3A_206 : i32
        %get3A_209 = arith.index_cast %add3A_208 : i32 to index
        %get3A_210 = tpu.vector_load %arg10[%get3A_209] {strides = array<i32>} : memref<2064xi32, #tpu.memory_space<vmem>>, vector<16xi32>,
        %bitcast3A = vector.bitcast %get3A_210 : vector<16xi32> to vector<16xf32>
        %sub3A_211 = arith.subi %get3A_204, %broadcast_in_dim3A_66 : vector<16xi32>
        %ge3A = arith.constant 0 : i32
        %ge3A_212 = vector.broadcast %ge3A : i32 to vector<16xi32>
        %ge3A_213 = arith.cmpi sge, %sub3A_211, %ge3A_212 : vector<16xi32>
        %lt3A = arith.cmpi slt, %sub3A_211, %broadcast_in_dim3A_68 : vector<16xi32>
        %and3A_214 = arith.andi %ge3A_213, %lt3A : vector<16xi1>
        %jit3A_215 = arith.constant 0 : i32
        %broadcast_in_dim3A_216 = vector.broadcast %jit3A_215 : i32 to vector<16xi32>
        %select_n3A_217 = arith.select %and3A_214, %sub3A_211, %broadcast_in_dim3A_216 : vector<16xi1>, vector<16xi32>
        %shift_right_arithmetic3A = arith.constant 5 : i32
        %shift_right_arithmetic3A_218 = vector.broadcast %shift_right_arithmetic3A : i32 to vector<16xi32>
        %shift_right_arithmetic3A_219 = arith.shrsi %select_n3A_217, %shift_right_arithmetic3A_218 : vector<16xi32>
        %gather3A = tpu.vector_load_idx %arg11[%select_n3A_217] masked %and3A_214 : memref<4096xf32, #tpu.memory_space<vmem>>[vector<16xi32>], vector<16xf32>, vector<16xi1>
        %gather3A_220 = tpu.vector_load_idx %arg12[%select_n3A_217] masked %and3A_214 : memref<4096xf32, #tpu.memory_space<vmem>>[vector<16xi32>], vector<16xf32>, vector<16xi1>
        %mul3A_221 = arith.constant 16 : i32
        %mul3A_222 = arith.muli %while3A_197, %mul3A_221 : i32
        %add3A_223 = arith.addi %min3A_152, %mul3A_222 : i32
        %broadcast_in_dim3A_224 = vector.broadcast %add3A_223 : i32 to vector<16xi32>
        %add3A_225 = arith.addi %broadcast_in_dim3A_224, %iota3A : vector<16xi32>
        %gather3A_226 = tpu.vector_load_idx %arg14[%shift_right_arithmetic3A_219] masked %and3A_214 : memref<128xi32, #tpu.memory_space<vmem>>[vector<16xi32>], vector<16xi32>, vector<16xi1>
        %sub3A_227 = arith.subi %add3A_225, %gather3A_226 : vector<16xi32>
        %jit3A_228 = arith.constant 0 : i32
        %broadcast_in_dim3A_229 = vector.broadcast %jit3A_228 : i32 to vector<16xi32>
        %select_n3A_230 = arith.select %and3A_214, %sub3A_227, %broadcast_in_dim3A_229 : vector<16xi1>, vector<16xi32>
        %and3A_231 = arith.constant 31 : i32
        %and3A_232 = vector.broadcast %and3A_231 : i32 to vector<16xi32>
        %and3A_233 = arith.andi %select_n3A_217, %and3A_232 : vector<16xi32>
        %shift_right_arithmetic3A_234 = arith.constant 1 : i32
        %shift_right_arithmetic3A_235 = vector.broadcast %shift_right_arithmetic3A_234 : i32 to vector<16xi32>
        %shift_right_arithmetic3A_236 = arith.shrsi %and3A_233, %shift_right_arithmetic3A_235 : vector<16xi32>
        %mul3A_237 = arith.mulf %bitcast3A, %gather3A : vector<16xf32>
        tpu.vector_store_idx %arg15[%select_n3A_230, %shift_right_arithmetic3A_219], %mul3A_237 masked %and3A_214 : memref<32x128xf32, #tpu.memory_space<vmem>>[vector<16xi32>, vector<16xi32>], vector<16xf32>, vector<16xi1>
        %mul3A_238 = arith.mulf %gather3A_220, %gather3A : vector<16xf32>
        tpu.vector_store_idx %arg16[%select_n3A_230, %shift_right_arithmetic3A_219], %mul3A_238 masked %and3A_214 : memref<32x128xf32, #tpu.memory_space<vmem>>[vector<16xi32>, vector<16xi32>], vector<16xf32>, vector<16xi1>
        tpu.vector_store_idx %arg17[%select_n3A_230, %shift_right_arithmetic3A_219], %shift_right_arithmetic3A_236 masked %and3A_214 : memref<32x128xi32, #tpu.memory_space<vmem>>[vector<16xi32>, vector<16xi32>], vector<16xi32>, vector<16xi1>
        %ge3A_239 = arith.constant 12 : i32
        %ge3A_240 = vector.broadcast %ge3A_239 : i32 to vector<16xi32>
        %ge3A_241 = arith.cmpi sge, %select_n3A_230, %ge3A_240 : vector<16xi32>
        %and3A_242 = arith.andi %and3A_214, %ge3A_241 : vector<16xi1>
        %jit3A_243 = arith.constant 1 : i32
        %jit3A_244 = arith.constant 0 : i32
        %broadcast_in_dim3A_245 = vector.broadcast %jit3A_243 : i32 to vector<16xi32>
        %broadcast_in_dim3A_246 = vector.broadcast %jit3A_244 : i32 to vector<16xi32>
        %select_n3A_247 = arith.select %and3A_242, %broadcast_in_dim3A_245, %broadcast_in_dim3A_246 : vector<16xi1>, vector<16xi32>
        %or3A = arith.ori %while3A_198, %select_n3A_247 : vector<16xi32>
        scf.yield %or3A : vector<16xi32>
      }
      %while3A_195 = arith.constant 1 : i32
      %while3A_196 = scf.for %while3A_197 = %while3A_192 to %while3A_188 step %while3A_195 iter_args(%while3A_198 = %while3A_194) -> (vector<16xi32>)  : i32 {
        %mul3A_199 = arith.constant 16 : i32
        %mul3A_200 = arith.muli %while3A_197, %mul3A_199 : i32
        %add3A_201 = arith.constant 16 : i32
        %add3A_202 = arith.addi %add3A_201, %mul3A_200 : i32
        %get3A_203 = arith.index_cast %add3A_202 : i32 to index
        %get3A_204 = tpu.vector_load %arg9[%get3A_203] {strides = array<i32>} : memref<2064xi32, #tpu.memory_space<vmem>>, vector<16xi32>,
        %mul3A_205 = arith.constant 16 : i32
        %mul3A_206 = arith.muli %while3A_197, %mul3A_205 : i32
        %add3A_207 = arith.constant 16 : i32
        %add3A_208 = arith.addi %add3A_207, %mul3A_206 : i32
        %get3A_209 = arith.index_cast %add3A_208 : i32 to index
        %get3A_210 = tpu.vector_load %arg10[%get3A_209] {strides = array<i32>} : memref<2064xi32, #tpu.memory_space<vmem>>, vector<16xi32>,
        %bitcast3A = vector.bitcast %get3A_210 : vector<16xi32> to vector<16xf32>
        %sub3A_211 = arith.subi %get3A_204, %broadcast_in_dim3A_66 : vector<16xi32>
        %ge3A = arith.constant 0 : i32
        %ge3A_212 = vector.broadcast %ge3A : i32 to vector<16xi32>
        %ge3A_213 = arith.cmpi sge, %sub3A_211, %ge3A_212 : vector<16xi32>
        %lt3A = arith.cmpi slt, %sub3A_211, %broadcast_in_dim3A_68 : vector<16xi32>
        %and3A_214 = arith.andi %ge3A_213, %lt3A : vector<16xi1>
        %jit3A_215 = arith.constant 0 : i32
        %broadcast_in_dim3A_216 = vector.broadcast %jit3A_215 : i32 to vector<16xi32>
        %select_n3A_217 = arith.select %and3A_214, %sub3A_211, %broadcast_in_dim3A_216 : vector<16xi1>, vector<16xi32>
        %shift_right_arithmetic3A = arith.constant 5 : i32
        %shift_right_arithmetic3A_218 = vector.broadcast %shift_right_arithmetic3A : i32 to vector<16xi32>
        %shift_right_arithmetic3A_219 = arith.shrsi %select_n3A_217, %shift_right_arithmetic3A_218 : vector<16xi32>
        %gather3A = tpu.vector_load_idx %arg11[%select_n3A_217] masked %and3A_214 : memref<4096xf32, #tpu.memory_space<vmem>>[vector<16xi32>], vector<16xf32>, vector<16xi1>
        %gather3A_220 = tpu.vector_load_idx %arg12[%select_n3A_217] masked %and3A_214 : memref<4096xf32, #tpu.memory_space<vmem>>[vector<16xi32>], vector<16xf32>, vector<16xi1>
        %mul3A_221 = arith.constant 16 : i32
        %mul3A_222 = arith.muli %while3A_197, %mul3A_221 : i32
        %add3A_223 = arith.addi %min3A_152, %mul3A_222 : i32
        %broadcast_in_dim3A_224 = vector.broadcast %add3A_223 : i32 to vector<16xi32>
        %add3A_225 = arith.addi %broadcast_in_dim3A_224, %iota3A : vector<16xi32>
        %gather3A_226 = tpu.vector_load_idx %arg14[%shift_right_arithmetic3A_219] masked %and3A_214 : memref<128xi32, #tpu.memory_space<vmem>>[vector<16xi32>], vector<16xi32>, vector<16xi1>
        %sub3A_227 = arith.subi %add3A_225, %gather3A_226 : vector<16xi32>
        %jit3A_228 = arith.constant 0 : i32
        %broadcast_in_dim3A_229 = vector.broadcast %jit3A_228 : i32 to vector<16xi32>
        %select_n3A_230 = arith.select %and3A_214, %sub3A_227, %broadcast_in_dim3A_229 : vector<16xi1>, vector<16xi32>
        %and3A_231 = arith.constant 31 : i32
        %and3A_232 = vector.broadcast %and3A_231 : i32 to vector<16xi32>
        %and3A_233 = arith.andi %select_n3A_217, %and3A_232 : vector<16xi32>
        %shift_right_arithmetic3A_234 = arith.constant 1 : i32
        %shift_right_arithmetic3A_235 = vector.broadcast %shift_right_arithmetic3A_234 : i32 to vector<16xi32>
        %shift_right_arithmetic3A_236 = arith.shrsi %and3A_233, %shift_right_arithmetic3A_235 : vector<16xi32>
        %mul3A_237 = arith.mulf %bitcast3A, %gather3A : vector<16xf32>
        tpu.vector_store_idx %arg15[%select_n3A_230, %shift_right_arithmetic3A_219], %mul3A_237 masked %and3A_214 : memref<32x128xf32, #tpu.memory_space<vmem>>[vector<16xi32>, vector<16xi32>], vector<16xf32>, vector<16xi1>
        %mul3A_238 = arith.mulf %gather3A_220, %gather3A : vector<16xf32>
        tpu.vector_store_idx %arg16[%select_n3A_230, %shift_right_arithmetic3A_219], %mul3A_238 masked %and3A_214 : memref<32x128xf32, #tpu.memory_space<vmem>>[vector<16xi32>, vector<16xi32>], vector<16xf32>, vector<16xi1>
        tpu.vector_store_idx %arg17[%select_n3A_230, %shift_right_arithmetic3A_219], %shift_right_arithmetic3A_236 masked %and3A_214 : memref<32x128xi32, #tpu.memory_space<vmem>>[vector<16xi32>, vector<16xi32>], vector<16xi32>, vector<16xi1>
        %ge3A_239 = arith.constant 12 : i32
        %ge3A_240 = vector.broadcast %ge3A_239 : i32 to vector<16xi32>
        %ge3A_241 = arith.cmpi sge, %select_n3A_230, %ge3A_240 : vector<16xi32>
        %and3A_242 = arith.andi %and3A_214, %ge3A_241 : vector<16xi1>
        %jit3A_243 = arith.constant 1 : i32
        %jit3A_244 = arith.constant 0 : i32
        %broadcast_in_dim3A_245 = vector.broadcast %jit3A_243 : i32 to vector<16xi32>
        %broadcast_in_dim3A_246 = vector.broadcast %jit3A_244 : i32 to vector<16xi32>
        %select_n3A_247 = arith.select %and3A_242, %broadcast_in_dim3A_245, %broadcast_in_dim3A_246 : vector<16xi1>, vector<16xi32>
        %or3A = arith.ori %while3A_198, %select_n3A_247 : vector<16xi32>
        scf.yield %or3A : vector<16xi32>
      }
      scf.yield %while3A_196 : vector<16xi32>
    }
    %while3A_92 = arith.constant 1 : i32
    %while3A_93 = scf.for %while3A_147 = %while3A_89 to %while3A_85 step %while3A_92 iter_args(%while3A_148 = %while3A_91) -> (vector<16xi32>)  : i32 {
      %mul3A_149 = arith.constant 2048 : i32
      %mul3A_150 = arith.muli %while3A_147, %mul3A_149 : i32
      %add3A_151 = arith.addi %mul3A_36, %mul3A_150 : i32
      %min3A = arith.constant 11072 : i32
      %min3A_152 = arith.minsi %add3A_151, %min3A : i32
      %gt3A = arith.constant 1 : i32
      %gt3A_153 = arith.cmpi sgt, %select_n3A_65, %gt3A : i32
      %convert_element_type3A = arith.extui %gt3A_153 : i1 to i32
      %cond3A = arith.constant 0 : i32
      %cond3A_154 = arith.cmpi ne, %convert_element_type3A, %cond3A : i32
      scf.if %cond3A_154 {
        "tpu.region"() ({
          %run_scoped3A = tpu.sem_alloc : memref<!tpu.dma_semaphore, #tpu.memory_space<semaphore_mem>>
          %dma_start3A_197 = tpu.memref_slice %arg2[%min3A_152] : memref<26272xi32, #tpu.memory_space<hbm>> -> memref<2064xi32, #tpu.memory_space<hbm>>
          %dma_start3A_198 = tpu.memref_slice %arg2[%min3A_152] : memref<26272xi32, #tpu.memory_space<hbm>> -> memref<2064xi32, #tpu.memory_space<hbm>>
          tpu.enqueue_dma source(%dma_start3A_198 : memref<2064xi32, #tpu.memory_space<hbm>>) target(%arg9 : memref<2064xi32, #tpu.memory_space<vmem>>) target_semaphore(%run_scoped3A : memref<!tpu.dma_semaphore, #tpu.memory_space<semaphore_mem>>)
          %dma_wait3A_199 = tpu.memref_slice %arg2[%min3A_152] : memref<26272xi32, #tpu.memory_space<hbm>> -> memref<2064xi32, #tpu.memory_space<hbm>>
          %dma_wait3A_200 = tpu.memref_slice %arg2[%min3A_152] : memref<26272xi32, #tpu.memory_space<hbm>> -> memref<2064xi32, #tpu.memory_space<hbm>>
          tpu.wait_dma2 semaphore(%run_scoped3A : memref<!tpu.dma_semaphore, #tpu.memory_space<semaphore_mem>>) src(%dma_wait3A_200 : memref<2064xi32, #tpu.memory_space<hbm>>) dst(%arg9 : memref<2064xi32, #tpu.memory_space<vmem>>)
          tpu.yield
        }) : () -> ()
      } else {
      }
      %add3A_155 = arith.constant 13136 : i32
      %add3A_156 = arith.addi %add3A_155, %min3A_152 : i32
      "tpu.region"() ({
        %run_scoped3A = tpu.sem_alloc : memref<!tpu.dma_semaphore, #tpu.memory_space<semaphore_mem>>
        %dma_start3A_197 = tpu.memref_slice %arg2[%add3A_156] : memref<26272xi32, #tpu.memory_space<hbm>> -> memref<2064xi32, #tpu.memory_space<hbm>>
        %dma_start3A_198 = tpu.memref_slice %arg2[%add3A_156] : memref<26272xi32, #tpu.memory_space<hbm>> -> memref<2064xi32, #tpu.memory_space<hbm>>
        tpu.enqueue_dma source(%dma_start3A_198 : memref<2064xi32, #tpu.memory_space<hbm>>) target(%arg10 : memref<2064xi32, #tpu.memory_space<vmem>>) target_semaphore(%run_scoped3A : memref<!tpu.dma_semaphore, #tpu.memory_space<semaphore_mem>>)
        %dma_wait3A_199 = tpu.memref_slice %arg2[%add3A_156] : memref<26272xi32, #tpu.memory_space<hbm>> -> memref<2064xi32, #tpu.memory_space<hbm>>
        %dma_wait3A_200 = tpu.memref_slice %arg2[%add3A_156] : memref<26272xi32, #tpu.memory_space<hbm>> -> memref<2064xi32, #tpu.memory_space<hbm>>
        tpu.wait_dma2 semaphore(%run_scoped3A : memref<!tpu.dma_semaphore, #tpu.memory_space<semaphore_mem>>) src(%dma_wait3A_200 : memref<2064xi32, #tpu.memory_space<hbm>>) dst(%arg10 : memref<2064xi32, #tpu.memory_space<vmem>>)
        tpu.yield
      }) : () -> ()
      %sub3A_157 = arith.subi %squeeze3A_18, %min3A_152 : i32
      %add3A_158 = arith.constant 15 : i32
      %add3A_159 = arith.addi %sub3A_157, %add3A_158 : i32
      %jit3A_160 = arith.constant 16 : i32
      %div3A_161 = arith.divsi %add3A_159, %jit3A_160 : i32
      %sign3A_162 = arith.constant 0 : i32
      %sign3A_163 = arith.cmpi sgt, %add3A_159, %sign3A_162 : i32
      %sign3A_164 = arith.extui %sign3A_163 : i1 to i32
      %sign3A_165 = arith.constant 0 : i32
      %sign3A_166 = arith.cmpi slt, %add3A_159, %sign3A_165 : i32
      %sign3A_167 = arith.extui %sign3A_166 : i1 to i32
      %sign3A_168 = arith.subi %sign3A_164, %sign3A_167 : i32
      %sign3A_169 = arith.constant 0 : i32
      %sign3A_170 = arith.cmpi sgt, %jit3A_160, %sign3A_169 : i32
      %sign3A_171 = arith.extui %sign3A_170 : i1 to i32
      %sign3A_172 = arith.constant 0 : i32
      %sign3A_173 = arith.cmpi slt, %jit3A_160, %sign3A_172 : i32
      %sign3A_174 = arith.extui %sign3A_173 : i1 to i32
      %sign3A_175 = arith.subi %sign3A_171, %sign3A_174 : i32
      %ne3A_176 = arith.cmpi ne, %sign3A_168, %sign3A_175 : i32
      %rem3A_177 = arith.remsi %add3A_159, %jit3A_160 : i32
      %ne3A_178 = arith.constant 0 : i32
      %ne3A_179 = arith.cmpi ne, %rem3A_177, %ne3A_178 : i32
      %and3A_180 = arith.andi %ne3A_176, %ne3A_179 : i1
      %sub3A_181 = arith.constant 1 : i32
      %sub3A_182 = arith.subi %div3A_161, %sub3A_181 : i32
      %select_n3A_183 = arith.select %and3A_180, %sub3A_182, %div3A_161 : i32
      %min3A_184 = arith.constant 128 : i32
      %min3A_185 = arith.minsi %select_n3A_183, %min3A_184 : i32
      %while3A_186 = arith.constant 0 : i32
      %while3A_187 = arith.subi %min3A_185, %while3A_186 : i32
      %while3A_188 = arith.addi %while3A_186, %while3A_187 : i32
      %while3A_189 = arith.constant 1 : i32
      %while3A_190 = arith.divsi %while3A_187, %while3A_189 : i32
      %while3A_191 = arith.muli %while3A_190, %while3A_189 : i32
      %while3A_192 = arith.addi %while3A_186, %while3A_191 : i32
      %while3A_193 = arith.constant 1 : i32
      %while3A_194 = scf.for %while3A_197 = %while3A_186 to %while3A_192 step %while3A_193 iter_args(%while3A_198 = %while3A_148) -> (vector<16xi32>)  : i32 {
        %mul3A_199 = arith.constant 16 : i32
        %mul3A_200 = arith.muli %while3A_197, %mul3A_199 : i32
        %add3A_201 = arith.constant 16 : i32
        %add3A_202 = arith.addi %add3A_201, %mul3A_200 : i32
        %get3A_203 = arith.index_cast %add3A_202 : i32 to index
        %get3A_204 = tpu.vector_load %arg9[%get3A_203] {strides = array<i32>} : memref<2064xi32, #tpu.memory_space<vmem>>, vector<16xi32>,
        %mul3A_205 = arith.constant 16 : i32
        %mul3A_206 = arith.muli %while3A_197, %mul3A_205 : i32
        %add3A_207 = arith.constant 16 : i32
        %add3A_208 = arith.addi %add3A_207, %mul3A_206 : i32
        %get3A_209 = arith.index_cast %add3A_208 : i32 to index
        %get3A_210 = tpu.vector_load %arg10[%get3A_209] {strides = array<i32>} : memref<2064xi32, #tpu.memory_space<vmem>>, vector<16xi32>,
        %bitcast3A = vector.bitcast %get3A_210 : vector<16xi32> to vector<16xf32>
        %sub3A_211 = arith.subi %get3A_204, %broadcast_in_dim3A_66 : vector<16xi32>
        %ge3A = arith.constant 0 : i32
        %ge3A_212 = vector.broadcast %ge3A : i32 to vector<16xi32>
        %ge3A_213 = arith.cmpi sge, %sub3A_211, %ge3A_212 : vector<16xi32>
        %lt3A = arith.cmpi slt, %sub3A_211, %broadcast_in_dim3A_68 : vector<16xi32>
        %and3A_214 = arith.andi %ge3A_213, %lt3A : vector<16xi1>
        %jit3A_215 = arith.constant 0 : i32
        %broadcast_in_dim3A_216 = vector.broadcast %jit3A_215 : i32 to vector<16xi32>
        %select_n3A_217 = arith.select %and3A_214, %sub3A_211, %broadcast_in_dim3A_216 : vector<16xi1>, vector<16xi32>
        %shift_right_arithmetic3A = arith.constant 5 : i32
        %shift_right_arithmetic3A_218 = vector.broadcast %shift_right_arithmetic3A : i32 to vector<16xi32>
        %shift_right_arithmetic3A_219 = arith.shrsi %select_n3A_217, %shift_right_arithmetic3A_218 : vector<16xi32>
        %gather3A = tpu.vector_load_idx %arg11[%select_n3A_217] masked %and3A_214 : memref<4096xf32, #tpu.memory_space<vmem>>[vector<16xi32>], vector<16xf32>, vector<16xi1>
        %gather3A_220 = tpu.vector_load_idx %arg12[%select_n3A_217] masked %and3A_214 : memref<4096xf32, #tpu.memory_space<vmem>>[vector<16xi32>], vector<16xf32>, vector<16xi1>
        %mul3A_221 = arith.constant 16 : i32
        %mul3A_222 = arith.muli %while3A_197, %mul3A_221 : i32
        %add3A_223 = arith.addi %min3A_152, %mul3A_222 : i32
        %broadcast_in_dim3A_224 = vector.broadcast %add3A_223 : i32 to vector<16xi32>
        %add3A_225 = arith.addi %broadcast_in_dim3A_224, %iota3A : vector<16xi32>
        %gather3A_226 = tpu.vector_load_idx %arg14[%shift_right_arithmetic3A_219] masked %and3A_214 : memref<128xi32, #tpu.memory_space<vmem>>[vector<16xi32>], vector<16xi32>, vector<16xi1>
        %sub3A_227 = arith.subi %add3A_225, %gather3A_226 : vector<16xi32>
        %jit3A_228 = arith.constant 0 : i32
        %broadcast_in_dim3A_229 = vector.broadcast %jit3A_228 : i32 to vector<16xi32>
        %select_n3A_230 = arith.select %and3A_214, %sub3A_227, %broadcast_in_dim3A_229 : vector<16xi1>, vector<16xi32>
        %and3A_231 = arith.constant 31 : i32
        %and3A_232 = vector.broadcast %and3A_231 : i32 to vector<16xi32>
        %and3A_233 = arith.andi %select_n3A_217, %and3A_232 : vector<16xi32>
        %shift_right_arithmetic3A_234 = arith.constant 1 : i32
        %shift_right_arithmetic3A_235 = vector.broadcast %shift_right_arithmetic3A_234 : i32 to vector<16xi32>
        %shift_right_arithmetic3A_236 = arith.shrsi %and3A_233, %shift_right_arithmetic3A_235 : vector<16xi32>
        %mul3A_237 = arith.mulf %bitcast3A, %gather3A : vector<16xf32>
        tpu.vector_store_idx %arg15[%select_n3A_230, %shift_right_arithmetic3A_219], %mul3A_237 masked %and3A_214 : memref<32x128xf32, #tpu.memory_space<vmem>>[vector<16xi32>, vector<16xi32>], vector<16xf32>, vector<16xi1>
        %mul3A_238 = arith.mulf %gather3A_220, %gather3A : vector<16xf32>
        tpu.vector_store_idx %arg16[%select_n3A_230, %shift_right_arithmetic3A_219], %mul3A_238 masked %and3A_214 : memref<32x128xf32, #tpu.memory_space<vmem>>[vector<16xi32>, vector<16xi32>], vector<16xf32>, vector<16xi1>
        tpu.vector_store_idx %arg17[%select_n3A_230, %shift_right_arithmetic3A_219], %shift_right_arithmetic3A_236 masked %and3A_214 : memref<32x128xi32, #tpu.memory_space<vmem>>[vector<16xi32>, vector<16xi32>], vector<16xi32>, vector<16xi1>
        %ge3A_239 = arith.constant 12 : i32
        %ge3A_240 = vector.broadcast %ge3A_239 : i32 to vector<16xi32>
        %ge3A_241 = arith.cmpi sge, %select_n3A_230, %ge3A_240 : vector<16xi32>
        %and3A_242 = arith.andi %and3A_214, %ge3A_241 : vector<16xi1>
        %jit3A_243 = arith.constant 1 : i32
        %jit3A_244 = arith.constant 0 : i32
        %broadcast_in_dim3A_245 = vector.broadcast %jit3A_243 : i32 to vector<16xi32>
        %broadcast_in_dim3A_246 = vector.broadcast %jit3A_244 : i32 to vector<16xi32>
        %select_n3A_247 = arith.select %and3A_242, %broadcast_in_dim3A_245, %broadcast_in_dim3A_246 : vector<16xi1>, vector<16xi32>
        %or3A = arith.ori %while3A_198, %select_n3A_247 : vector<16xi32>
        scf.yield %or3A : vector<16xi32>
      }
      %while3A_195 = arith.constant 1 : i32
      %while3A_196 = scf.for %while3A_197 = %while3A_192 to %while3A_188 step %while3A_195 iter_args(%while3A_198 = %while3A_194) -> (vector<16xi32>)  : i32 {
        %mul3A_199 = arith.constant 16 : i32
        %mul3A_200 = arith.muli %while3A_197, %mul3A_199 : i32
        %add3A_201 = arith.constant 16 : i32
        %add3A_202 = arith.addi %add3A_201, %mul3A_200 : i32
        %get3A_203 = arith.index_cast %add3A_202 : i32 to index
        %get3A_204 = tpu.vector_load %arg9[%get3A_203] {strides = array<i32>} : memref<2064xi32, #tpu.memory_space<vmem>>, vector<16xi32>,
        %mul3A_205 = arith.constant 16 : i32
        %mul3A_206 = arith.muli %while3A_197, %mul3A_205 : i32
        %add3A_207 = arith.constant 16 : i32
        %add3A_208 = arith.addi %add3A_207, %mul3A_206 : i32
        %get3A_209 = arith.index_cast %add3A_208 : i32 to index
        %get3A_210 = tpu.vector_load %arg10[%get3A_209] {strides = array<i32>} : memref<2064xi32, #tpu.memory_space<vmem>>, vector<16xi32>,
        %bitcast3A = vector.bitcast %get3A_210 : vector<16xi32> to vector<16xf32>
        %sub3A_211 = arith.subi %get3A_204, %broadcast_in_dim3A_66 : vector<16xi32>
        %ge3A = arith.constant 0 : i32
        %ge3A_212 = vector.broadcast %ge3A : i32 to vector<16xi32>
        %ge3A_213 = arith.cmpi sge, %sub3A_211, %ge3A_212 : vector<16xi32>
        %lt3A = arith.cmpi slt, %sub3A_211, %broadcast_in_dim3A_68 : vector<16xi32>
        %and3A_214 = arith.andi %ge3A_213, %lt3A : vector<16xi1>
        %jit3A_215 = arith.constant 0 : i32
        %broadcast_in_dim3A_216 = vector.broadcast %jit3A_215 : i32 to vector<16xi32>
        %select_n3A_217 = arith.select %and3A_214, %sub3A_211, %broadcast_in_dim3A_216 : vector<16xi1>, vector<16xi32>
        %shift_right_arithmetic3A = arith.constant 5 : i32
        %shift_right_arithmetic3A_218 = vector.broadcast %shift_right_arithmetic3A : i32 to vector<16xi32>
        %shift_right_arithmetic3A_219 = arith.shrsi %select_n3A_217, %shift_right_arithmetic3A_218 : vector<16xi32>
        %gather3A = tpu.vector_load_idx %arg11[%select_n3A_217] masked %and3A_214 : memref<4096xf32, #tpu.memory_space<vmem>>[vector<16xi32>], vector<16xf32>, vector<16xi1>
        %gather3A_220 = tpu.vector_load_idx %arg12[%select_n3A_217] masked %and3A_214 : memref<4096xf32, #tpu.memory_space<vmem>>[vector<16xi32>], vector<16xf32>, vector<16xi1>
        %mul3A_221 = arith.constant 16 : i32
        %mul3A_222 = arith.muli %while3A_197, %mul3A_221 : i32
        %add3A_223 = arith.addi %min3A_152, %mul3A_222 : i32
        %broadcast_in_dim3A_224 = vector.broadcast %add3A_223 : i32 to vector<16xi32>
        %add3A_225 = arith.addi %broadcast_in_dim3A_224, %iota3A : vector<16xi32>
        %gather3A_226 = tpu.vector_load_idx %arg14[%shift_right_arithmetic3A_219] masked %and3A_214 : memref<128xi32, #tpu.memory_space<vmem>>[vector<16xi32>], vector<16xi32>, vector<16xi1>
        %sub3A_227 = arith.subi %add3A_225, %gather3A_226 : vector<16xi32>
        %jit3A_228 = arith.constant 0 : i32
        %broadcast_in_dim3A_229 = vector.broadcast %jit3A_228 : i32 to vector<16xi32>
        %select_n3A_230 = arith.select %and3A_214, %sub3A_227, %broadcast_in_dim3A_229 : vector<16xi1>, vector<16xi32>
        %and3A_231 = arith.constant 31 : i32
        %and3A_232 = vector.broadcast %and3A_231 : i32 to vector<16xi32>
        %and3A_233 = arith.andi %select_n3A_217, %and3A_232 : vector<16xi32>
        %shift_right_arithmetic3A_234 = arith.constant 1 : i32
        %shift_right_arithmetic3A_235 = vector.broadcast %shift_right_arithmetic3A_234 : i32 to vector<16xi32>
        %shift_right_arithmetic3A_236 = arith.shrsi %and3A_233, %shift_right_arithmetic3A_235 : vector<16xi32>
        %mul3A_237 = arith.mulf %bitcast3A, %gather3A : vector<16xf32>
        tpu.vector_store_idx %arg15[%select_n3A_230, %shift_right_arithmetic3A_219], %mul3A_237 masked %and3A_214 : memref<32x128xf32, #tpu.memory_space<vmem>>[vector<16xi32>, vector<16xi32>], vector<16xf32>, vector<16xi1>
        %mul3A_238 = arith.mulf %gather3A_220, %gather3A : vector<16xf32>
        tpu.vector_store_idx %arg16[%select_n3A_230, %shift_right_arithmetic3A_219], %mul3A_238 masked %and3A_214 : memref<32x128xf32, #tpu.memory_space<vmem>>[vector<16xi32>, vector<16xi32>], vector<16xf32>, vector<16xi1>
        tpu.vector_store_idx %arg17[%select_n3A_230, %shift_right_arithmetic3A_219], %shift_right_arithmetic3A_236 masked %and3A_214 : memref<32x128xi32, #tpu.memory_space<vmem>>[vector<16xi32>, vector<16xi32>], vector<16xi32>, vector<16xi1>
        %ge3A_239 = arith.constant 12 : i32
        %ge3A_240 = vector.broadcast %ge3A_239 : i32 to vector<16xi32>
        %ge3A_241 = arith.cmpi sge, %select_n3A_230, %ge3A_240 : vector<16xi32>
        %and3A_242 = arith.andi %and3A_214, %ge3A_241 : vector<16xi1>
        %jit3A_243 = arith.constant 1 : i32
        %jit3A_244 = arith.constant 0 : i32
        %broadcast_in_dim3A_245 = vector.broadcast %jit3A_243 : i32 to vector<16xi32>
        %broadcast_in_dim3A_246 = vector.broadcast %jit3A_244 : i32 to vector<16xi32>
        %select_n3A_247 = arith.select %and3A_242, %broadcast_in_dim3A_245, %broadcast_in_dim3A_246 : vector<16xi1>, vector<16xi32>
        %or3A = arith.ori %while3A_198, %select_n3A_247 : vector<16xi32>
        scf.yield %or3A : vector<16xi32>
      }
      scf.yield %while3A_196 : vector<16xi32>
    }
    %reduce_max3A = arith.constant true
    %reduce_max3A_94 = vector.broadcast %reduce_max3A : i1 to vector<16xi1>
    %reduce_max3A_95 = arith.constant -2147483648 : i32
    %reduce_max3A_96 = vector.broadcast %reduce_max3A_95 : i32 to vector<16xi32>
    %reduce_max3A_97 = arith.xori %while3A_93, %reduce_max3A_96 : vector<16xi32>
    %reduce_max3A_98 = tpu.scan <max>, %reduce_max3A_97 masked %reduce_max3A_94 : vector<16xi32>, vector<16xi1> -> vector<16xi32>
    %reduce_max3A_99 = arith.xori %reduce_max3A_98, %reduce_max3A_96 : vector<16xi32>
    %reduce_max3A_100 = vector.extract %reduce_max3A_99[15] : i32 from vector<16xi32>
    %broadcast_in_dim3A_101 = vector.broadcast %reduce_max3A_100 : i32 to vector<16xi32>
    %swap3A = arith.constant 0 : index
    %swap3A_102 = tpu.vector_load %arg14[%swap3A] {strides = array<i32>} : memref<128xi32, #tpu.memory_space<vmem>>, vector<16xi32>,
    tpu.vector_store %arg14[%swap3A], %broadcast_in_dim3A_101 {strides = array<i32>} : memref<128xi32, #tpu.memory_space<vmem>>, vector<16xi32>,
    %mul3A_103 = arith.constant 128 : i32
    %mul3A_104 = arith.muli %add3A, %mul3A_103 : i32
    %dma_start3A_105 = arith.constant 0 : i32
    %dma_start3A_106 = tpu.memref_slice %arg5[%dma_start3A_105, %mul3A_104] : memref<32x4096xf32, #tpu.memory_space<hbm>> -> memref<32x128xf32, #tpu.memory_space<hbm>>
    %dma_start3A_107 = arith.constant 0 : i32
    %dma_start3A_108 = tpu.memref_slice %arg5[%dma_start3A_107, %mul3A_104] : memref<32x4096xf32, #tpu.memory_space<hbm>> -> memref<32x128xf32, #tpu.memory_space<hbm>>
    tpu.enqueue_dma source(%arg15 : memref<32x128xf32, #tpu.memory_space<vmem>>) target(%dma_start3A_108 : memref<32x128xf32, #tpu.memory_space<hbm>>) target_semaphore(%arg18 : memref<!tpu.dma_semaphore, #tpu.memory_space<semaphore_mem>>)
    %mul3A_109 = arith.constant 128 : i32
    %mul3A_110 = arith.muli %add3A, %mul3A_109 : i32
    %dma_start3A_111 = arith.constant 0 : i32
    %dma_start3A_112 = tpu.memref_slice %arg6[%dma_start3A_111, %mul3A_110] : memref<32x4096xf32, #tpu.memory_space<hbm>> -> memref<32x128xf32, #tpu.memory_space<hbm>>
    %dma_start3A_113 = arith.constant 0 : i32
    %dma_start3A_114 = tpu.memref_slice %arg6[%dma_start3A_113, %mul3A_110] : memref<32x4096xf32, #tpu.memory_space<hbm>> -> memref<32x128xf32, #tpu.memory_space<hbm>>
    tpu.enqueue_dma source(%arg16 : memref<32x128xf32, #tpu.memory_space<vmem>>) target(%dma_start3A_114 : memref<32x128xf32, #tpu.memory_space<hbm>>) target_semaphore(%arg18 : memref<!tpu.dma_semaphore, #tpu.memory_space<semaphore_mem>>)
    %mul3A_115 = arith.constant 128 : i32
    %mul3A_116 = arith.muli %add3A, %mul3A_115 : i32
    %dma_start3A_117 = arith.constant 0 : i32
    %dma_start3A_118 = tpu.memref_slice %arg7[%dma_start3A_117, %mul3A_116] : memref<32x4096xi32, #tpu.memory_space<hbm>> -> memref<32x128xi32, #tpu.memory_space<hbm>>
    %dma_start3A_119 = arith.constant 0 : i32
    %dma_start3A_120 = tpu.memref_slice %arg7[%dma_start3A_119, %mul3A_116] : memref<32x4096xi32, #tpu.memory_space<hbm>> -> memref<32x128xi32, #tpu.memory_space<hbm>>
    tpu.enqueue_dma source(%arg17 : memref<32x128xi32, #tpu.memory_space<vmem>>) target(%dma_start3A_120 : memref<32x128xi32, #tpu.memory_space<hbm>>) target_semaphore(%arg18 : memref<!tpu.dma_semaphore, #tpu.memory_space<semaphore_mem>>)
    %mul3A_121 = arith.constant 16 : i32
    %mul3A_122 = arith.muli %add3A, %mul3A_121 : i32
    %dma_start3A_123 = arith.constant 0 : i32
    %dma_start3A_124 = tpu.memref_slice %arg14[%dma_start3A_123] : memref<128xi32, #tpu.memory_space<vmem>> -> memref<16xi32, #tpu.memory_space<vmem>>
    %dma_start3A_125 = tpu.memref_slice %arg8[%mul3A_122] : memref<512xi32, #tpu.memory_space<hbm>> -> memref<16xi32, #tpu.memory_space<hbm>>
    %dma_start3A_126 = tpu.memref_slice %arg8[%mul3A_122] : memref<512xi32, #tpu.memory_space<hbm>> -> memref<16xi32, #tpu.memory_space<hbm>>
    %dma_start3A_127 = arith.constant 0 : i32
    %dma_start3A_128 = tpu.memref_slice %arg14[%dma_start3A_127] : memref<128xi32, #tpu.memory_space<vmem>> -> memref<16xi32, #tpu.memory_space<vmem>>
    tpu.enqueue_dma source(%dma_start3A_128 : memref<16xi32, #tpu.memory_space<vmem>>) target(%dma_start3A_126 : memref<16xi32, #tpu.memory_space<hbm>>) target_semaphore(%arg18 : memref<!tpu.dma_semaphore, #tpu.memory_space<semaphore_mem>>)
    %dma_wait3A_129 = arith.constant 0 : i32
    %dma_wait3A_130 = tpu.memref_slice %arg5[%dma_wait3A_129, %mul3A_104] : memref<32x4096xf32, #tpu.memory_space<hbm>> -> memref<32x128xf32, #tpu.memory_space<hbm>>
    %dma_wait3A_131 = arith.constant 0 : i32
    %dma_wait3A_132 = tpu.memref_slice %arg5[%dma_wait3A_131, %mul3A_104] : memref<32x4096xf32, #tpu.memory_space<hbm>> -> memref<32x128xf32, #tpu.memory_space<hbm>>
    tpu.wait_dma2 semaphore(%arg18 : memref<!tpu.dma_semaphore, #tpu.memory_space<semaphore_mem>>) src(%arg15 : memref<32x128xf32, #tpu.memory_space<vmem>>) dst(%dma_wait3A_132 : memref<32x128xf32, #tpu.memory_space<hbm>>)
    %dma_wait3A_133 = arith.constant 0 : i32
    %dma_wait3A_134 = tpu.memref_slice %arg6[%dma_wait3A_133, %mul3A_110] : memref<32x4096xf32, #tpu.memory_space<hbm>> -> memref<32x128xf32, #tpu.memory_space<hbm>>
    %dma_wait3A_135 = arith.constant 0 : i32
    %dma_wait3A_136 = tpu.memref_slice %arg6[%dma_wait3A_135, %mul3A_110] : memref<32x4096xf32, #tpu.memory_space<hbm>> -> memref<32x128xf32, #tpu.memory_space<hbm>>
    tpu.wait_dma2 semaphore(%arg18 : memref<!tpu.dma_semaphore, #tpu.memory_space<semaphore_mem>>) src(%arg16 : memref<32x128xf32, #tpu.memory_space<vmem>>) dst(%dma_wait3A_136 : memref<32x128xf32, #tpu.memory_space<hbm>>)
    %dma_wait3A_137 = arith.constant 0 : i32
    %dma_wait3A_138 = tpu.memref_slice %arg7[%dma_wait3A_137, %mul3A_116] : memref<32x4096xi32, #tpu.memory_space<hbm>> -> memref<32x128xi32, #tpu.memory_space<hbm>>
    %dma_wait3A_139 = arith.constant 0 : i32
    %dma_wait3A_140 = tpu.memref_slice %arg7[%dma_wait3A_139, %mul3A_116] : memref<32x4096xi32, #tpu.memory_space<hbm>> -> memref<32x128xi32, #tpu.memory_space<hbm>>
    tpu.wait_dma2 semaphore(%arg18 : memref<!tpu.dma_semaphore, #tpu.memory_space<semaphore_mem>>) src(%arg17 : memref<32x128xi32, #tpu.memory_space<vmem>>) dst(%dma_wait3A_140 : memref<32x128xi32, #tpu.memory_space<hbm>>)
    %dma_wait3A_141 = arith.constant 0 : i32
    %dma_wait3A_142 = tpu.memref_slice %arg14[%dma_wait3A_141] : memref<128xi32, #tpu.memory_space<vmem>> -> memref<16xi32, #tpu.memory_space<vmem>>
    %dma_wait3A_143 = tpu.memref_slice %arg8[%mul3A_122] : memref<512xi32, #tpu.memory_space<hbm>> -> memref<16xi32, #tpu.memory_space<hbm>>
    %dma_wait3A_144 = tpu.memref_slice %arg8[%mul3A_122] : memref<512xi32, #tpu.memory_space<hbm>> -> memref<16xi32, #tpu.memory_space<hbm>>
    %dma_wait3A_145 = arith.constant 0 : i32
    %dma_wait3A_146 = tpu.memref_slice %arg14[%dma_wait3A_145] : memref<128xi32, #tpu.memory_space<vmem>> -> memref<16xi32, #tpu.memory_space<vmem>>
    tpu.wait_dma2 semaphore(%arg18 : memref<!tpu.dma_semaphore, #tpu.memory_space<semaphore_mem>>) src(%dma_wait3A_146 : memref<16xi32, #tpu.memory_space<vmem>>) dst(%dma_wait3A_144 : memref<16xi32, #tpu.memory_space<hbm>>)
    return
  }
}

module attributes {stable_mosaic.version = 14 : i64} {
  func.func @_tc_body(%arg0: i32, %arg1: memref<512xi32, #tpu.memory_space<smem>>, %arg2: memref<256x32xf32, #tpu.memory_space<vmem>>, %arg3: memref<256x32xf32, #tpu.memory_space<vmem>>, %arg4: memref<32x1024xf32, #tpu.memory_space<vmem>>, %arg5: memref<32x1024xf32, #tpu.memory_space<vmem>>, %arg6: memref<32x1024xi32, #tpu.memory_space<vmem>>, %arg7: memref<1024xf32, #tpu.memory_space<vmem>>, %arg8: memref<256xf32, #tpu.memory_space<vmem>>, %arg9: memref<256x1024xf32, #tpu.memory_space<vmem>>) attributes {dimension_semantics = [#tpu.dimension_semantics<arbitrary>], iteration_bounds = array<i64: 4>, scalar_prefetch = 0 : i64, scratch_operands = 1 : i64, tpu.core_type = #tpu.core_type<tc>, window_params = [{transform_indices = @transform_0, window_bounds = array<i64: 512>}, {pipeline_mode = #tpu.pipeline_mode<synchronous>, transform_indices = @transform_1, window_bounds = array<i64: 256, 32>}, {pipeline_mode = #tpu.pipeline_mode<synchronous>, transform_indices = @transform_2, window_bounds = array<i64: 256, 32>}, {transform_indices = @transform_3, window_bounds = array<i64: 32, 1024>}, {transform_indices = @transform_4, window_bounds = array<i64: 32, 1024>}, {transform_indices = @transform_5, window_bounds = array<i64: 32, 1024>}, {transform_indices = @transform_6, window_bounds = array<i64: 1024>}, {pipeline_mode = #tpu.pipeline_mode<synchronous>, transform_indices = @transform_7, window_bounds = array<i64: 256>}]} {
    %get3A = arith.constant 0 : index
    %get3A_0 = arith.constant 0 : index
    %get3A_1 = vector.load %arg2[%get3A, %get3A_0] : memref<256x32xf32, #tpu.memory_space<vmem>>, vector<256x32xf32>
    %get3A_2 = arith.constant 0 : index
    %get3A_3 = arith.constant 0 : index
    %get3A_4 = vector.load %arg3[%get3A_2, %get3A_3] : memref<256x32xf32, #tpu.memory_space<vmem>>, vector<256x32xf32>
    %get3A_5 = arith.constant 0 : index
    %get3A_6 = arith.constant 0 : index
    %get3A_7 = vector.load %arg4[%get3A_5, %get3A_6] : memref<32x1024xf32, #tpu.memory_space<vmem>>, vector<32x1024xf32>
    %get3A_8 = arith.constant 0 : index
    %get3A_9 = arith.constant 0 : index
    %get3A_10 = vector.load %arg5[%get3A_8, %get3A_9] : memref<32x1024xf32, #tpu.memory_space<vmem>>, vector<32x1024xf32>
    %get3A_11 = arith.constant 0 : index
    %get3A_12 = arith.constant 0 : index
    %get3A_13 = vector.load %arg6[%get3A_11, %get3A_12] : memref<32x1024xi32, #tpu.memory_space<vmem>>, vector<32x1024xi32>
    %iota3A = tpu.iota {dimensions = array<i32: 0>} : vector<32x1024xi32>
    %slice3A = vector.extract_strided_slice %get3A_13 {offsets = [0, 0], sizes = [1, 1024], strides = [1, 1]} : vector<32x1024xi32> to vector<1x1024xi32>
    %squeeze3A = vector.shape_cast %slice3A : vector<1x1024xi32> to vector<1024xi32>
    %broadcast_in_dim3A = vector.shape_cast %squeeze3A : vector<1024xi32> to vector<1x1024xi32>
    %eq3A = vector.broadcast %broadcast_in_dim3A : vector<1x1024xi32> to vector<32x1024xi32>
    %eq3A_14 = arith.cmpi eq, %iota3A, %eq3A : vector<32x1024xi32>
    %slice3A_15 = vector.extract_strided_slice %get3A_7 {offsets = [0, 0], sizes = [1, 1024], strides = [1, 1]} : vector<32x1024xf32> to vector<1x1024xf32>
    %squeeze3A_16 = vector.shape_cast %slice3A_15 : vector<1x1024xf32> to vector<1024xf32>
    %broadcast_in_dim3A_17 = vector.shape_cast %squeeze3A_16 : vector<1024xf32> to vector<1x1024xf32>
    %jit3A = arith.constant 0.000000e+00 : f32
    %broadcast_in_dim3A_18 = vector.shape_cast %broadcast_in_dim3A_17 : vector<1x1024xf32> to vector<1x1024xf32>
    %broadcast_in_dim3A_19 = vector.broadcast %broadcast_in_dim3A_18 : vector<1x1024xf32> to vector<32x1024xf32>
    %broadcast_in_dim3A_20 = vector.broadcast %jit3A : f32 to vector<32x1024xf32>
    %select_n3A = arith.select %eq3A_14, %broadcast_in_dim3A_19, %broadcast_in_dim3A_20 : vector<32x1024xi1>, vector<32x1024xf32>
    %convert_element_type3A = arith.truncf %select_n3A : vector<32x1024xf32> to vector<32x1024xbf16>
    %convert_element_type3A_21 = arith.extf %convert_element_type3A : vector<32x1024xbf16> to vector<32x1024xf32>
    %sub3A = arith.subf %select_n3A, %convert_element_type3A_21 : vector<32x1024xf32>
    %dot_general3A = arith.constant dense<0.000000e+00> : vector<256x1024xf32>
    %dot_general3A_22 = tpu.matmul %get3A_1, %convert_element_type3A_21, %dot_general3A {dimension_numbers = #tpu.dot_dimension_numbers<[1], [0], [0], [1], [0, 0, 1, 1], [], []>, transpose_lhs_hint = false} : vector<256x32xf32>, vector<32x1024xf32>, vector<256x1024xf32> -> vector<256x1024xf32>
    %dot_general3A_23 = arith.constant dense<0.000000e+00> : vector<256x1024xf32>
    %dot_general3A_24 = tpu.matmul %get3A_1, %sub3A, %dot_general3A_23 {dimension_numbers = #tpu.dot_dimension_numbers<[1], [0], [0], [1], [0, 0, 1, 1], [], []>, transpose_lhs_hint = false} : vector<256x32xf32>, vector<32x1024xf32>, vector<256x1024xf32> -> vector<256x1024xf32>
    %add3A = arith.addf %dot_general3A_22, %dot_general3A_24 : vector<256x1024xf32>
    %dot_general3A_25 = arith.constant dense<0.000000e+00> : vector<256x1024xf32>
    %dot_general3A_26 = tpu.matmul %get3A_4, %convert_element_type3A_21, %dot_general3A_25 {dimension_numbers = #tpu.dot_dimension_numbers<[1], [0], [0], [1], [0, 0, 1, 1], [], []>, transpose_lhs_hint = false} : vector<256x32xf32>, vector<32x1024xf32>, vector<256x1024xf32> -> vector<256x1024xf32>
    %add3A_27 = arith.addf %add3A, %dot_general3A_26 : vector<256x1024xf32>
    %slice3A_28 = vector.extract_strided_slice %get3A_10 {offsets = [0, 0], sizes = [1, 1024], strides = [1, 1]} : vector<32x1024xf32> to vector<1x1024xf32>
    %squeeze3A_29 = vector.shape_cast %slice3A_28 : vector<1x1024xf32> to vector<1024xf32>
    %broadcast_in_dim3A_30 = vector.shape_cast %squeeze3A_29 : vector<1024xf32> to vector<1x1024xf32>
    %sub3A_31 = vector.broadcast %broadcast_in_dim3A_30 : vector<1x1024xf32> to vector<256x1024xf32>
    %sub3A_32 = arith.subf %add3A_27, %sub3A_31 : vector<256x1024xf32>
    %max3A = arith.constant 0.000000e+00 : f32
    %max3A_33 = vector.broadcast %max3A : f32 to vector<256x1024xf32>
    %max3A_34 = arith.maximumf %sub3A_32, %max3A_33 : vector<256x1024xf32>
    %mul3A = arith.mulf %max3A_34, %max3A_34 : vector<256x1024xf32>
    %slice3A_35 = vector.extract_strided_slice %get3A_13 {offsets = [1, 0], sizes = [1, 1024], strides = [1, 1]} : vector<32x1024xi32> to vector<1x1024xi32>
    %squeeze3A_36 = vector.shape_cast %slice3A_35 : vector<1x1024xi32> to vector<1024xi32>
    %broadcast_in_dim3A_37 = vector.shape_cast %squeeze3A_36 : vector<1024xi32> to vector<1x1024xi32>
    %eq3A_38 = vector.broadcast %broadcast_in_dim3A_37 : vector<1x1024xi32> to vector<32x1024xi32>
    %eq3A_39 = arith.cmpi eq, %iota3A, %eq3A_38 : vector<32x1024xi32>
    %slice3A_40 = vector.extract_strided_slice %get3A_7 {offsets = [1, 0], sizes = [1, 1024], strides = [1, 1]} : vector<32x1024xf32> to vector<1x1024xf32>
    %squeeze3A_41 = vector.shape_cast %slice3A_40 : vector<1x1024xf32> to vector<1024xf32>
    %broadcast_in_dim3A_42 = vector.shape_cast %squeeze3A_41 : vector<1024xf32> to vector<1x1024xf32>
    %jit3A_43 = arith.constant 0.000000e+00 : f32
    %broadcast_in_dim3A_44 = vector.shape_cast %broadcast_in_dim3A_42 : vector<1x1024xf32> to vector<1x1024xf32>
    %broadcast_in_dim3A_45 = vector.broadcast %broadcast_in_dim3A_44 : vector<1x1024xf32> to vector<32x1024xf32>
    %broadcast_in_dim3A_46 = vector.broadcast %jit3A_43 : f32 to vector<32x1024xf32>
    %select_n3A_47 = arith.select %eq3A_39, %broadcast_in_dim3A_45, %broadcast_in_dim3A_46 : vector<32x1024xi1>, vector<32x1024xf32>
    %convert_element_type3A_48 = arith.truncf %select_n3A_47 : vector<32x1024xf32> to vector<32x1024xbf16>
    %convert_element_type3A_49 = arith.extf %convert_element_type3A_48 : vector<32x1024xbf16> to vector<32x1024xf32>
    %sub3A_50 = arith.subf %select_n3A_47, %convert_element_type3A_49 : vector<32x1024xf32>
    %dot_general3A_51 = arith.constant dense<0.000000e+00> : vector<256x1024xf32>
    %dot_general3A_52 = tpu.matmul %get3A_1, %convert_element_type3A_49, %dot_general3A_51 {dimension_numbers = #tpu.dot_dimension_numbers<[1], [0], [0], [1], [0, 0, 1, 1], [], []>, transpose_lhs_hint = false} : vector<256x32xf32>, vector<32x1024xf32>, vector<256x1024xf32> -> vector<256x1024xf32>
    %dot_general3A_53 = arith.constant dense<0.000000e+00> : vector<256x1024xf32>
    %dot_general3A_54 = tpu.matmul %get3A_1, %sub3A_50, %dot_general3A_53 {dimension_numbers = #tpu.dot_dimension_numbers<[1], [0], [0], [1], [0, 0, 1, 1], [], []>, transpose_lhs_hint = false} : vector<256x32xf32>, vector<32x1024xf32>, vector<256x1024xf32> -> vector<256x1024xf32>
    %add3A_55 = arith.addf %dot_general3A_52, %dot_general3A_54 : vector<256x1024xf32>
    %dot_general3A_56 = arith.constant dense<0.000000e+00> : vector<256x1024xf32>
    %dot_general3A_57 = tpu.matmul %get3A_4, %convert_element_type3A_49, %dot_general3A_56 {dimension_numbers = #tpu.dot_dimension_numbers<[1], [0], [0], [1], [0, 0, 1, 1], [], []>, transpose_lhs_hint = false} : vector<256x32xf32>, vector<32x1024xf32>, vector<256x1024xf32> -> vector<256x1024xf32>
    %add3A_58 = arith.addf %add3A_55, %dot_general3A_57 : vector<256x1024xf32>
    %slice3A_59 = vector.extract_strided_slice %get3A_10 {offsets = [1, 0], sizes = [1, 1024], strides = [1, 1]} : vector<32x1024xf32> to vector<1x1024xf32>
    %squeeze3A_60 = vector.shape_cast %slice3A_59 : vector<1x1024xf32> to vector<1024xf32>
    %broadcast_in_dim3A_61 = vector.shape_cast %squeeze3A_60 : vector<1024xf32> to vector<1x1024xf32>
    %sub3A_62 = vector.broadcast %broadcast_in_dim3A_61 : vector<1x1024xf32> to vector<256x1024xf32>
    %sub3A_63 = arith.subf %add3A_58, %sub3A_62 : vector<256x1024xf32>
    %max3A_64 = arith.constant 0.000000e+00 : f32
    %max3A_65 = vector.broadcast %max3A_64 : f32 to vector<256x1024xf32>
    %max3A_66 = arith.maximumf %sub3A_63, %max3A_65 : vector<256x1024xf32>
    %mul3A_67 = arith.mulf %max3A_66, %max3A_66 : vector<256x1024xf32>
    %add3A_68 = arith.addf %mul3A, %mul3A_67 : vector<256x1024xf32>
    %slice3A_69 = vector.extract_strided_slice %get3A_13 {offsets = [2, 0], sizes = [1, 1024], strides = [1, 1]} : vector<32x1024xi32> to vector<1x1024xi32>
    %squeeze3A_70 = vector.shape_cast %slice3A_69 : vector<1x1024xi32> to vector<1024xi32>
    %broadcast_in_dim3A_71 = vector.shape_cast %squeeze3A_70 : vector<1024xi32> to vector<1x1024xi32>
    %eq3A_72 = vector.broadcast %broadcast_in_dim3A_71 : vector<1x1024xi32> to vector<32x1024xi32>
    %eq3A_73 = arith.cmpi eq, %iota3A, %eq3A_72 : vector<32x1024xi32>
    %slice3A_74 = vector.extract_strided_slice %get3A_7 {offsets = [2, 0], sizes = [1, 1024], strides = [1, 1]} : vector<32x1024xf32> to vector<1x1024xf32>
    %squeeze3A_75 = vector.shape_cast %slice3A_74 : vector<1x1024xf32> to vector<1024xf32>
    %broadcast_in_dim3A_76 = vector.shape_cast %squeeze3A_75 : vector<1024xf32> to vector<1x1024xf32>
    %jit3A_77 = arith.constant 0.000000e+00 : f32
    %broadcast_in_dim3A_78 = vector.shape_cast %broadcast_in_dim3A_76 : vector<1x1024xf32> to vector<1x1024xf32>
    %broadcast_in_dim3A_79 = vector.broadcast %broadcast_in_dim3A_78 : vector<1x1024xf32> to vector<32x1024xf32>
    %broadcast_in_dim3A_80 = vector.broadcast %jit3A_77 : f32 to vector<32x1024xf32>
    %select_n3A_81 = arith.select %eq3A_73, %broadcast_in_dim3A_79, %broadcast_in_dim3A_80 : vector<32x1024xi1>, vector<32x1024xf32>
    %convert_element_type3A_82 = arith.truncf %select_n3A_81 : vector<32x1024xf32> to vector<32x1024xbf16>
    %convert_element_type3A_83 = arith.extf %convert_element_type3A_82 : vector<32x1024xbf16> to vector<32x1024xf32>
    %sub3A_84 = arith.subf %select_n3A_81, %convert_element_type3A_83 : vector<32x1024xf32>
    %dot_general3A_85 = arith.constant dense<0.000000e+00> : vector<256x1024xf32>
    %dot_general3A_86 = tpu.matmul %get3A_1, %convert_element_type3A_83, %dot_general3A_85 {dimension_numbers = #tpu.dot_dimension_numbers<[1], [0], [0], [1], [0, 0, 1, 1], [], []>, transpose_lhs_hint = false} : vector<256x32xf32>, vector<32x1024xf32>, vector<256x1024xf32> -> vector<256x1024xf32>
    %dot_general3A_87 = arith.constant dense<0.000000e+00> : vector<256x1024xf32>
    %dot_general3A_88 = tpu.matmul %get3A_1, %sub3A_84, %dot_general3A_87 {dimension_numbers = #tpu.dot_dimension_numbers<[1], [0], [0], [1], [0, 0, 1, 1], [], []>, transpose_lhs_hint = false} : vector<256x32xf32>, vector<32x1024xf32>, vector<256x1024xf32> -> vector<256x1024xf32>
    %add3A_89 = arith.addf %dot_general3A_86, %dot_general3A_88 : vector<256x1024xf32>
    %dot_general3A_90 = arith.constant dense<0.000000e+00> : vector<256x1024xf32>
    %dot_general3A_91 = tpu.matmul %get3A_4, %convert_element_type3A_83, %dot_general3A_90 {dimension_numbers = #tpu.dot_dimension_numbers<[1], [0], [0], [1], [0, 0, 1, 1], [], []>, transpose_lhs_hint = false} : vector<256x32xf32>, vector<32x1024xf32>, vector<256x1024xf32> -> vector<256x1024xf32>
    %add3A_92 = arith.addf %add3A_89, %dot_general3A_91 : vector<256x1024xf32>
    %slice3A_93 = vector.extract_strided_slice %get3A_10 {offsets = [2, 0], sizes = [1, 1024], strides = [1, 1]} : vector<32x1024xf32> to vector<1x1024xf32>
    %squeeze3A_94 = vector.shape_cast %slice3A_93 : vector<1x1024xf32> to vector<1024xf32>
    %broadcast_in_dim3A_95 = vector.shape_cast %squeeze3A_94 : vector<1024xf32> to vector<1x1024xf32>
    %sub3A_96 = vector.broadcast %broadcast_in_dim3A_95 : vector<1x1024xf32> to vector<256x1024xf32>
    %sub3A_97 = arith.subf %add3A_92, %sub3A_96 : vector<256x1024xf32>
    %max3A_98 = arith.constant 0.000000e+00 : f32
    %max3A_99 = vector.broadcast %max3A_98 : f32 to vector<256x1024xf32>
    %max3A_100 = arith.maximumf %sub3A_97, %max3A_99 : vector<256x1024xf32>
    %mul3A_101 = arith.mulf %max3A_100, %max3A_100 : vector<256x1024xf32>
    %add3A_102 = arith.addf %add3A_68, %mul3A_101 : vector<256x1024xf32>
    %slice3A_103 = vector.extract_strided_slice %get3A_13 {offsets = [3, 0], sizes = [1, 1024], strides = [1, 1]} : vector<32x1024xi32> to vector<1x1024xi32>
    %squeeze3A_104 = vector.shape_cast %slice3A_103 : vector<1x1024xi32> to vector<1024xi32>
    %broadcast_in_dim3A_105 = vector.shape_cast %squeeze3A_104 : vector<1024xi32> to vector<1x1024xi32>
    %eq3A_106 = vector.broadcast %broadcast_in_dim3A_105 : vector<1x1024xi32> to vector<32x1024xi32>
    %eq3A_107 = arith.cmpi eq, %iota3A, %eq3A_106 : vector<32x1024xi32>
    %slice3A_108 = vector.extract_strided_slice %get3A_7 {offsets = [3, 0], sizes = [1, 1024], strides = [1, 1]} : vector<32x1024xf32> to vector<1x1024xf32>
    %squeeze3A_109 = vector.shape_cast %slice3A_108 : vector<1x1024xf32> to vector<1024xf32>
    %broadcast_in_dim3A_110 = vector.shape_cast %squeeze3A_109 : vector<1024xf32> to vector<1x1024xf32>
    %jit3A_111 = arith.constant 0.000000e+00 : f32
    %broadcast_in_dim3A_112 = vector.shape_cast %broadcast_in_dim3A_110 : vector<1x1024xf32> to vector<1x1024xf32>
    %broadcast_in_dim3A_113 = vector.broadcast %broadcast_in_dim3A_112 : vector<1x1024xf32> to vector<32x1024xf32>
    %broadcast_in_dim3A_114 = vector.broadcast %jit3A_111 : f32 to vector<32x1024xf32>
    %select_n3A_115 = arith.select %eq3A_107, %broadcast_in_dim3A_113, %broadcast_in_dim3A_114 : vector<32x1024xi1>, vector<32x1024xf32>
    %convert_element_type3A_116 = arith.truncf %select_n3A_115 : vector<32x1024xf32> to vector<32x1024xbf16>
    %convert_element_type3A_117 = arith.extf %convert_element_type3A_116 : vector<32x1024xbf16> to vector<32x1024xf32>
    %sub3A_118 = arith.subf %select_n3A_115, %convert_element_type3A_117 : vector<32x1024xf32>
    %dot_general3A_119 = arith.constant dense<0.000000e+00> : vector<256x1024xf32>
    %dot_general3A_120 = tpu.matmul %get3A_1, %convert_element_type3A_117, %dot_general3A_119 {dimension_numbers = #tpu.dot_dimension_numbers<[1], [0], [0], [1], [0, 0, 1, 1], [], []>, transpose_lhs_hint = false} : vector<256x32xf32>, vector<32x1024xf32>, vector<256x1024xf32> -> vector<256x1024xf32>
    %dot_general3A_121 = arith.constant dense<0.000000e+00> : vector<256x1024xf32>
    %dot_general3A_122 = tpu.matmul %get3A_1, %sub3A_118, %dot_general3A_121 {dimension_numbers = #tpu.dot_dimension_numbers<[1], [0], [0], [1], [0, 0, 1, 1], [], []>, transpose_lhs_hint = false} : vector<256x32xf32>, vector<32x1024xf32>, vector<256x1024xf32> -> vector<256x1024xf32>
    %add3A_123 = arith.addf %dot_general3A_120, %dot_general3A_122 : vector<256x1024xf32>
    %dot_general3A_124 = arith.constant dense<0.000000e+00> : vector<256x1024xf32>
    %dot_general3A_125 = tpu.matmul %get3A_4, %convert_element_type3A_117, %dot_general3A_124 {dimension_numbers = #tpu.dot_dimension_numbers<[1], [0], [0], [1], [0, 0, 1, 1], [], []>, transpose_lhs_hint = false} : vector<256x32xf32>, vector<32x1024xf32>, vector<256x1024xf32> -> vector<256x1024xf32>
    %add3A_126 = arith.addf %add3A_123, %dot_general3A_125 : vector<256x1024xf32>
    %slice3A_127 = vector.extract_strided_slice %get3A_10 {offsets = [3, 0], sizes = [1, 1024], strides = [1, 1]} : vector<32x1024xf32> to vector<1x1024xf32>
    %squeeze3A_128 = vector.shape_cast %slice3A_127 : vector<1x1024xf32> to vector<1024xf32>
    %broadcast_in_dim3A_129 = vector.shape_cast %squeeze3A_128 : vector<1024xf32> to vector<1x1024xf32>
    %sub3A_130 = vector.broadcast %broadcast_in_dim3A_129 : vector<1x1024xf32> to vector<256x1024xf32>
    %sub3A_131 = arith.subf %add3A_126, %sub3A_130 : vector<256x1024xf32>
    %max3A_132 = arith.constant 0.000000e+00 : f32
    %max3A_133 = vector.broadcast %max3A_132 : f32 to vector<256x1024xf32>
    %max3A_134 = arith.maximumf %sub3A_131, %max3A_133 : vector<256x1024xf32>
    %mul3A_135 = arith.mulf %max3A_134, %max3A_134 : vector<256x1024xf32>
    %add3A_136 = arith.addf %add3A_102, %mul3A_135 : vector<256x1024xf32>
    %slice3A_137 = vector.extract_strided_slice %get3A_13 {offsets = [4, 0], sizes = [1, 1024], strides = [1, 1]} : vector<32x1024xi32> to vector<1x1024xi32>
    %squeeze3A_138 = vector.shape_cast %slice3A_137 : vector<1x1024xi32> to vector<1024xi32>
    %broadcast_in_dim3A_139 = vector.shape_cast %squeeze3A_138 : vector<1024xi32> to vector<1x1024xi32>
    %eq3A_140 = vector.broadcast %broadcast_in_dim3A_139 : vector<1x1024xi32> to vector<32x1024xi32>
    %eq3A_141 = arith.cmpi eq, %iota3A, %eq3A_140 : vector<32x1024xi32>
    %slice3A_142 = vector.extract_strided_slice %get3A_7 {offsets = [4, 0], sizes = [1, 1024], strides = [1, 1]} : vector<32x1024xf32> to vector<1x1024xf32>
    %squeeze3A_143 = vector.shape_cast %slice3A_142 : vector<1x1024xf32> to vector<1024xf32>
    %broadcast_in_dim3A_144 = vector.shape_cast %squeeze3A_143 : vector<1024xf32> to vector<1x1024xf32>
    %jit3A_145 = arith.constant 0.000000e+00 : f32
    %broadcast_in_dim3A_146 = vector.shape_cast %broadcast_in_dim3A_144 : vector<1x1024xf32> to vector<1x1024xf32>
    %broadcast_in_dim3A_147 = vector.broadcast %broadcast_in_dim3A_146 : vector<1x1024xf32> to vector<32x1024xf32>
    %broadcast_in_dim3A_148 = vector.broadcast %jit3A_145 : f32 to vector<32x1024xf32>
    %select_n3A_149 = arith.select %eq3A_141, %broadcast_in_dim3A_147, %broadcast_in_dim3A_148 : vector<32x1024xi1>, vector<32x1024xf32>
    %convert_element_type3A_150 = arith.truncf %select_n3A_149 : vector<32x1024xf32> to vector<32x1024xbf16>
    %convert_element_type3A_151 = arith.extf %convert_element_type3A_150 : vector<32x1024xbf16> to vector<32x1024xf32>
    %sub3A_152 = arith.subf %select_n3A_149, %convert_element_type3A_151 : vector<32x1024xf32>
    %dot_general3A_153 = arith.constant dense<0.000000e+00> : vector<256x1024xf32>
    %dot_general3A_154 = tpu.matmul %get3A_1, %convert_element_type3A_151, %dot_general3A_153 {dimension_numbers = #tpu.dot_dimension_numbers<[1], [0], [0], [1], [0, 0, 1, 1], [], []>, transpose_lhs_hint = false} : vector<256x32xf32>, vector<32x1024xf32>, vector<256x1024xf32> -> vector<256x1024xf32>
    %dot_general3A_155 = arith.constant dense<0.000000e+00> : vector<256x1024xf32>
    %dot_general3A_156 = tpu.matmul %get3A_1, %sub3A_152, %dot_general3A_155 {dimension_numbers = #tpu.dot_dimension_numbers<[1], [0], [0], [1], [0, 0, 1, 1], [], []>, transpose_lhs_hint = false} : vector<256x32xf32>, vector<32x1024xf32>, vector<256x1024xf32> -> vector<256x1024xf32>
    %add3A_157 = arith.addf %dot_general3A_154, %dot_general3A_156 : vector<256x1024xf32>
    %dot_general3A_158 = arith.constant dense<0.000000e+00> : vector<256x1024xf32>
    %dot_general3A_159 = tpu.matmul %get3A_4, %convert_element_type3A_151, %dot_general3A_158 {dimension_numbers = #tpu.dot_dimension_numbers<[1], [0], [0], [1], [0, 0, 1, 1], [], []>, transpose_lhs_hint = false} : vector<256x32xf32>, vector<32x1024xf32>, vector<256x1024xf32> -> vector<256x1024xf32>
    %add3A_160 = arith.addf %add3A_157, %dot_general3A_159 : vector<256x1024xf32>
    %slice3A_161 = vector.extract_strided_slice %get3A_10 {offsets = [4, 0], sizes = [1, 1024], strides = [1, 1]} : vector<32x1024xf32> to vector<1x1024xf32>
    %squeeze3A_162 = vector.shape_cast %slice3A_161 : vector<1x1024xf32> to vector<1024xf32>
    %broadcast_in_dim3A_163 = vector.shape_cast %squeeze3A_162 : vector<1024xf32> to vector<1x1024xf32>
    %sub3A_164 = vector.broadcast %broadcast_in_dim3A_163 : vector<1x1024xf32> to vector<256x1024xf32>
    %sub3A_165 = arith.subf %add3A_160, %sub3A_164 : vector<256x1024xf32>
    %max3A_166 = arith.constant 0.000000e+00 : f32
    %max3A_167 = vector.broadcast %max3A_166 : f32 to vector<256x1024xf32>
    %max3A_168 = arith.maximumf %sub3A_165, %max3A_167 : vector<256x1024xf32>
    %mul3A_169 = arith.mulf %max3A_168, %max3A_168 : vector<256x1024xf32>
    %add3A_170 = arith.addf %add3A_136, %mul3A_169 : vector<256x1024xf32>
    %slice3A_171 = vector.extract_strided_slice %get3A_13 {offsets = [5, 0], sizes = [1, 1024], strides = [1, 1]} : vector<32x1024xi32> to vector<1x1024xi32>
    %squeeze3A_172 = vector.shape_cast %slice3A_171 : vector<1x1024xi32> to vector<1024xi32>
    %broadcast_in_dim3A_173 = vector.shape_cast %squeeze3A_172 : vector<1024xi32> to vector<1x1024xi32>
    %eq3A_174 = vector.broadcast %broadcast_in_dim3A_173 : vector<1x1024xi32> to vector<32x1024xi32>
    %eq3A_175 = arith.cmpi eq, %iota3A, %eq3A_174 : vector<32x1024xi32>
    %slice3A_176 = vector.extract_strided_slice %get3A_7 {offsets = [5, 0], sizes = [1, 1024], strides = [1, 1]} : vector<32x1024xf32> to vector<1x1024xf32>
    %squeeze3A_177 = vector.shape_cast %slice3A_176 : vector<1x1024xf32> to vector<1024xf32>
    %broadcast_in_dim3A_178 = vector.shape_cast %squeeze3A_177 : vector<1024xf32> to vector<1x1024xf32>
    %jit3A_179 = arith.constant 0.000000e+00 : f32
    %broadcast_in_dim3A_180 = vector.shape_cast %broadcast_in_dim3A_178 : vector<1x1024xf32> to vector<1x1024xf32>
    %broadcast_in_dim3A_181 = vector.broadcast %broadcast_in_dim3A_180 : vector<1x1024xf32> to vector<32x1024xf32>
    %broadcast_in_dim3A_182 = vector.broadcast %jit3A_179 : f32 to vector<32x1024xf32>
    %select_n3A_183 = arith.select %eq3A_175, %broadcast_in_dim3A_181, %broadcast_in_dim3A_182 : vector<32x1024xi1>, vector<32x1024xf32>
    %convert_element_type3A_184 = arith.truncf %select_n3A_183 : vector<32x1024xf32> to vector<32x1024xbf16>
    %convert_element_type3A_185 = arith.extf %convert_element_type3A_184 : vector<32x1024xbf16> to vector<32x1024xf32>
    %sub3A_186 = arith.subf %select_n3A_183, %convert_element_type3A_185 : vector<32x1024xf32>
    %dot_general3A_187 = arith.constant dense<0.000000e+00> : vector<256x1024xf32>
    %dot_general3A_188 = tpu.matmul %get3A_1, %convert_element_type3A_185, %dot_general3A_187 {dimension_numbers = #tpu.dot_dimension_numbers<[1], [0], [0], [1], [0, 0, 1, 1], [], []>, transpose_lhs_hint = false} : vector<256x32xf32>, vector<32x1024xf32>, vector<256x1024xf32> -> vector<256x1024xf32>
    %dot_general3A_189 = arith.constant dense<0.000000e+00> : vector<256x1024xf32>
    %dot_general3A_190 = tpu.matmul %get3A_1, %sub3A_186, %dot_general3A_189 {dimension_numbers = #tpu.dot_dimension_numbers<[1], [0], [0], [1], [0, 0, 1, 1], [], []>, transpose_lhs_hint = false} : vector<256x32xf32>, vector<32x1024xf32>, vector<256x1024xf32> -> vector<256x1024xf32>
    %add3A_191 = arith.addf %dot_general3A_188, %dot_general3A_190 : vector<256x1024xf32>
    %dot_general3A_192 = arith.constant dense<0.000000e+00> : vector<256x1024xf32>
    %dot_general3A_193 = tpu.matmul %get3A_4, %convert_element_type3A_185, %dot_general3A_192 {dimension_numbers = #tpu.dot_dimension_numbers<[1], [0], [0], [1], [0, 0, 1, 1], [], []>, transpose_lhs_hint = false} : vector<256x32xf32>, vector<32x1024xf32>, vector<256x1024xf32> -> vector<256x1024xf32>
    %add3A_194 = arith.addf %add3A_191, %dot_general3A_193 : vector<256x1024xf32>
    %slice3A_195 = vector.extract_strided_slice %get3A_10 {offsets = [5, 0], sizes = [1, 1024], strides = [1, 1]} : vector<32x1024xf32> to vector<1x1024xf32>
    %squeeze3A_196 = vector.shape_cast %slice3A_195 : vector<1x1024xf32> to vector<1024xf32>
    %broadcast_in_dim3A_197 = vector.shape_cast %squeeze3A_196 : vector<1024xf32> to vector<1x1024xf32>
    %sub3A_198 = vector.broadcast %broadcast_in_dim3A_197 : vector<1x1024xf32> to vector<256x1024xf32>
    %sub3A_199 = arith.subf %add3A_194, %sub3A_198 : vector<256x1024xf32>
    %max3A_200 = arith.constant 0.000000e+00 : f32
    %max3A_201 = vector.broadcast %max3A_200 : f32 to vector<256x1024xf32>
    %max3A_202 = arith.maximumf %sub3A_199, %max3A_201 : vector<256x1024xf32>
    %mul3A_203 = arith.mulf %max3A_202, %max3A_202 : vector<256x1024xf32>
    %add3A_204 = arith.addf %add3A_170, %mul3A_203 : vector<256x1024xf32>
    %slice3A_205 = vector.extract_strided_slice %get3A_13 {offsets = [6, 0], sizes = [1, 1024], strides = [1, 1]} : vector<32x1024xi32> to vector<1x1024xi32>
    %squeeze3A_206 = vector.shape_cast %slice3A_205 : vector<1x1024xi32> to vector<1024xi32>
    %broadcast_in_dim3A_207 = vector.shape_cast %squeeze3A_206 : vector<1024xi32> to vector<1x1024xi32>
    %eq3A_208 = vector.broadcast %broadcast_in_dim3A_207 : vector<1x1024xi32> to vector<32x1024xi32>
    %eq3A_209 = arith.cmpi eq, %iota3A, %eq3A_208 : vector<32x1024xi32>
    %slice3A_210 = vector.extract_strided_slice %get3A_7 {offsets = [6, 0], sizes = [1, 1024], strides = [1, 1]} : vector<32x1024xf32> to vector<1x1024xf32>
    %squeeze3A_211 = vector.shape_cast %slice3A_210 : vector<1x1024xf32> to vector<1024xf32>
    %broadcast_in_dim3A_212 = vector.shape_cast %squeeze3A_211 : vector<1024xf32> to vector<1x1024xf32>
    %jit3A_213 = arith.constant 0.000000e+00 : f32
    %broadcast_in_dim3A_214 = vector.shape_cast %broadcast_in_dim3A_212 : vector<1x1024xf32> to vector<1x1024xf32>
    %broadcast_in_dim3A_215 = vector.broadcast %broadcast_in_dim3A_214 : vector<1x1024xf32> to vector<32x1024xf32>
    %broadcast_in_dim3A_216 = vector.broadcast %jit3A_213 : f32 to vector<32x1024xf32>
    %select_n3A_217 = arith.select %eq3A_209, %broadcast_in_dim3A_215, %broadcast_in_dim3A_216 : vector<32x1024xi1>, vector<32x1024xf32>
    %convert_element_type3A_218 = arith.truncf %select_n3A_217 : vector<32x1024xf32> to vector<32x1024xbf16>
    %convert_element_type3A_219 = arith.extf %convert_element_type3A_218 : vector<32x1024xbf16> to vector<32x1024xf32>
    %sub3A_220 = arith.subf %select_n3A_217, %convert_element_type3A_219 : vector<32x1024xf32>
    %dot_general3A_221 = arith.constant dense<0.000000e+00> : vector<256x1024xf32>
    %dot_general3A_222 = tpu.matmul %get3A_1, %convert_element_type3A_219, %dot_general3A_221 {dimension_numbers = #tpu.dot_dimension_numbers<[1], [0], [0], [1], [0, 0, 1, 1], [], []>, transpose_lhs_hint = false} : vector<256x32xf32>, vector<32x1024xf32>, vector<256x1024xf32> -> vector<256x1024xf32>
    %dot_general3A_223 = arith.constant dense<0.000000e+00> : vector<256x1024xf32>
    %dot_general3A_224 = tpu.matmul %get3A_1, %sub3A_220, %dot_general3A_223 {dimension_numbers = #tpu.dot_dimension_numbers<[1], [0], [0], [1], [0, 0, 1, 1], [], []>, transpose_lhs_hint = false} : vector<256x32xf32>, vector<32x1024xf32>, vector<256x1024xf32> -> vector<256x1024xf32>
    %add3A_225 = arith.addf %dot_general3A_222, %dot_general3A_224 : vector<256x1024xf32>
    %dot_general3A_226 = arith.constant dense<0.000000e+00> : vector<256x1024xf32>
    %dot_general3A_227 = tpu.matmul %get3A_4, %convert_element_type3A_219, %dot_general3A_226 {dimension_numbers = #tpu.dot_dimension_numbers<[1], [0], [0], [1], [0, 0, 1, 1], [], []>, transpose_lhs_hint = false} : vector<256x32xf32>, vector<32x1024xf32>, vector<256x1024xf32> -> vector<256x1024xf32>
    %add3A_228 = arith.addf %add3A_225, %dot_general3A_227 : vector<256x1024xf32>
    %slice3A_229 = vector.extract_strided_slice %get3A_10 {offsets = [6, 0], sizes = [1, 1024], strides = [1, 1]} : vector<32x1024xf32> to vector<1x1024xf32>
    %squeeze3A_230 = vector.shape_cast %slice3A_229 : vector<1x1024xf32> to vector<1024xf32>
    %broadcast_in_dim3A_231 = vector.shape_cast %squeeze3A_230 : vector<1024xf32> to vector<1x1024xf32>
    %sub3A_232 = vector.broadcast %broadcast_in_dim3A_231 : vector<1x1024xf32> to vector<256x1024xf32>
    %sub3A_233 = arith.subf %add3A_228, %sub3A_232 : vector<256x1024xf32>
    %max3A_234 = arith.constant 0.000000e+00 : f32
    %max3A_235 = vector.broadcast %max3A_234 : f32 to vector<256x1024xf32>
    %max3A_236 = arith.maximumf %sub3A_233, %max3A_235 : vector<256x1024xf32>
    %mul3A_237 = arith.mulf %max3A_236, %max3A_236 : vector<256x1024xf32>
    %add3A_238 = arith.addf %add3A_204, %mul3A_237 : vector<256x1024xf32>
    %slice3A_239 = vector.extract_strided_slice %get3A_13 {offsets = [7, 0], sizes = [1, 1024], strides = [1, 1]} : vector<32x1024xi32> to vector<1x1024xi32>
    %squeeze3A_240 = vector.shape_cast %slice3A_239 : vector<1x1024xi32> to vector<1024xi32>
    %broadcast_in_dim3A_241 = vector.shape_cast %squeeze3A_240 : vector<1024xi32> to vector<1x1024xi32>
    %eq3A_242 = vector.broadcast %broadcast_in_dim3A_241 : vector<1x1024xi32> to vector<32x1024xi32>
    %eq3A_243 = arith.cmpi eq, %iota3A, %eq3A_242 : vector<32x1024xi32>
    %slice3A_244 = vector.extract_strided_slice %get3A_7 {offsets = [7, 0], sizes = [1, 1024], strides = [1, 1]} : vector<32x1024xf32> to vector<1x1024xf32>
    %squeeze3A_245 = vector.shape_cast %slice3A_244 : vector<1x1024xf32> to vector<1024xf32>
    %broadcast_in_dim3A_246 = vector.shape_cast %squeeze3A_245 : vector<1024xf32> to vector<1x1024xf32>
    %jit3A_247 = arith.constant 0.000000e+00 : f32
    %broadcast_in_dim3A_248 = vector.shape_cast %broadcast_in_dim3A_246 : vector<1x1024xf32> to vector<1x1024xf32>
    %broadcast_in_dim3A_249 = vector.broadcast %broadcast_in_dim3A_248 : vector<1x1024xf32> to vector<32x1024xf32>
    %broadcast_in_dim3A_250 = vector.broadcast %jit3A_247 : f32 to vector<32x1024xf32>
    %select_n3A_251 = arith.select %eq3A_243, %broadcast_in_dim3A_249, %broadcast_in_dim3A_250 : vector<32x1024xi1>, vector<32x1024xf32>
    %convert_element_type3A_252 = arith.truncf %select_n3A_251 : vector<32x1024xf32> to vector<32x1024xbf16>
    %convert_element_type3A_253 = arith.extf %convert_element_type3A_252 : vector<32x1024xbf16> to vector<32x1024xf32>
    %sub3A_254 = arith.subf %select_n3A_251, %convert_element_type3A_253 : vector<32x1024xf32>
    %dot_general3A_255 = arith.constant dense<0.000000e+00> : vector<256x1024xf32>
    %dot_general3A_256 = tpu.matmul %get3A_1, %convert_element_type3A_253, %dot_general3A_255 {dimension_numbers = #tpu.dot_dimension_numbers<[1], [0], [0], [1], [0, 0, 1, 1], [], []>, transpose_lhs_hint = false} : vector<256x32xf32>, vector<32x1024xf32>, vector<256x1024xf32> -> vector<256x1024xf32>
    %dot_general3A_257 = arith.constant dense<0.000000e+00> : vector<256x1024xf32>
    %dot_general3A_258 = tpu.matmul %get3A_1, %sub3A_254, %dot_general3A_257 {dimension_numbers = #tpu.dot_dimension_numbers<[1], [0], [0], [1], [0, 0, 1, 1], [], []>, transpose_lhs_hint = false} : vector<256x32xf32>, vector<32x1024xf32>, vector<256x1024xf32> -> vector<256x1024xf32>
    %add3A_259 = arith.addf %dot_general3A_256, %dot_general3A_258 : vector<256x1024xf32>
    %dot_general3A_260 = arith.constant dense<0.000000e+00> : vector<256x1024xf32>
    %dot_general3A_261 = tpu.matmul %get3A_4, %convert_element_type3A_253, %dot_general3A_260 {dimension_numbers = #tpu.dot_dimension_numbers<[1], [0], [0], [1], [0, 0, 1, 1], [], []>, transpose_lhs_hint = false} : vector<256x32xf32>, vector<32x1024xf32>, vector<256x1024xf32> -> vector<256x1024xf32>
    %add3A_262 = arith.addf %add3A_259, %dot_general3A_261 : vector<256x1024xf32>
    %slice3A_263 = vector.extract_strided_slice %get3A_10 {offsets = [7, 0], sizes = [1, 1024], strides = [1, 1]} : vector<32x1024xf32> to vector<1x1024xf32>
    %squeeze3A_264 = vector.shape_cast %slice3A_263 : vector<1x1024xf32> to vector<1024xf32>
    %broadcast_in_dim3A_265 = vector.shape_cast %squeeze3A_264 : vector<1024xf32> to vector<1x1024xf32>
    %sub3A_266 = vector.broadcast %broadcast_in_dim3A_265 : vector<1x1024xf32> to vector<256x1024xf32>
    %sub3A_267 = arith.subf %add3A_262, %sub3A_266 : vector<256x1024xf32>
    %max3A_268 = arith.constant 0.000000e+00 : f32
    %max3A_269 = vector.broadcast %max3A_268 : f32 to vector<256x1024xf32>
    %max3A_270 = arith.maximumf %sub3A_267, %max3A_269 : vector<256x1024xf32>
    %mul3A_271 = arith.mulf %max3A_270, %max3A_270 : vector<256x1024xf32>
    %add3A_272 = arith.addf %add3A_238, %mul3A_271 : vector<256x1024xf32>
    %slice3A_273 = vector.extract_strided_slice %get3A_13 {offsets = [8, 0], sizes = [1, 1024], strides = [1, 1]} : vector<32x1024xi32> to vector<1x1024xi32>
    %squeeze3A_274 = vector.shape_cast %slice3A_273 : vector<1x1024xi32> to vector<1024xi32>
    %broadcast_in_dim3A_275 = vector.shape_cast %squeeze3A_274 : vector<1024xi32> to vector<1x1024xi32>
    %eq3A_276 = vector.broadcast %broadcast_in_dim3A_275 : vector<1x1024xi32> to vector<32x1024xi32>
    %eq3A_277 = arith.cmpi eq, %iota3A, %eq3A_276 : vector<32x1024xi32>
    %slice3A_278 = vector.extract_strided_slice %get3A_7 {offsets = [8, 0], sizes = [1, 1024], strides = [1, 1]} : vector<32x1024xf32> to vector<1x1024xf32>
    %squeeze3A_279 = vector.shape_cast %slice3A_278 : vector<1x1024xf32> to vector<1024xf32>
    %broadcast_in_dim3A_280 = vector.shape_cast %squeeze3A_279 : vector<1024xf32> to vector<1x1024xf32>
    %jit3A_281 = arith.constant 0.000000e+00 : f32
    %broadcast_in_dim3A_282 = vector.shape_cast %broadcast_in_dim3A_280 : vector<1x1024xf32> to vector<1x1024xf32>
    %broadcast_in_dim3A_283 = vector.broadcast %broadcast_in_dim3A_282 : vector<1x1024xf32> to vector<32x1024xf32>
    %broadcast_in_dim3A_284 = vector.broadcast %jit3A_281 : f32 to vector<32x1024xf32>
    %select_n3A_285 = arith.select %eq3A_277, %broadcast_in_dim3A_283, %broadcast_in_dim3A_284 : vector<32x1024xi1>, vector<32x1024xf32>
    %convert_element_type3A_286 = arith.truncf %select_n3A_285 : vector<32x1024xf32> to vector<32x1024xbf16>
    %convert_element_type3A_287 = arith.extf %convert_element_type3A_286 : vector<32x1024xbf16> to vector<32x1024xf32>
    %sub3A_288 = arith.subf %select_n3A_285, %convert_element_type3A_287 : vector<32x1024xf32>
    %dot_general3A_289 = arith.constant dense<0.000000e+00> : vector<256x1024xf32>
    %dot_general3A_290 = tpu.matmul %get3A_1, %convert_element_type3A_287, %dot_general3A_289 {dimension_numbers = #tpu.dot_dimension_numbers<[1], [0], [0], [1], [0, 0, 1, 1], [], []>, transpose_lhs_hint = false} : vector<256x32xf32>, vector<32x1024xf32>, vector<256x1024xf32> -> vector<256x1024xf32>
    %dot_general3A_291 = arith.constant dense<0.000000e+00> : vector<256x1024xf32>
    %dot_general3A_292 = tpu.matmul %get3A_1, %sub3A_288, %dot_general3A_291 {dimension_numbers = #tpu.dot_dimension_numbers<[1], [0], [0], [1], [0, 0, 1, 1], [], []>, transpose_lhs_hint = false} : vector<256x32xf32>, vector<32x1024xf32>, vector<256x1024xf32> -> vector<256x1024xf32>
    %add3A_293 = arith.addf %dot_general3A_290, %dot_general3A_292 : vector<256x1024xf32>
    %dot_general3A_294 = arith.constant dense<0.000000e+00> : vector<256x1024xf32>
    %dot_general3A_295 = tpu.matmul %get3A_4, %convert_element_type3A_287, %dot_general3A_294 {dimension_numbers = #tpu.dot_dimension_numbers<[1], [0], [0], [1], [0, 0, 1, 1], [], []>, transpose_lhs_hint = false} : vector<256x32xf32>, vector<32x1024xf32>, vector<256x1024xf32> -> vector<256x1024xf32>
    %add3A_296 = arith.addf %add3A_293, %dot_general3A_295 : vector<256x1024xf32>
    %slice3A_297 = vector.extract_strided_slice %get3A_10 {offsets = [8, 0], sizes = [1, 1024], strides = [1, 1]} : vector<32x1024xf32> to vector<1x1024xf32>
    %squeeze3A_298 = vector.shape_cast %slice3A_297 : vector<1x1024xf32> to vector<1024xf32>
    %broadcast_in_dim3A_299 = vector.shape_cast %squeeze3A_298 : vector<1024xf32> to vector<1x1024xf32>
    %sub3A_300 = vector.broadcast %broadcast_in_dim3A_299 : vector<1x1024xf32> to vector<256x1024xf32>
    %sub3A_301 = arith.subf %add3A_296, %sub3A_300 : vector<256x1024xf32>
    %max3A_302 = arith.constant 0.000000e+00 : f32
    %max3A_303 = vector.broadcast %max3A_302 : f32 to vector<256x1024xf32>
    %max3A_304 = arith.maximumf %sub3A_301, %max3A_303 : vector<256x1024xf32>
    %mul3A_305 = arith.mulf %max3A_304, %max3A_304 : vector<256x1024xf32>
    %add3A_306 = arith.addf %add3A_272, %mul3A_305 : vector<256x1024xf32>
    %slice3A_307 = vector.extract_strided_slice %get3A_13 {offsets = [9, 0], sizes = [1, 1024], strides = [1, 1]} : vector<32x1024xi32> to vector<1x1024xi32>
    %squeeze3A_308 = vector.shape_cast %slice3A_307 : vector<1x1024xi32> to vector<1024xi32>
    %broadcast_in_dim3A_309 = vector.shape_cast %squeeze3A_308 : vector<1024xi32> to vector<1x1024xi32>
    %eq3A_310 = vector.broadcast %broadcast_in_dim3A_309 : vector<1x1024xi32> to vector<32x1024xi32>
    %eq3A_311 = arith.cmpi eq, %iota3A, %eq3A_310 : vector<32x1024xi32>
    %slice3A_312 = vector.extract_strided_slice %get3A_7 {offsets = [9, 0], sizes = [1, 1024], strides = [1, 1]} : vector<32x1024xf32> to vector<1x1024xf32>
    %squeeze3A_313 = vector.shape_cast %slice3A_312 : vector<1x1024xf32> to vector<1024xf32>
    %broadcast_in_dim3A_314 = vector.shape_cast %squeeze3A_313 : vector<1024xf32> to vector<1x1024xf32>
    %jit3A_315 = arith.constant 0.000000e+00 : f32
    %broadcast_in_dim3A_316 = vector.shape_cast %broadcast_in_dim3A_314 : vector<1x1024xf32> to vector<1x1024xf32>
    %broadcast_in_dim3A_317 = vector.broadcast %broadcast_in_dim3A_316 : vector<1x1024xf32> to vector<32x1024xf32>
    %broadcast_in_dim3A_318 = vector.broadcast %jit3A_315 : f32 to vector<32x1024xf32>
    %select_n3A_319 = arith.select %eq3A_311, %broadcast_in_dim3A_317, %broadcast_in_dim3A_318 : vector<32x1024xi1>, vector<32x1024xf32>
    %convert_element_type3A_320 = arith.truncf %select_n3A_319 : vector<32x1024xf32> to vector<32x1024xbf16>
    %convert_element_type3A_321 = arith.extf %convert_element_type3A_320 : vector<32x1024xbf16> to vector<32x1024xf32>
    %sub3A_322 = arith.subf %select_n3A_319, %convert_element_type3A_321 : vector<32x1024xf32>
    %dot_general3A_323 = arith.constant dense<0.000000e+00> : vector<256x1024xf32>
    %dot_general3A_324 = tpu.matmul %get3A_1, %convert_element_type3A_321, %dot_general3A_323 {dimension_numbers = #tpu.dot_dimension_numbers<[1], [0], [0], [1], [0, 0, 1, 1], [], []>, transpose_lhs_hint = false} : vector<256x32xf32>, vector<32x1024xf32>, vector<256x1024xf32> -> vector<256x1024xf32>
    %dot_general3A_325 = arith.constant dense<0.000000e+00> : vector<256x1024xf32>
    %dot_general3A_326 = tpu.matmul %get3A_1, %sub3A_322, %dot_general3A_325 {dimension_numbers = #tpu.dot_dimension_numbers<[1], [0], [0], [1], [0, 0, 1, 1], [], []>, transpose_lhs_hint = false} : vector<256x32xf32>, vector<32x1024xf32>, vector<256x1024xf32> -> vector<256x1024xf32>
    %add3A_327 = arith.addf %dot_general3A_324, %dot_general3A_326 : vector<256x1024xf32>
    %dot_general3A_328 = arith.constant dense<0.000000e+00> : vector<256x1024xf32>
    %dot_general3A_329 = tpu.matmul %get3A_4, %convert_element_type3A_321, %dot_general3A_328 {dimension_numbers = #tpu.dot_dimension_numbers<[1], [0], [0], [1], [0, 0, 1, 1], [], []>, transpose_lhs_hint = false} : vector<256x32xf32>, vector<32x1024xf32>, vector<256x1024xf32> -> vector<256x1024xf32>
    %add3A_330 = arith.addf %add3A_327, %dot_general3A_329 : vector<256x1024xf32>
    %slice3A_331 = vector.extract_strided_slice %get3A_10 {offsets = [9, 0], sizes = [1, 1024], strides = [1, 1]} : vector<32x1024xf32> to vector<1x1024xf32>
    %squeeze3A_332 = vector.shape_cast %slice3A_331 : vector<1x1024xf32> to vector<1024xf32>
    %broadcast_in_dim3A_333 = vector.shape_cast %squeeze3A_332 : vector<1024xf32> to vector<1x1024xf32>
    %sub3A_334 = vector.broadcast %broadcast_in_dim3A_333 : vector<1x1024xf32> to vector<256x1024xf32>
    %sub3A_335 = arith.subf %add3A_330, %sub3A_334 : vector<256x1024xf32>
    %max3A_336 = arith.constant 0.000000e+00 : f32
    %max3A_337 = vector.broadcast %max3A_336 : f32 to vector<256x1024xf32>
    %max3A_338 = arith.maximumf %sub3A_335, %max3A_337 : vector<256x1024xf32>
    %mul3A_339 = arith.mulf %max3A_338, %max3A_338 : vector<256x1024xf32>
    %add3A_340 = arith.addf %add3A_306, %mul3A_339 : vector<256x1024xf32>
    %slice3A_341 = vector.extract_strided_slice %get3A_13 {offsets = [10, 0], sizes = [1, 1024], strides = [1, 1]} : vector<32x1024xi32> to vector<1x1024xi32>
    %squeeze3A_342 = vector.shape_cast %slice3A_341 : vector<1x1024xi32> to vector<1024xi32>
    %broadcast_in_dim3A_343 = vector.shape_cast %squeeze3A_342 : vector<1024xi32> to vector<1x1024xi32>
    %eq3A_344 = vector.broadcast %broadcast_in_dim3A_343 : vector<1x1024xi32> to vector<32x1024xi32>
    %eq3A_345 = arith.cmpi eq, %iota3A, %eq3A_344 : vector<32x1024xi32>
    %slice3A_346 = vector.extract_strided_slice %get3A_7 {offsets = [10, 0], sizes = [1, 1024], strides = [1, 1]} : vector<32x1024xf32> to vector<1x1024xf32>
    %squeeze3A_347 = vector.shape_cast %slice3A_346 : vector<1x1024xf32> to vector<1024xf32>
    %broadcast_in_dim3A_348 = vector.shape_cast %squeeze3A_347 : vector<1024xf32> to vector<1x1024xf32>
    %jit3A_349 = arith.constant 0.000000e+00 : f32
    %broadcast_in_dim3A_350 = vector.shape_cast %broadcast_in_dim3A_348 : vector<1x1024xf32> to vector<1x1024xf32>
    %broadcast_in_dim3A_351 = vector.broadcast %broadcast_in_dim3A_350 : vector<1x1024xf32> to vector<32x1024xf32>
    %broadcast_in_dim3A_352 = vector.broadcast %jit3A_349 : f32 to vector<32x1024xf32>
    %select_n3A_353 = arith.select %eq3A_345, %broadcast_in_dim3A_351, %broadcast_in_dim3A_352 : vector<32x1024xi1>, vector<32x1024xf32>
    %convert_element_type3A_354 = arith.truncf %select_n3A_353 : vector<32x1024xf32> to vector<32x1024xbf16>
    %convert_element_type3A_355 = arith.extf %convert_element_type3A_354 : vector<32x1024xbf16> to vector<32x1024xf32>
    %sub3A_356 = arith.subf %select_n3A_353, %convert_element_type3A_355 : vector<32x1024xf32>
    %dot_general3A_357 = arith.constant dense<0.000000e+00> : vector<256x1024xf32>
    %dot_general3A_358 = tpu.matmul %get3A_1, %convert_element_type3A_355, %dot_general3A_357 {dimension_numbers = #tpu.dot_dimension_numbers<[1], [0], [0], [1], [0, 0, 1, 1], [], []>, transpose_lhs_hint = false} : vector<256x32xf32>, vector<32x1024xf32>, vector<256x1024xf32> -> vector<256x1024xf32>
    %dot_general3A_359 = arith.constant dense<0.000000e+00> : vector<256x1024xf32>
    %dot_general3A_360 = tpu.matmul %get3A_1, %sub3A_356, %dot_general3A_359 {dimension_numbers = #tpu.dot_dimension_numbers<[1], [0], [0], [1], [0, 0, 1, 1], [], []>, transpose_lhs_hint = false} : vector<256x32xf32>, vector<32x1024xf32>, vector<256x1024xf32> -> vector<256x1024xf32>
    %add3A_361 = arith.addf %dot_general3A_358, %dot_general3A_360 : vector<256x1024xf32>
    %dot_general3A_362 = arith.constant dense<0.000000e+00> : vector<256x1024xf32>
    %dot_general3A_363 = tpu.matmul %get3A_4, %convert_element_type3A_355, %dot_general3A_362 {dimension_numbers = #tpu.dot_dimension_numbers<[1], [0], [0], [1], [0, 0, 1, 1], [], []>, transpose_lhs_hint = false} : vector<256x32xf32>, vector<32x1024xf32>, vector<256x1024xf32> -> vector<256x1024xf32>
    %add3A_364 = arith.addf %add3A_361, %dot_general3A_363 : vector<256x1024xf32>
    %slice3A_365 = vector.extract_strided_slice %get3A_10 {offsets = [10, 0], sizes = [1, 1024], strides = [1, 1]} : vector<32x1024xf32> to vector<1x1024xf32>
    %squeeze3A_366 = vector.shape_cast %slice3A_365 : vector<1x1024xf32> to vector<1024xf32>
    %broadcast_in_dim3A_367 = vector.shape_cast %squeeze3A_366 : vector<1024xf32> to vector<1x1024xf32>
    %sub3A_368 = vector.broadcast %broadcast_in_dim3A_367 : vector<1x1024xf32> to vector<256x1024xf32>
    %sub3A_369 = arith.subf %add3A_364, %sub3A_368 : vector<256x1024xf32>
    %max3A_370 = arith.constant 0.000000e+00 : f32
    %max3A_371 = vector.broadcast %max3A_370 : f32 to vector<256x1024xf32>
    %max3A_372 = arith.maximumf %sub3A_369, %max3A_371 : vector<256x1024xf32>
    %mul3A_373 = arith.mulf %max3A_372, %max3A_372 : vector<256x1024xf32>
    %add3A_374 = arith.addf %add3A_340, %mul3A_373 : vector<256x1024xf32>
    %slice3A_375 = vector.extract_strided_slice %get3A_13 {offsets = [11, 0], sizes = [1, 1024], strides = [1, 1]} : vector<32x1024xi32> to vector<1x1024xi32>
    %squeeze3A_376 = vector.shape_cast %slice3A_375 : vector<1x1024xi32> to vector<1024xi32>
    %broadcast_in_dim3A_377 = vector.shape_cast %squeeze3A_376 : vector<1024xi32> to vector<1x1024xi32>
    %eq3A_378 = vector.broadcast %broadcast_in_dim3A_377 : vector<1x1024xi32> to vector<32x1024xi32>
    %eq3A_379 = arith.cmpi eq, %iota3A, %eq3A_378 : vector<32x1024xi32>
    %slice3A_380 = vector.extract_strided_slice %get3A_7 {offsets = [11, 0], sizes = [1, 1024], strides = [1, 1]} : vector<32x1024xf32> to vector<1x1024xf32>
    %squeeze3A_381 = vector.shape_cast %slice3A_380 : vector<1x1024xf32> to vector<1024xf32>
    %broadcast_in_dim3A_382 = vector.shape_cast %squeeze3A_381 : vector<1024xf32> to vector<1x1024xf32>
    %jit3A_383 = arith.constant 0.000000e+00 : f32
    %broadcast_in_dim3A_384 = vector.shape_cast %broadcast_in_dim3A_382 : vector<1x1024xf32> to vector<1x1024xf32>
    %broadcast_in_dim3A_385 = vector.broadcast %broadcast_in_dim3A_384 : vector<1x1024xf32> to vector<32x1024xf32>
    %broadcast_in_dim3A_386 = vector.broadcast %jit3A_383 : f32 to vector<32x1024xf32>
    %select_n3A_387 = arith.select %eq3A_379, %broadcast_in_dim3A_385, %broadcast_in_dim3A_386 : vector<32x1024xi1>, vector<32x1024xf32>
    %convert_element_type3A_388 = arith.truncf %select_n3A_387 : vector<32x1024xf32> to vector<32x1024xbf16>
    %convert_element_type3A_389 = arith.extf %convert_element_type3A_388 : vector<32x1024xbf16> to vector<32x1024xf32>
    %sub3A_390 = arith.subf %select_n3A_387, %convert_element_type3A_389 : vector<32x1024xf32>
    %dot_general3A_391 = arith.constant dense<0.000000e+00> : vector<256x1024xf32>
    %dot_general3A_392 = tpu.matmul %get3A_1, %convert_element_type3A_389, %dot_general3A_391 {dimension_numbers = #tpu.dot_dimension_numbers<[1], [0], [0], [1], [0, 0, 1, 1], [], []>, transpose_lhs_hint = false} : vector<256x32xf32>, vector<32x1024xf32>, vector<256x1024xf32> -> vector<256x1024xf32>
    %dot_general3A_393 = arith.constant dense<0.000000e+00> : vector<256x1024xf32>
    %dot_general3A_394 = tpu.matmul %get3A_1, %sub3A_390, %dot_general3A_393 {dimension_numbers = #tpu.dot_dimension_numbers<[1], [0], [0], [1], [0, 0, 1, 1], [], []>, transpose_lhs_hint = false} : vector<256x32xf32>, vector<32x1024xf32>, vector<256x1024xf32> -> vector<256x1024xf32>
    %add3A_395 = arith.addf %dot_general3A_392, %dot_general3A_394 : vector<256x1024xf32>
    %dot_general3A_396 = arith.constant dense<0.000000e+00> : vector<256x1024xf32>
    %dot_general3A_397 = tpu.matmul %get3A_4, %convert_element_type3A_389, %dot_general3A_396 {dimension_numbers = #tpu.dot_dimension_numbers<[1], [0], [0], [1], [0, 0, 1, 1], [], []>, transpose_lhs_hint = false} : vector<256x32xf32>, vector<32x1024xf32>, vector<256x1024xf32> -> vector<256x1024xf32>
    %add3A_398 = arith.addf %add3A_395, %dot_general3A_397 : vector<256x1024xf32>
    %slice3A_399 = vector.extract_strided_slice %get3A_10 {offsets = [11, 0], sizes = [1, 1024], strides = [1, 1]} : vector<32x1024xf32> to vector<1x1024xf32>
    %squeeze3A_400 = vector.shape_cast %slice3A_399 : vector<1x1024xf32> to vector<1024xf32>
    %broadcast_in_dim3A_401 = vector.shape_cast %squeeze3A_400 : vector<1024xf32> to vector<1x1024xf32>
    %sub3A_402 = vector.broadcast %broadcast_in_dim3A_401 : vector<1x1024xf32> to vector<256x1024xf32>
    %sub3A_403 = arith.subf %add3A_398, %sub3A_402 : vector<256x1024xf32>
    %max3A_404 = arith.constant 0.000000e+00 : f32
    %max3A_405 = vector.broadcast %max3A_404 : f32 to vector<256x1024xf32>
    %max3A_406 = arith.maximumf %sub3A_403, %max3A_405 : vector<256x1024xf32>
    %mul3A_407 = arith.mulf %max3A_406, %max3A_406 : vector<256x1024xf32>
    %add3A_408 = arith.addf %add3A_374, %mul3A_407 : vector<256x1024xf32>
    %swap3A = arith.constant 0 : index
    %swap3A_409 = arith.constant 0 : index
    %swap3A_410 = vector.load %arg9[%swap3A, %swap3A_409] : memref<256x1024xf32, #tpu.memory_space<vmem>>, vector<256x1024xf32>
    tpu.vector_store %arg9[%swap3A, %swap3A_409], %add3A_408 {strides = array<i32>} : memref<256x1024xf32, #tpu.memory_space<vmem>>, vector<256x1024xf32>,
    %mul3A_411 = arith.constant 4 : i32
    %mul3A_412 = arith.muli %mul3A_411, %arg0 : i32
    %mul3A_413 = arith.constant 16 : i32
    %mul3A_414 = arith.muli %mul3A_412, %mul3A_413 : i32
    %get3A_415 = arith.index_cast %mul3A_414 : i32 to index
    %get3A_416 = memref.load %arg1[%get3A_415] : memref<512xi32, #tpu.memory_space<smem>>
    %mul3A_417 = arith.constant 4 : i32
    %mul3A_418 = arith.muli %mul3A_417, %arg0 : i32
    %add3A_419 = arith.constant 1 : i32
    %add3A_420 = arith.addi %mul3A_418, %add3A_419 : i32
    %mul3A_421 = arith.constant 16 : i32
    %mul3A_422 = arith.muli %add3A_420, %mul3A_421 : i32
    %get3A_423 = arith.index_cast %mul3A_422 : i32 to index
    %get3A_424 = memref.load %arg1[%get3A_423] : memref<512xi32, #tpu.memory_space<smem>>
    %add3A_425 = arith.addi %get3A_416, %get3A_424 : i32
    %mul3A_426 = arith.constant 4 : i32
    %mul3A_427 = arith.muli %mul3A_426, %arg0 : i32
    %add3A_428 = arith.constant 2 : i32
    %add3A_429 = arith.addi %mul3A_427, %add3A_428 : i32
    %mul3A_430 = arith.constant 16 : i32
    %mul3A_431 = arith.muli %add3A_429, %mul3A_430 : i32
    %get3A_432 = arith.index_cast %mul3A_431 : i32 to index
    %get3A_433 = memref.load %arg1[%get3A_432] : memref<512xi32, #tpu.memory_space<smem>>
    %add3A_434 = arith.addi %add3A_425, %get3A_433 : i32
    %mul3A_435 = arith.constant 4 : i32
    %mul3A_436 = arith.muli %mul3A_435, %arg0 : i32
    %add3A_437 = arith.constant 3 : i32
    %add3A_438 = arith.addi %mul3A_436, %add3A_437 : i32
    %mul3A_439 = arith.constant 16 : i32
    %mul3A_440 = arith.muli %add3A_438, %mul3A_439 : i32
    %get3A_441 = arith.index_cast %mul3A_440 : i32 to index
    %get3A_442 = memref.load %arg1[%get3A_441] : memref<512xi32, #tpu.memory_space<smem>>
    %add3A_443 = arith.addi %add3A_434, %get3A_442 : i32
    %gt3A = arith.constant 0 : i32
    %gt3A_444 = arith.cmpi sgt, %add3A_443, %gt3A : i32
    %convert_element_type3A_445 = arith.extui %gt3A_444 : i1 to i32
    %cond3A = arith.constant 0 : i32
    %cond3A_446 = arith.cmpi ne, %convert_element_type3A_445, %cond3A : i32
    scf.if %cond3A_446 {
      %get3A_468 = arith.constant 0 : index
      %get3A_469 = arith.constant 0 : index
      %get3A_470 = vector.load %arg9[%get3A_468, %get3A_469] : memref<256x1024xf32, #tpu.memory_space<vmem>>, vector<256x1024xf32>
      %slice3A_471 = vector.extract_strided_slice %get3A_13 {offsets = [12, 0], sizes = [1, 1024], strides = [1, 1]} : vector<32x1024xi32> to vector<1x1024xi32>
      %squeeze3A_472 = vector.shape_cast %slice3A_471 : vector<1x1024xi32> to vector<1024xi32>
      %broadcast_in_dim3A_473 = vector.shape_cast %squeeze3A_472 : vector<1024xi32> to vector<1x1024xi32>
      %eq3A_474 = vector.broadcast %broadcast_in_dim3A_473 : vector<1x1024xi32> to vector<32x1024xi32>
      %eq3A_475 = arith.cmpi eq, %iota3A, %eq3A_474 : vector<32x1024xi32>
      %slice3A_476 = vector.extract_strided_slice %get3A_7 {offsets = [12, 0], sizes = [1, 1024], strides = [1, 1]} : vector<32x1024xf32> to vector<1x1024xf32>
      %squeeze3A_477 = vector.shape_cast %slice3A_476 : vector<1x1024xf32> to vector<1024xf32>
      %broadcast_in_dim3A_478 = vector.shape_cast %squeeze3A_477 : vector<1024xf32> to vector<1x1024xf32>
      %jit3A_479 = arith.constant 0.000000e+00 : f32
      %broadcast_in_dim3A_480 = vector.shape_cast %broadcast_in_dim3A_478 : vector<1x1024xf32> to vector<1x1024xf32>
      %broadcast_in_dim3A_481 = vector.broadcast %broadcast_in_dim3A_480 : vector<1x1024xf32> to vector<32x1024xf32>
      %broadcast_in_dim3A_482 = vector.broadcast %jit3A_479 : f32 to vector<32x1024xf32>
      %select_n3A_483 = arith.select %eq3A_475, %broadcast_in_dim3A_481, %broadcast_in_dim3A_482 : vector<32x1024xi1>, vector<32x1024xf32>
      %convert_element_type3A_484 = arith.truncf %select_n3A_483 : vector<32x1024xf32> to vector<32x1024xbf16>
      %convert_element_type3A_485 = arith.extf %convert_element_type3A_484 : vector<32x1024xbf16> to vector<32x1024xf32>
      %sub3A_486 = arith.subf %select_n3A_483, %convert_element_type3A_485 : vector<32x1024xf32>
      %dot_general3A_487 = arith.constant dense<0.000000e+00> : vector<256x1024xf32>
      %dot_general3A_488 = tpu.matmul %get3A_1, %convert_element_type3A_485, %dot_general3A_487 {dimension_numbers = #tpu.dot_dimension_numbers<[1], [0], [0], [1], [0, 0, 1, 1], [], []>, transpose_lhs_hint = false} : vector<256x32xf32>, vector<32x1024xf32>, vector<256x1024xf32> -> vector<256x1024xf32>
      %dot_general3A_489 = arith.constant dense<0.000000e+00> : vector<256x1024xf32>
      %dot_general3A_490 = tpu.matmul %get3A_1, %sub3A_486, %dot_general3A_489 {dimension_numbers = #tpu.dot_dimension_numbers<[1], [0], [0], [1], [0, 0, 1, 1], [], []>, transpose_lhs_hint = false} : vector<256x32xf32>, vector<32x1024xf32>, vector<256x1024xf32> -> vector<256x1024xf32>
      %add3A_491 = arith.addf %dot_general3A_488, %dot_general3A_490 : vector<256x1024xf32>
      %dot_general3A_492 = arith.constant dense<0.000000e+00> : vector<256x1024xf32>
      %dot_general3A_493 = tpu.matmul %get3A_4, %convert_element_type3A_485, %dot_general3A_492 {dimension_numbers = #tpu.dot_dimension_numbers<[1], [0], [0], [1], [0, 0, 1, 1], [], []>, transpose_lhs_hint = false} : vector<256x32xf32>, vector<32x1024xf32>, vector<256x1024xf32> -> vector<256x1024xf32>
      %add3A_494 = arith.addf %add3A_491, %dot_general3A_493 : vector<256x1024xf32>
      %slice3A_495 = vector.extract_strided_slice %get3A_10 {offsets = [12, 0], sizes = [1, 1024], strides = [1, 1]} : vector<32x1024xf32> to vector<1x1024xf32>
      %squeeze3A_496 = vector.shape_cast %slice3A_495 : vector<1x1024xf32> to vector<1024xf32>
      %broadcast_in_dim3A_497 = vector.shape_cast %squeeze3A_496 : vector<1024xf32> to vector<1x1024xf32>
      %sub3A_498 = vector.broadcast %broadcast_in_dim3A_497 : vector<1x1024xf32> to vector<256x1024xf32>
      %sub3A_499 = arith.subf %add3A_494, %sub3A_498 : vector<256x1024xf32>
      %max3A_500 = arith.constant 0.000000e+00 : f32
      %max3A_501 = vector.broadcast %max3A_500 : f32 to vector<256x1024xf32>
      %max3A_502 = arith.maximumf %sub3A_499, %max3A_501 : vector<256x1024xf32>
      %mul3A_503 = arith.mulf %max3A_502, %max3A_502 : vector<256x1024xf32>
      %slice3A_504 = vector.extract_strided_slice %get3A_13 {offsets = [13, 0], sizes = [1, 1024], strides = [1, 1]} : vector<32x1024xi32> to vector<1x1024xi32>
      %squeeze3A_505 = vector.shape_cast %slice3A_504 : vector<1x1024xi32> to vector<1024xi32>
      %broadcast_in_dim3A_506 = vector.shape_cast %squeeze3A_505 : vector<1024xi32> to vector<1x1024xi32>
      %eq3A_507 = vector.broadcast %broadcast_in_dim3A_506 : vector<1x1024xi32> to vector<32x1024xi32>
      %eq3A_508 = arith.cmpi eq, %iota3A, %eq3A_507 : vector<32x1024xi32>
      %slice3A_509 = vector.extract_strided_slice %get3A_7 {offsets = [13, 0], sizes = [1, 1024], strides = [1, 1]} : vector<32x1024xf32> to vector<1x1024xf32>
      %squeeze3A_510 = vector.shape_cast %slice3A_509 : vector<1x1024xf32> to vector<1024xf32>
      %broadcast_in_dim3A_511 = vector.shape_cast %squeeze3A_510 : vector<1024xf32> to vector<1x1024xf32>
      %jit3A_512 = arith.constant 0.000000e+00 : f32
      %broadcast_in_dim3A_513 = vector.shape_cast %broadcast_in_dim3A_511 : vector<1x1024xf32> to vector<1x1024xf32>
      %broadcast_in_dim3A_514 = vector.broadcast %broadcast_in_dim3A_513 : vector<1x1024xf32> to vector<32x1024xf32>
      %broadcast_in_dim3A_515 = vector.broadcast %jit3A_512 : f32 to vector<32x1024xf32>
      %select_n3A_516 = arith.select %eq3A_508, %broadcast_in_dim3A_514, %broadcast_in_dim3A_515 : vector<32x1024xi1>, vector<32x1024xf32>
      %convert_element_type3A_517 = arith.truncf %select_n3A_516 : vector<32x1024xf32> to vector<32x1024xbf16>
      %convert_element_type3A_518 = arith.extf %convert_element_type3A_517 : vector<32x1024xbf16> to vector<32x1024xf32>
      %sub3A_519 = arith.subf %select_n3A_516, %convert_element_type3A_518 : vector<32x1024xf32>
      %dot_general3A_520 = arith.constant dense<0.000000e+00> : vector<256x1024xf32>
      %dot_general3A_521 = tpu.matmul %get3A_1, %convert_element_type3A_518, %dot_general3A_520 {dimension_numbers = #tpu.dot_dimension_numbers<[1], [0], [0], [1], [0, 0, 1, 1], [], []>, transpose_lhs_hint = false} : vector<256x32xf32>, vector<32x1024xf32>, vector<256x1024xf32> -> vector<256x1024xf32>
      %dot_general3A_522 = arith.constant dense<0.000000e+00> : vector<256x1024xf32>
      %dot_general3A_523 = tpu.matmul %get3A_1, %sub3A_519, %dot_general3A_522 {dimension_numbers = #tpu.dot_dimension_numbers<[1], [0], [0], [1], [0, 0, 1, 1], [], []>, transpose_lhs_hint = false} : vector<256x32xf32>, vector<32x1024xf32>, vector<256x1024xf32> -> vector<256x1024xf32>
      %add3A_524 = arith.addf %dot_general3A_521, %dot_general3A_523 : vector<256x1024xf32>
      %dot_general3A_525 = arith.constant dense<0.000000e+00> : vector<256x1024xf32>
      %dot_general3A_526 = tpu.matmul %get3A_4, %convert_element_type3A_518, %dot_general3A_525 {dimension_numbers = #tpu.dot_dimension_numbers<[1], [0], [0], [1], [0, 0, 1, 1], [], []>, transpose_lhs_hint = false} : vector<256x32xf32>, vector<32x1024xf32>, vector<256x1024xf32> -> vector<256x1024xf32>
      %add3A_527 = arith.addf %add3A_524, %dot_general3A_526 : vector<256x1024xf32>
      %slice3A_528 = vector.extract_strided_slice %get3A_10 {offsets = [13, 0], sizes = [1, 1024], strides = [1, 1]} : vector<32x1024xf32> to vector<1x1024xf32>
      %squeeze3A_529 = vector.shape_cast %slice3A_528 : vector<1x1024xf32> to vector<1024xf32>
      %broadcast_in_dim3A_530 = vector.shape_cast %squeeze3A_529 : vector<1024xf32> to vector<1x1024xf32>
      %sub3A_531 = vector.broadcast %broadcast_in_dim3A_530 : vector<1x1024xf32> to vector<256x1024xf32>
      %sub3A_532 = arith.subf %add3A_527, %sub3A_531 : vector<256x1024xf32>
      %max3A_533 = arith.constant 0.000000e+00 : f32
      %max3A_534 = vector.broadcast %max3A_533 : f32 to vector<256x1024xf32>
      %max3A_535 = arith.maximumf %sub3A_532, %max3A_534 : vector<256x1024xf32>
      %mul3A_536 = arith.mulf %max3A_535, %max3A_535 : vector<256x1024xf32>
      %add3A_537 = arith.addf %mul3A_503, %mul3A_536 : vector<256x1024xf32>
      %slice3A_538 = vector.extract_strided_slice %get3A_13 {offsets = [14, 0], sizes = [1, 1024], strides = [1, 1]} : vector<32x1024xi32> to vector<1x1024xi32>
      %squeeze3A_539 = vector.shape_cast %slice3A_538 : vector<1x1024xi32> to vector<1024xi32>
      %broadcast_in_dim3A_540 = vector.shape_cast %squeeze3A_539 : vector<1024xi32> to vector<1x1024xi32>
      %eq3A_541 = vector.broadcast %broadcast_in_dim3A_540 : vector<1x1024xi32> to vector<32x1024xi32>
      %eq3A_542 = arith.cmpi eq, %iota3A, %eq3A_541 : vector<32x1024xi32>
      %slice3A_543 = vector.extract_strided_slice %get3A_7 {offsets = [14, 0], sizes = [1, 1024], strides = [1, 1]} : vector<32x1024xf32> to vector<1x1024xf32>
      %squeeze3A_544 = vector.shape_cast %slice3A_543 : vector<1x1024xf32> to vector<1024xf32>
      %broadcast_in_dim3A_545 = vector.shape_cast %squeeze3A_544 : vector<1024xf32> to vector<1x1024xf32>
      %jit3A_546 = arith.constant 0.000000e+00 : f32
      %broadcast_in_dim3A_547 = vector.shape_cast %broadcast_in_dim3A_545 : vector<1x1024xf32> to vector<1x1024xf32>
      %broadcast_in_dim3A_548 = vector.broadcast %broadcast_in_dim3A_547 : vector<1x1024xf32> to vector<32x1024xf32>
      %broadcast_in_dim3A_549 = vector.broadcast %jit3A_546 : f32 to vector<32x1024xf32>
      %select_n3A_550 = arith.select %eq3A_542, %broadcast_in_dim3A_548, %broadcast_in_dim3A_549 : vector<32x1024xi1>, vector<32x1024xf32>
      %convert_element_type3A_551 = arith.truncf %select_n3A_550 : vector<32x1024xf32> to vector<32x1024xbf16>
      %convert_element_type3A_552 = arith.extf %convert_element_type3A_551 : vector<32x1024xbf16> to vector<32x1024xf32>
      %sub3A_553 = arith.subf %select_n3A_550, %convert_element_type3A_552 : vector<32x1024xf32>
      %dot_general3A_554 = arith.constant dense<0.000000e+00> : vector<256x1024xf32>
      %dot_general3A_555 = tpu.matmul %get3A_1, %convert_element_type3A_552, %dot_general3A_554 {dimension_numbers = #tpu.dot_dimension_numbers<[1], [0], [0], [1], [0, 0, 1, 1], [], []>, transpose_lhs_hint = false} : vector<256x32xf32>, vector<32x1024xf32>, vector<256x1024xf32> -> vector<256x1024xf32>
      %dot_general3A_556 = arith.constant dense<0.000000e+00> : vector<256x1024xf32>
      %dot_general3A_557 = tpu.matmul %get3A_1, %sub3A_553, %dot_general3A_556 {dimension_numbers = #tpu.dot_dimension_numbers<[1], [0], [0], [1], [0, 0, 1, 1], [], []>, transpose_lhs_hint = false} : vector<256x32xf32>, vector<32x1024xf32>, vector<256x1024xf32> -> vector<256x1024xf32>
      %add3A_558 = arith.addf %dot_general3A_555, %dot_general3A_557 : vector<256x1024xf32>
      %dot_general3A_559 = arith.constant dense<0.000000e+00> : vector<256x1024xf32>
      %dot_general3A_560 = tpu.matmul %get3A_4, %convert_element_type3A_552, %dot_general3A_559 {dimension_numbers = #tpu.dot_dimension_numbers<[1], [0], [0], [1], [0, 0, 1, 1], [], []>, transpose_lhs_hint = false} : vector<256x32xf32>, vector<32x1024xf32>, vector<256x1024xf32> -> vector<256x1024xf32>
      %add3A_561 = arith.addf %add3A_558, %dot_general3A_560 : vector<256x1024xf32>
      %slice3A_562 = vector.extract_strided_slice %get3A_10 {offsets = [14, 0], sizes = [1, 1024], strides = [1, 1]} : vector<32x1024xf32> to vector<1x1024xf32>
      %squeeze3A_563 = vector.shape_cast %slice3A_562 : vector<1x1024xf32> to vector<1024xf32>
      %broadcast_in_dim3A_564 = vector.shape_cast %squeeze3A_563 : vector<1024xf32> to vector<1x1024xf32>
      %sub3A_565 = vector.broadcast %broadcast_in_dim3A_564 : vector<1x1024xf32> to vector<256x1024xf32>
      %sub3A_566 = arith.subf %add3A_561, %sub3A_565 : vector<256x1024xf32>
      %max3A_567 = arith.constant 0.000000e+00 : f32
      %max3A_568 = vector.broadcast %max3A_567 : f32 to vector<256x1024xf32>
      %max3A_569 = arith.maximumf %sub3A_566, %max3A_568 : vector<256x1024xf32>
      %mul3A_570 = arith.mulf %max3A_569, %max3A_569 : vector<256x1024xf32>
      %add3A_571 = arith.addf %add3A_537, %mul3A_570 : vector<256x1024xf32>
      %slice3A_572 = vector.extract_strided_slice %get3A_13 {offsets = [15, 0], sizes = [1, 1024], strides = [1, 1]} : vector<32x1024xi32> to vector<1x1024xi32>
      %squeeze3A_573 = vector.shape_cast %slice3A_572 : vector<1x1024xi32> to vector<1024xi32>
      %broadcast_in_dim3A_574 = vector.shape_cast %squeeze3A_573 : vector<1024xi32> to vector<1x1024xi32>
      %eq3A_575 = vector.broadcast %broadcast_in_dim3A_574 : vector<1x1024xi32> to vector<32x1024xi32>
      %eq3A_576 = arith.cmpi eq, %iota3A, %eq3A_575 : vector<32x1024xi32>
      %slice3A_577 = vector.extract_strided_slice %get3A_7 {offsets = [15, 0], sizes = [1, 1024], strides = [1, 1]} : vector<32x1024xf32> to vector<1x1024xf32>
      %squeeze3A_578 = vector.shape_cast %slice3A_577 : vector<1x1024xf32> to vector<1024xf32>
      %broadcast_in_dim3A_579 = vector.shape_cast %squeeze3A_578 : vector<1024xf32> to vector<1x1024xf32>
      %jit3A_580 = arith.constant 0.000000e+00 : f32
      %broadcast_in_dim3A_581 = vector.shape_cast %broadcast_in_dim3A_579 : vector<1x1024xf32> to vector<1x1024xf32>
      %broadcast_in_dim3A_582 = vector.broadcast %broadcast_in_dim3A_581 : vector<1x1024xf32> to vector<32x1024xf32>
      %broadcast_in_dim3A_583 = vector.broadcast %jit3A_580 : f32 to vector<32x1024xf32>
      %select_n3A_584 = arith.select %eq3A_576, %broadcast_in_dim3A_582, %broadcast_in_dim3A_583 : vector<32x1024xi1>, vector<32x1024xf32>
      %convert_element_type3A_585 = arith.truncf %select_n3A_584 : vector<32x1024xf32> to vector<32x1024xbf16>
      %convert_element_type3A_586 = arith.extf %convert_element_type3A_585 : vector<32x1024xbf16> to vector<32x1024xf32>
      %sub3A_587 = arith.subf %select_n3A_584, %convert_element_type3A_586 : vector<32x1024xf32>
      %dot_general3A_588 = arith.constant dense<0.000000e+00> : vector<256x1024xf32>
      %dot_general3A_589 = tpu.matmul %get3A_1, %convert_element_type3A_586, %dot_general3A_588 {dimension_numbers = #tpu.dot_dimension_numbers<[1], [0], [0], [1], [0, 0, 1, 1], [], []>, transpose_lhs_hint = false} : vector<256x32xf32>, vector<32x1024xf32>, vector<256x1024xf32> -> vector<256x1024xf32>
      %dot_general3A_590 = arith.constant dense<0.000000e+00> : vector<256x1024xf32>
      %dot_general3A_591 = tpu.matmul %get3A_1, %sub3A_587, %dot_general3A_590 {dimension_numbers = #tpu.dot_dimension_numbers<[1], [0], [0], [1], [0, 0, 1, 1], [], []>, transpose_lhs_hint = false} : vector<256x32xf32>, vector<32x1024xf32>, vector<256x1024xf32> -> vector<256x1024xf32>
      %add3A_592 = arith.addf %dot_general3A_589, %dot_general3A_591 : vector<256x1024xf32>
      %dot_general3A_593 = arith.constant dense<0.000000e+00> : vector<256x1024xf32>
      %dot_general3A_594 = tpu.matmul %get3A_4, %convert_element_type3A_586, %dot_general3A_593 {dimension_numbers = #tpu.dot_dimension_numbers<[1], [0], [0], [1], [0, 0, 1, 1], [], []>, transpose_lhs_hint = false} : vector<256x32xf32>, vector<32x1024xf32>, vector<256x1024xf32> -> vector<256x1024xf32>
      %add3A_595 = arith.addf %add3A_592, %dot_general3A_594 : vector<256x1024xf32>
      %slice3A_596 = vector.extract_strided_slice %get3A_10 {offsets = [15, 0], sizes = [1, 1024], strides = [1, 1]} : vector<32x1024xf32> to vector<1x1024xf32>
      %squeeze3A_597 = vector.shape_cast %slice3A_596 : vector<1x1024xf32> to vector<1024xf32>
      %broadcast_in_dim3A_598 = vector.shape_cast %squeeze3A_597 : vector<1024xf32> to vector<1x1024xf32>
      %sub3A_599 = vector.broadcast %broadcast_in_dim3A_598 : vector<1x1024xf32> to vector<256x1024xf32>
      %sub3A_600 = arith.subf %add3A_595, %sub3A_599 : vector<256x1024xf32>
      %max3A_601 = arith.constant 0.000000e+00 : f32
      %max3A_602 = vector.broadcast %max3A_601 : f32 to vector<256x1024xf32>
      %max3A_603 = arith.maximumf %sub3A_600, %max3A_602 : vector<256x1024xf32>
      %mul3A_604 = arith.mulf %max3A_603, %max3A_603 : vector<256x1024xf32>
      %add3A_605 = arith.addf %add3A_571, %mul3A_604 : vector<256x1024xf32>
      %slice3A_606 = vector.extract_strided_slice %get3A_13 {offsets = [16, 0], sizes = [1, 1024], strides = [1, 1]} : vector<32x1024xi32> to vector<1x1024xi32>
      %squeeze3A_607 = vector.shape_cast %slice3A_606 : vector<1x1024xi32> to vector<1024xi32>
      %broadcast_in_dim3A_608 = vector.shape_cast %squeeze3A_607 : vector<1024xi32> to vector<1x1024xi32>
      %eq3A_609 = vector.broadcast %broadcast_in_dim3A_608 : vector<1x1024xi32> to vector<32x1024xi32>
      %eq3A_610 = arith.cmpi eq, %iota3A, %eq3A_609 : vector<32x1024xi32>
      %slice3A_611 = vector.extract_strided_slice %get3A_7 {offsets = [16, 0], sizes = [1, 1024], strides = [1, 1]} : vector<32x1024xf32> to vector<1x1024xf32>
      %squeeze3A_612 = vector.shape_cast %slice3A_611 : vector<1x1024xf32> to vector<1024xf32>
      %broadcast_in_dim3A_613 = vector.shape_cast %squeeze3A_612 : vector<1024xf32> to vector<1x1024xf32>
      %jit3A_614 = arith.constant 0.000000e+00 : f32
      %broadcast_in_dim3A_615 = vector.shape_cast %broadcast_in_dim3A_613 : vector<1x1024xf32> to vector<1x1024xf32>
      %broadcast_in_dim3A_616 = vector.broadcast %broadcast_in_dim3A_615 : vector<1x1024xf32> to vector<32x1024xf32>
      %broadcast_in_dim3A_617 = vector.broadcast %jit3A_614 : f32 to vector<32x1024xf32>
      %select_n3A_618 = arith.select %eq3A_610, %broadcast_in_dim3A_616, %broadcast_in_dim3A_617 : vector<32x1024xi1>, vector<32x1024xf32>
      %convert_element_type3A_619 = arith.truncf %select_n3A_618 : vector<32x1024xf32> to vector<32x1024xbf16>
      %convert_element_type3A_620 = arith.extf %convert_element_type3A_619 : vector<32x1024xbf16> to vector<32x1024xf32>
      %sub3A_621 = arith.subf %select_n3A_618, %convert_element_type3A_620 : vector<32x1024xf32>
      %dot_general3A_622 = arith.constant dense<0.000000e+00> : vector<256x1024xf32>
      %dot_general3A_623 = tpu.matmul %get3A_1, %convert_element_type3A_620, %dot_general3A_622 {dimension_numbers = #tpu.dot_dimension_numbers<[1], [0], [0], [1], [0, 0, 1, 1], [], []>, transpose_lhs_hint = false} : vector<256x32xf32>, vector<32x1024xf32>, vector<256x1024xf32> -> vector<256x1024xf32>
      %dot_general3A_624 = arith.constant dense<0.000000e+00> : vector<256x1024xf32>
      %dot_general3A_625 = tpu.matmul %get3A_1, %sub3A_621, %dot_general3A_624 {dimension_numbers = #tpu.dot_dimension_numbers<[1], [0], [0], [1], [0, 0, 1, 1], [], []>, transpose_lhs_hint = false} : vector<256x32xf32>, vector<32x1024xf32>, vector<256x1024xf32> -> vector<256x1024xf32>
      %add3A_626 = arith.addf %dot_general3A_623, %dot_general3A_625 : vector<256x1024xf32>
      %dot_general3A_627 = arith.constant dense<0.000000e+00> : vector<256x1024xf32>
      %dot_general3A_628 = tpu.matmul %get3A_4, %convert_element_type3A_620, %dot_general3A_627 {dimension_numbers = #tpu.dot_dimension_numbers<[1], [0], [0], [1], [0, 0, 1, 1], [], []>, transpose_lhs_hint = false} : vector<256x32xf32>, vector<32x1024xf32>, vector<256x1024xf32> -> vector<256x1024xf32>
      %add3A_629 = arith.addf %add3A_626, %dot_general3A_628 : vector<256x1024xf32>
      %slice3A_630 = vector.extract_strided_slice %get3A_10 {offsets = [16, 0], sizes = [1, 1024], strides = [1, 1]} : vector<32x1024xf32> to vector<1x1024xf32>
      %squeeze3A_631 = vector.shape_cast %slice3A_630 : vector<1x1024xf32> to vector<1024xf32>
      %broadcast_in_dim3A_632 = vector.shape_cast %squeeze3A_631 : vector<1024xf32> to vector<1x1024xf32>
      %sub3A_633 = vector.broadcast %broadcast_in_dim3A_632 : vector<1x1024xf32> to vector<256x1024xf32>
      %sub3A_634 = arith.subf %add3A_629, %sub3A_633 : vector<256x1024xf32>
      %max3A_635 = arith.constant 0.000000e+00 : f32
      %max3A_636 = vector.broadcast %max3A_635 : f32 to vector<256x1024xf32>
      %max3A_637 = arith.maximumf %sub3A_634, %max3A_636 : vector<256x1024xf32>
      %mul3A_638 = arith.mulf %max3A_637, %max3A_637 : vector<256x1024xf32>
      %add3A_639 = arith.addf %add3A_605, %mul3A_638 : vector<256x1024xf32>
      %slice3A_640 = vector.extract_strided_slice %get3A_13 {offsets = [17, 0], sizes = [1, 1024], strides = [1, 1]} : vector<32x1024xi32> to vector<1x1024xi32>
      %squeeze3A_641 = vector.shape_cast %slice3A_640 : vector<1x1024xi32> to vector<1024xi32>
      %broadcast_in_dim3A_642 = vector.shape_cast %squeeze3A_641 : vector<1024xi32> to vector<1x1024xi32>
      %eq3A_643 = vector.broadcast %broadcast_in_dim3A_642 : vector<1x1024xi32> to vector<32x1024xi32>
      %eq3A_644 = arith.cmpi eq, %iota3A, %eq3A_643 : vector<32x1024xi32>
      %slice3A_645 = vector.extract_strided_slice %get3A_7 {offsets = [17, 0], sizes = [1, 1024], strides = [1, 1]} : vector<32x1024xf32> to vector<1x1024xf32>
      %squeeze3A_646 = vector.shape_cast %slice3A_645 : vector<1x1024xf32> to vector<1024xf32>
      %broadcast_in_dim3A_647 = vector.shape_cast %squeeze3A_646 : vector<1024xf32> to vector<1x1024xf32>
      %jit3A_648 = arith.constant 0.000000e+00 : f32
      %broadcast_in_dim3A_649 = vector.shape_cast %broadcast_in_dim3A_647 : vector<1x1024xf32> to vector<1x1024xf32>
      %broadcast_in_dim3A_650 = vector.broadcast %broadcast_in_dim3A_649 : vector<1x1024xf32> to vector<32x1024xf32>
      %broadcast_in_dim3A_651 = vector.broadcast %jit3A_648 : f32 to vector<32x1024xf32>
      %select_n3A_652 = arith.select %eq3A_644, %broadcast_in_dim3A_650, %broadcast_in_dim3A_651 : vector<32x1024xi1>, vector<32x1024xf32>
      %convert_element_type3A_653 = arith.truncf %select_n3A_652 : vector<32x1024xf32> to vector<32x1024xbf16>
      %convert_element_type3A_654 = arith.extf %convert_element_type3A_653 : vector<32x1024xbf16> to vector<32x1024xf32>
      %sub3A_655 = arith.subf %select_n3A_652, %convert_element_type3A_654 : vector<32x1024xf32>
      %dot_general3A_656 = arith.constant dense<0.000000e+00> : vector<256x1024xf32>
      %dot_general3A_657 = tpu.matmul %get3A_1, %convert_element_type3A_654, %dot_general3A_656 {dimension_numbers = #tpu.dot_dimension_numbers<[1], [0], [0], [1], [0, 0, 1, 1], [], []>, transpose_lhs_hint = false} : vector<256x32xf32>, vector<32x1024xf32>, vector<256x1024xf32> -> vector<256x1024xf32>
      %dot_general3A_658 = arith.constant dense<0.000000e+00> : vector<256x1024xf32>
      %dot_general3A_659 = tpu.matmul %get3A_1, %sub3A_655, %dot_general3A_658 {dimension_numbers = #tpu.dot_dimension_numbers<[1], [0], [0], [1], [0, 0, 1, 1], [], []>, transpose_lhs_hint = false} : vector<256x32xf32>, vector<32x1024xf32>, vector<256x1024xf32> -> vector<256x1024xf32>
      %add3A_660 = arith.addf %dot_general3A_657, %dot_general3A_659 : vector<256x1024xf32>
      %dot_general3A_661 = arith.constant dense<0.000000e+00> : vector<256x1024xf32>
      %dot_general3A_662 = tpu.matmul %get3A_4, %convert_element_type3A_654, %dot_general3A_661 {dimension_numbers = #tpu.dot_dimension_numbers<[1], [0], [0], [1], [0, 0, 1, 1], [], []>, transpose_lhs_hint = false} : vector<256x32xf32>, vector<32x1024xf32>, vector<256x1024xf32> -> vector<256x1024xf32>
      %add3A_663 = arith.addf %add3A_660, %dot_general3A_662 : vector<256x1024xf32>
      %slice3A_664 = vector.extract_strided_slice %get3A_10 {offsets = [17, 0], sizes = [1, 1024], strides = [1, 1]} : vector<32x1024xf32> to vector<1x1024xf32>
      %squeeze3A_665 = vector.shape_cast %slice3A_664 : vector<1x1024xf32> to vector<1024xf32>
      %broadcast_in_dim3A_666 = vector.shape_cast %squeeze3A_665 : vector<1024xf32> to vector<1x1024xf32>
      %sub3A_667 = vector.broadcast %broadcast_in_dim3A_666 : vector<1x1024xf32> to vector<256x1024xf32>
      %sub3A_668 = arith.subf %add3A_663, %sub3A_667 : vector<256x1024xf32>
      %max3A_669 = arith.constant 0.000000e+00 : f32
      %max3A_670 = vector.broadcast %max3A_669 : f32 to vector<256x1024xf32>
      %max3A_671 = arith.maximumf %sub3A_668, %max3A_670 : vector<256x1024xf32>
      %mul3A_672 = arith.mulf %max3A_671, %max3A_671 : vector<256x1024xf32>
      %add3A_673 = arith.addf %add3A_639, %mul3A_672 : vector<256x1024xf32>
      %slice3A_674 = vector.extract_strided_slice %get3A_13 {offsets = [18, 0], sizes = [1, 1024], strides = [1, 1]} : vector<32x1024xi32> to vector<1x1024xi32>
      %squeeze3A_675 = vector.shape_cast %slice3A_674 : vector<1x1024xi32> to vector<1024xi32>
      %broadcast_in_dim3A_676 = vector.shape_cast %squeeze3A_675 : vector<1024xi32> to vector<1x1024xi32>
      %eq3A_677 = vector.broadcast %broadcast_in_dim3A_676 : vector<1x1024xi32> to vector<32x1024xi32>
      %eq3A_678 = arith.cmpi eq, %iota3A, %eq3A_677 : vector<32x1024xi32>
      %slice3A_679 = vector.extract_strided_slice %get3A_7 {offsets = [18, 0], sizes = [1, 1024], strides = [1, 1]} : vector<32x1024xf32> to vector<1x1024xf32>
      %squeeze3A_680 = vector.shape_cast %slice3A_679 : vector<1x1024xf32> to vector<1024xf32>
      %broadcast_in_dim3A_681 = vector.shape_cast %squeeze3A_680 : vector<1024xf32> to vector<1x1024xf32>
      %jit3A_682 = arith.constant 0.000000e+00 : f32
      %broadcast_in_dim3A_683 = vector.shape_cast %broadcast_in_dim3A_681 : vector<1x1024xf32> to vector<1x1024xf32>
      %broadcast_in_dim3A_684 = vector.broadcast %broadcast_in_dim3A_683 : vector<1x1024xf32> to vector<32x1024xf32>
      %broadcast_in_dim3A_685 = vector.broadcast %jit3A_682 : f32 to vector<32x1024xf32>
      %select_n3A_686 = arith.select %eq3A_678, %broadcast_in_dim3A_684, %broadcast_in_dim3A_685 : vector<32x1024xi1>, vector<32x1024xf32>
      %convert_element_type3A_687 = arith.truncf %select_n3A_686 : vector<32x1024xf32> to vector<32x1024xbf16>
      %convert_element_type3A_688 = arith.extf %convert_element_type3A_687 : vector<32x1024xbf16> to vector<32x1024xf32>
      %sub3A_689 = arith.subf %select_n3A_686, %convert_element_type3A_688 : vector<32x1024xf32>
      %dot_general3A_690 = arith.constant dense<0.000000e+00> : vector<256x1024xf32>
      %dot_general3A_691 = tpu.matmul %get3A_1, %convert_element_type3A_688, %dot_general3A_690 {dimension_numbers = #tpu.dot_dimension_numbers<[1], [0], [0], [1], [0, 0, 1, 1], [], []>, transpose_lhs_hint = false} : vector<256x32xf32>, vector<32x1024xf32>, vector<256x1024xf32> -> vector<256x1024xf32>
      %dot_general3A_692 = arith.constant dense<0.000000e+00> : vector<256x1024xf32>
      %dot_general3A_693 = tpu.matmul %get3A_1, %sub3A_689, %dot_general3A_692 {dimension_numbers = #tpu.dot_dimension_numbers<[1], [0], [0], [1], [0, 0, 1, 1], [], []>, transpose_lhs_hint = false} : vector<256x32xf32>, vector<32x1024xf32>, vector<256x1024xf32> -> vector<256x1024xf32>
      %add3A_694 = arith.addf %dot_general3A_691, %dot_general3A_693 : vector<256x1024xf32>
      %dot_general3A_695 = arith.constant dense<0.000000e+00> : vector<256x1024xf32>
      %dot_general3A_696 = tpu.matmul %get3A_4, %convert_element_type3A_688, %dot_general3A_695 {dimension_numbers = #tpu.dot_dimension_numbers<[1], [0], [0], [1], [0, 0, 1, 1], [], []>, transpose_lhs_hint = false} : vector<256x32xf32>, vector<32x1024xf32>, vector<256x1024xf32> -> vector<256x1024xf32>
      %add3A_697 = arith.addf %add3A_694, %dot_general3A_696 : vector<256x1024xf32>
      %slice3A_698 = vector.extract_strided_slice %get3A_10 {offsets = [18, 0], sizes = [1, 1024], strides = [1, 1]} : vector<32x1024xf32> to vector<1x1024xf32>
      %squeeze3A_699 = vector.shape_cast %slice3A_698 : vector<1x1024xf32> to vector<1024xf32>
      %broadcast_in_dim3A_700 = vector.shape_cast %squeeze3A_699 : vector<1024xf32> to vector<1x1024xf32>
      %sub3A_701 = vector.broadcast %broadcast_in_dim3A_700 : vector<1x1024xf32> to vector<256x1024xf32>
      %sub3A_702 = arith.subf %add3A_697, %sub3A_701 : vector<256x1024xf32>
      %max3A_703 = arith.constant 0.000000e+00 : f32
      %max3A_704 = vector.broadcast %max3A_703 : f32 to vector<256x1024xf32>
      %max3A_705 = arith.maximumf %sub3A_702, %max3A_704 : vector<256x1024xf32>
      %mul3A_706 = arith.mulf %max3A_705, %max3A_705 : vector<256x1024xf32>
      %add3A_707 = arith.addf %add3A_673, %mul3A_706 : vector<256x1024xf32>
      %slice3A_708 = vector.extract_strided_slice %get3A_13 {offsets = [19, 0], sizes = [1, 1024], strides = [1, 1]} : vector<32x1024xi32> to vector<1x1024xi32>
      %squeeze3A_709 = vector.shape_cast %slice3A_708 : vector<1x1024xi32> to vector<1024xi32>
      %broadcast_in_dim3A_710 = vector.shape_cast %squeeze3A_709 : vector<1024xi32> to vector<1x1024xi32>
      %eq3A_711 = vector.broadcast %broadcast_in_dim3A_710 : vector<1x1024xi32> to vector<32x1024xi32>
      %eq3A_712 = arith.cmpi eq, %iota3A, %eq3A_711 : vector<32x1024xi32>
      %slice3A_713 = vector.extract_strided_slice %get3A_7 {offsets = [19, 0], sizes = [1, 1024], strides = [1, 1]} : vector<32x1024xf32> to vector<1x1024xf32>
      %squeeze3A_714 = vector.shape_cast %slice3A_713 : vector<1x1024xf32> to vector<1024xf32>
      %broadcast_in_dim3A_715 = vector.shape_cast %squeeze3A_714 : vector<1024xf32> to vector<1x1024xf32>
      %jit3A_716 = arith.constant 0.000000e+00 : f32
      %broadcast_in_dim3A_717 = vector.shape_cast %broadcast_in_dim3A_715 : vector<1x1024xf32> to vector<1x1024xf32>
      %broadcast_in_dim3A_718 = vector.broadcast %broadcast_in_dim3A_717 : vector<1x1024xf32> to vector<32x1024xf32>
      %broadcast_in_dim3A_719 = vector.broadcast %jit3A_716 : f32 to vector<32x1024xf32>
      %select_n3A_720 = arith.select %eq3A_712, %broadcast_in_dim3A_718, %broadcast_in_dim3A_719 : vector<32x1024xi1>, vector<32x1024xf32>
      %convert_element_type3A_721 = arith.truncf %select_n3A_720 : vector<32x1024xf32> to vector<32x1024xbf16>
      %convert_element_type3A_722 = arith.extf %convert_element_type3A_721 : vector<32x1024xbf16> to vector<32x1024xf32>
      %sub3A_723 = arith.subf %select_n3A_720, %convert_element_type3A_722 : vector<32x1024xf32>
      %dot_general3A_724 = arith.constant dense<0.000000e+00> : vector<256x1024xf32>
      %dot_general3A_725 = tpu.matmul %get3A_1, %convert_element_type3A_722, %dot_general3A_724 {dimension_numbers = #tpu.dot_dimension_numbers<[1], [0], [0], [1], [0, 0, 1, 1], [], []>, transpose_lhs_hint = false} : vector<256x32xf32>, vector<32x1024xf32>, vector<256x1024xf32> -> vector<256x1024xf32>
      %dot_general3A_726 = arith.constant dense<0.000000e+00> : vector<256x1024xf32>
      %dot_general3A_727 = tpu.matmul %get3A_1, %sub3A_723, %dot_general3A_726 {dimension_numbers = #tpu.dot_dimension_numbers<[1], [0], [0], [1], [0, 0, 1, 1], [], []>, transpose_lhs_hint = false} : vector<256x32xf32>, vector<32x1024xf32>, vector<256x1024xf32> -> vector<256x1024xf32>
      %add3A_728 = arith.addf %dot_general3A_725, %dot_general3A_727 : vector<256x1024xf32>
      %dot_general3A_729 = arith.constant dense<0.000000e+00> : vector<256x1024xf32>
      %dot_general3A_730 = tpu.matmul %get3A_4, %convert_element_type3A_722, %dot_general3A_729 {dimension_numbers = #tpu.dot_dimension_numbers<[1], [0], [0], [1], [0, 0, 1, 1], [], []>, transpose_lhs_hint = false} : vector<256x32xf32>, vector<32x1024xf32>, vector<256x1024xf32> -> vector<256x1024xf32>
      %add3A_731 = arith.addf %add3A_728, %dot_general3A_730 : vector<256x1024xf32>
      %slice3A_732 = vector.extract_strided_slice %get3A_10 {offsets = [19, 0], sizes = [1, 1024], strides = [1, 1]} : vector<32x1024xf32> to vector<1x1024xf32>
      %squeeze3A_733 = vector.shape_cast %slice3A_732 : vector<1x1024xf32> to vector<1024xf32>
      %broadcast_in_dim3A_734 = vector.shape_cast %squeeze3A_733 : vector<1024xf32> to vector<1x1024xf32>
      %sub3A_735 = vector.broadcast %broadcast_in_dim3A_734 : vector<1x1024xf32> to vector<256x1024xf32>
      %sub3A_736 = arith.subf %add3A_731, %sub3A_735 : vector<256x1024xf32>
      %max3A_737 = arith.constant 0.000000e+00 : f32
      %max3A_738 = vector.broadcast %max3A_737 : f32 to vector<256x1024xf32>
      %max3A_739 = arith.maximumf %sub3A_736, %max3A_738 : vector<256x1024xf32>
      %mul3A_740 = arith.mulf %max3A_739, %max3A_739 : vector<256x1024xf32>
      %add3A_741 = arith.addf %add3A_707, %mul3A_740 : vector<256x1024xf32>
      %slice3A_742 = vector.extract_strided_slice %get3A_13 {offsets = [20, 0], sizes = [1, 1024], strides = [1, 1]} : vector<32x1024xi32> to vector<1x1024xi32>
      %squeeze3A_743 = vector.shape_cast %slice3A_742 : vector<1x1024xi32> to vector<1024xi32>
      %broadcast_in_dim3A_744 = vector.shape_cast %squeeze3A_743 : vector<1024xi32> to vector<1x1024xi32>
      %eq3A_745 = vector.broadcast %broadcast_in_dim3A_744 : vector<1x1024xi32> to vector<32x1024xi32>
      %eq3A_746 = arith.cmpi eq, %iota3A, %eq3A_745 : vector<32x1024xi32>
      %slice3A_747 = vector.extract_strided_slice %get3A_7 {offsets = [20, 0], sizes = [1, 1024], strides = [1, 1]} : vector<32x1024xf32> to vector<1x1024xf32>
      %squeeze3A_748 = vector.shape_cast %slice3A_747 : vector<1x1024xf32> to vector<1024xf32>
      %broadcast_in_dim3A_749 = vector.shape_cast %squeeze3A_748 : vector<1024xf32> to vector<1x1024xf32>
      %jit3A_750 = arith.constant 0.000000e+00 : f32
      %broadcast_in_dim3A_751 = vector.shape_cast %broadcast_in_dim3A_749 : vector<1x1024xf32> to vector<1x1024xf32>
      %broadcast_in_dim3A_752 = vector.broadcast %broadcast_in_dim3A_751 : vector<1x1024xf32> to vector<32x1024xf32>
      %broadcast_in_dim3A_753 = vector.broadcast %jit3A_750 : f32 to vector<32x1024xf32>
      %select_n3A_754 = arith.select %eq3A_746, %broadcast_in_dim3A_752, %broadcast_in_dim3A_753 : vector<32x1024xi1>, vector<32x1024xf32>
      %convert_element_type3A_755 = arith.truncf %select_n3A_754 : vector<32x1024xf32> to vector<32x1024xbf16>
      %convert_element_type3A_756 = arith.extf %convert_element_type3A_755 : vector<32x1024xbf16> to vector<32x1024xf32>
      %sub3A_757 = arith.subf %select_n3A_754, %convert_element_type3A_756 : vector<32x1024xf32>
      %dot_general3A_758 = arith.constant dense<0.000000e+00> : vector<256x1024xf32>
      %dot_general3A_759 = tpu.matmul %get3A_1, %convert_element_type3A_756, %dot_general3A_758 {dimension_numbers = #tpu.dot_dimension_numbers<[1], [0], [0], [1], [0, 0, 1, 1], [], []>, transpose_lhs_hint = false} : vector<256x32xf32>, vector<32x1024xf32>, vector<256x1024xf32> -> vector<256x1024xf32>
      %dot_general3A_760 = arith.constant dense<0.000000e+00> : vector<256x1024xf32>
      %dot_general3A_761 = tpu.matmul %get3A_1, %sub3A_757, %dot_general3A_760 {dimension_numbers = #tpu.dot_dimension_numbers<[1], [0], [0], [1], [0, 0, 1, 1], [], []>, transpose_lhs_hint = false} : vector<256x32xf32>, vector<32x1024xf32>, vector<256x1024xf32> -> vector<256x1024xf32>
      %add3A_762 = arith.addf %dot_general3A_759, %dot_general3A_761 : vector<256x1024xf32>
      %dot_general3A_763 = arith.constant dense<0.000000e+00> : vector<256x1024xf32>
      %dot_general3A_764 = tpu.matmul %get3A_4, %convert_element_type3A_756, %dot_general3A_763 {dimension_numbers = #tpu.dot_dimension_numbers<[1], [0], [0], [1], [0, 0, 1, 1], [], []>, transpose_lhs_hint = false} : vector<256x32xf32>, vector<32x1024xf32>, vector<256x1024xf32> -> vector<256x1024xf32>
      %add3A_765 = arith.addf %add3A_762, %dot_general3A_764 : vector<256x1024xf32>
      %slice3A_766 = vector.extract_strided_slice %get3A_10 {offsets = [20, 0], sizes = [1, 1024], strides = [1, 1]} : vector<32x1024xf32> to vector<1x1024xf32>
      %squeeze3A_767 = vector.shape_cast %slice3A_766 : vector<1x1024xf32> to vector<1024xf32>
      %broadcast_in_dim3A_768 = vector.shape_cast %squeeze3A_767 : vector<1024xf32> to vector<1x1024xf32>
      %sub3A_769 = vector.broadcast %broadcast_in_dim3A_768 : vector<1x1024xf32> to vector<256x1024xf32>
      %sub3A_770 = arith.subf %add3A_765, %sub3A_769 : vector<256x1024xf32>
      %max3A_771 = arith.constant 0.000000e+00 : f32
      %max3A_772 = vector.broadcast %max3A_771 : f32 to vector<256x1024xf32>
      %max3A_773 = arith.maximumf %sub3A_770, %max3A_772 : vector<256x1024xf32>
      %mul3A_774 = arith.mulf %max3A_773, %max3A_773 : vector<256x1024xf32>
      %add3A_775 = arith.addf %add3A_741, %mul3A_774 : vector<256x1024xf32>
      %slice3A_776 = vector.extract_strided_slice %get3A_13 {offsets = [21, 0], sizes = [1, 1024], strides = [1, 1]} : vector<32x1024xi32> to vector<1x1024xi32>
      %squeeze3A_777 = vector.shape_cast %slice3A_776 : vector<1x1024xi32> to vector<1024xi32>
      %broadcast_in_dim3A_778 = vector.shape_cast %squeeze3A_777 : vector<1024xi32> to vector<1x1024xi32>
      %eq3A_779 = vector.broadcast %broadcast_in_dim3A_778 : vector<1x1024xi32> to vector<32x1024xi32>
      %eq3A_780 = arith.cmpi eq, %iota3A, %eq3A_779 : vector<32x1024xi32>
      %slice3A_781 = vector.extract_strided_slice %get3A_7 {offsets = [21, 0], sizes = [1, 1024], strides = [1, 1]} : vector<32x1024xf32> to vector<1x1024xf32>
      %squeeze3A_782 = vector.shape_cast %slice3A_781 : vector<1x1024xf32> to vector<1024xf32>
      %broadcast_in_dim3A_783 = vector.shape_cast %squeeze3A_782 : vector<1024xf32> to vector<1x1024xf32>
      %jit3A_784 = arith.constant 0.000000e+00 : f32
      %broadcast_in_dim3A_785 = vector.shape_cast %broadcast_in_dim3A_783 : vector<1x1024xf32> to vector<1x1024xf32>
      %broadcast_in_dim3A_786 = vector.broadcast %broadcast_in_dim3A_785 : vector<1x1024xf32> to vector<32x1024xf32>
      %broadcast_in_dim3A_787 = vector.broadcast %jit3A_784 : f32 to vector<32x1024xf32>
      %select_n3A_788 = arith.select %eq3A_780, %broadcast_in_dim3A_786, %broadcast_in_dim3A_787 : vector<32x1024xi1>, vector<32x1024xf32>
      %convert_element_type3A_789 = arith.truncf %select_n3A_788 : vector<32x1024xf32> to vector<32x1024xbf16>
      %convert_element_type3A_790 = arith.extf %convert_element_type3A_789 : vector<32x1024xbf16> to vector<32x1024xf32>
      %sub3A_791 = arith.subf %select_n3A_788, %convert_element_type3A_790 : vector<32x1024xf32>
      %dot_general3A_792 = arith.constant dense<0.000000e+00> : vector<256x1024xf32>
      %dot_general3A_793 = tpu.matmul %get3A_1, %convert_element_type3A_790, %dot_general3A_792 {dimension_numbers = #tpu.dot_dimension_numbers<[1], [0], [0], [1], [0, 0, 1, 1], [], []>, transpose_lhs_hint = false} : vector<256x32xf32>, vector<32x1024xf32>, vector<256x1024xf32> -> vector<256x1024xf32>
      %dot_general3A_794 = arith.constant dense<0.000000e+00> : vector<256x1024xf32>
      %dot_general3A_795 = tpu.matmul %get3A_1, %sub3A_791, %dot_general3A_794 {dimension_numbers = #tpu.dot_dimension_numbers<[1], [0], [0], [1], [0, 0, 1, 1], [], []>, transpose_lhs_hint = false} : vector<256x32xf32>, vector<32x1024xf32>, vector<256x1024xf32> -> vector<256x1024xf32>
      %add3A_796 = arith.addf %dot_general3A_793, %dot_general3A_795 : vector<256x1024xf32>
      %dot_general3A_797 = arith.constant dense<0.000000e+00> : vector<256x1024xf32>
      %dot_general3A_798 = tpu.matmul %get3A_4, %convert_element_type3A_790, %dot_general3A_797 {dimension_numbers = #tpu.dot_dimension_numbers<[1], [0], [0], [1], [0, 0, 1, 1], [], []>, transpose_lhs_hint = false} : vector<256x32xf32>, vector<32x1024xf32>, vector<256x1024xf32> -> vector<256x1024xf32>
      %add3A_799 = arith.addf %add3A_796, %dot_general3A_798 : vector<256x1024xf32>
      %slice3A_800 = vector.extract_strided_slice %get3A_10 {offsets = [21, 0], sizes = [1, 1024], strides = [1, 1]} : vector<32x1024xf32> to vector<1x1024xf32>
      %squeeze3A_801 = vector.shape_cast %slice3A_800 : vector<1x1024xf32> to vector<1024xf32>
      %broadcast_in_dim3A_802 = vector.shape_cast %squeeze3A_801 : vector<1024xf32> to vector<1x1024xf32>
      %sub3A_803 = vector.broadcast %broadcast_in_dim3A_802 : vector<1x1024xf32> to vector<256x1024xf32>
      %sub3A_804 = arith.subf %add3A_799, %sub3A_803 : vector<256x1024xf32>
      %max3A_805 = arith.constant 0.000000e+00 : f32
      %max3A_806 = vector.broadcast %max3A_805 : f32 to vector<256x1024xf32>
      %max3A_807 = arith.maximumf %sub3A_804, %max3A_806 : vector<256x1024xf32>
      %mul3A_808 = arith.mulf %max3A_807, %max3A_807 : vector<256x1024xf32>
      %add3A_809 = arith.addf %add3A_775, %mul3A_808 : vector<256x1024xf32>
      %slice3A_810 = vector.extract_strided_slice %get3A_13 {offsets = [22, 0], sizes = [1, 1024], strides = [1, 1]} : vector<32x1024xi32> to vector<1x1024xi32>
      %squeeze3A_811 = vector.shape_cast %slice3A_810 : vector<1x1024xi32> to vector<1024xi32>
      %broadcast_in_dim3A_812 = vector.shape_cast %squeeze3A_811 : vector<1024xi32> to vector<1x1024xi32>
      %eq3A_813 = vector.broadcast %broadcast_in_dim3A_812 : vector<1x1024xi32> to vector<32x1024xi32>
      %eq3A_814 = arith.cmpi eq, %iota3A, %eq3A_813 : vector<32x1024xi32>
      %slice3A_815 = vector.extract_strided_slice %get3A_7 {offsets = [22, 0], sizes = [1, 1024], strides = [1, 1]} : vector<32x1024xf32> to vector<1x1024xf32>
      %squeeze3A_816 = vector.shape_cast %slice3A_815 : vector<1x1024xf32> to vector<1024xf32>
      %broadcast_in_dim3A_817 = vector.shape_cast %squeeze3A_816 : vector<1024xf32> to vector<1x1024xf32>
      %jit3A_818 = arith.constant 0.000000e+00 : f32
      %broadcast_in_dim3A_819 = vector.shape_cast %broadcast_in_dim3A_817 : vector<1x1024xf32> to vector<1x1024xf32>
      %broadcast_in_dim3A_820 = vector.broadcast %broadcast_in_dim3A_819 : vector<1x1024xf32> to vector<32x1024xf32>
      %broadcast_in_dim3A_821 = vector.broadcast %jit3A_818 : f32 to vector<32x1024xf32>
      %select_n3A_822 = arith.select %eq3A_814, %broadcast_in_dim3A_820, %broadcast_in_dim3A_821 : vector<32x1024xi1>, vector<32x1024xf32>
      %convert_element_type3A_823 = arith.truncf %select_n3A_822 : vector<32x1024xf32> to vector<32x1024xbf16>
      %convert_element_type3A_824 = arith.extf %convert_element_type3A_823 : vector<32x1024xbf16> to vector<32x1024xf32>
      %sub3A_825 = arith.subf %select_n3A_822, %convert_element_type3A_824 : vector<32x1024xf32>
      %dot_general3A_826 = arith.constant dense<0.000000e+00> : vector<256x1024xf32>
      %dot_general3A_827 = tpu.matmul %get3A_1, %convert_element_type3A_824, %dot_general3A_826 {dimension_numbers = #tpu.dot_dimension_numbers<[1], [0], [0], [1], [0, 0, 1, 1], [], []>, transpose_lhs_hint = false} : vector<256x32xf32>, vector<32x1024xf32>, vector<256x1024xf32> -> vector<256x1024xf32>
      %dot_general3A_828 = arith.constant dense<0.000000e+00> : vector<256x1024xf32>
      %dot_general3A_829 = tpu.matmul %get3A_1, %sub3A_825, %dot_general3A_828 {dimension_numbers = #tpu.dot_dimension_numbers<[1], [0], [0], [1], [0, 0, 1, 1], [], []>, transpose_lhs_hint = false} : vector<256x32xf32>, vector<32x1024xf32>, vector<256x1024xf32> -> vector<256x1024xf32>
      %add3A_830 = arith.addf %dot_general3A_827, %dot_general3A_829 : vector<256x1024xf32>
      %dot_general3A_831 = arith.constant dense<0.000000e+00> : vector<256x1024xf32>
      %dot_general3A_832 = tpu.matmul %get3A_4, %convert_element_type3A_824, %dot_general3A_831 {dimension_numbers = #tpu.dot_dimension_numbers<[1], [0], [0], [1], [0, 0, 1, 1], [], []>, transpose_lhs_hint = false} : vector<256x32xf32>, vector<32x1024xf32>, vector<256x1024xf32> -> vector<256x1024xf32>
      %add3A_833 = arith.addf %add3A_830, %dot_general3A_832 : vector<256x1024xf32>
      %slice3A_834 = vector.extract_strided_slice %get3A_10 {offsets = [22, 0], sizes = [1, 1024], strides = [1, 1]} : vector<32x1024xf32> to vector<1x1024xf32>
      %squeeze3A_835 = vector.shape_cast %slice3A_834 : vector<1x1024xf32> to vector<1024xf32>
      %broadcast_in_dim3A_836 = vector.shape_cast %squeeze3A_835 : vector<1024xf32> to vector<1x1024xf32>
      %sub3A_837 = vector.broadcast %broadcast_in_dim3A_836 : vector<1x1024xf32> to vector<256x1024xf32>
      %sub3A_838 = arith.subf %add3A_833, %sub3A_837 : vector<256x1024xf32>
      %max3A_839 = arith.constant 0.000000e+00 : f32
      %max3A_840 = vector.broadcast %max3A_839 : f32 to vector<256x1024xf32>
      %max3A_841 = arith.maximumf %sub3A_838, %max3A_840 : vector<256x1024xf32>
      %mul3A_842 = arith.mulf %max3A_841, %max3A_841 : vector<256x1024xf32>
      %add3A_843 = arith.addf %add3A_809, %mul3A_842 : vector<256x1024xf32>
      %slice3A_844 = vector.extract_strided_slice %get3A_13 {offsets = [23, 0], sizes = [1, 1024], strides = [1, 1]} : vector<32x1024xi32> to vector<1x1024xi32>
      %squeeze3A_845 = vector.shape_cast %slice3A_844 : vector<1x1024xi32> to vector<1024xi32>
      %broadcast_in_dim3A_846 = vector.shape_cast %squeeze3A_845 : vector<1024xi32> to vector<1x1024xi32>
      %eq3A_847 = vector.broadcast %broadcast_in_dim3A_846 : vector<1x1024xi32> to vector<32x1024xi32>
      %eq3A_848 = arith.cmpi eq, %iota3A, %eq3A_847 : vector<32x1024xi32>
      %slice3A_849 = vector.extract_strided_slice %get3A_7 {offsets = [23, 0], sizes = [1, 1024], strides = [1, 1]} : vector<32x1024xf32> to vector<1x1024xf32>
      %squeeze3A_850 = vector.shape_cast %slice3A_849 : vector<1x1024xf32> to vector<1024xf32>
      %broadcast_in_dim3A_851 = vector.shape_cast %squeeze3A_850 : vector<1024xf32> to vector<1x1024xf32>
      %jit3A_852 = arith.constant 0.000000e+00 : f32
      %broadcast_in_dim3A_853 = vector.shape_cast %broadcast_in_dim3A_851 : vector<1x1024xf32> to vector<1x1024xf32>
      %broadcast_in_dim3A_854 = vector.broadcast %broadcast_in_dim3A_853 : vector<1x1024xf32> to vector<32x1024xf32>
      %broadcast_in_dim3A_855 = vector.broadcast %jit3A_852 : f32 to vector<32x1024xf32>
      %select_n3A_856 = arith.select %eq3A_848, %broadcast_in_dim3A_854, %broadcast_in_dim3A_855 : vector<32x1024xi1>, vector<32x1024xf32>
      %convert_element_type3A_857 = arith.truncf %select_n3A_856 : vector<32x1024xf32> to vector<32x1024xbf16>
      %convert_element_type3A_858 = arith.extf %convert_element_type3A_857 : vector<32x1024xbf16> to vector<32x1024xf32>
      %sub3A_859 = arith.subf %select_n3A_856, %convert_element_type3A_858 : vector<32x1024xf32>
      %dot_general3A_860 = arith.constant dense<0.000000e+00> : vector<256x1024xf32>
      %dot_general3A_861 = tpu.matmul %get3A_1, %convert_element_type3A_858, %dot_general3A_860 {dimension_numbers = #tpu.dot_dimension_numbers<[1], [0], [0], [1], [0, 0, 1, 1], [], []>, transpose_lhs_hint = false} : vector<256x32xf32>, vector<32x1024xf32>, vector<256x1024xf32> -> vector<256x1024xf32>
      %dot_general3A_862 = arith.constant dense<0.000000e+00> : vector<256x1024xf32>
      %dot_general3A_863 = tpu.matmul %get3A_1, %sub3A_859, %dot_general3A_862 {dimension_numbers = #tpu.dot_dimension_numbers<[1], [0], [0], [1], [0, 0, 1, 1], [], []>, transpose_lhs_hint = false} : vector<256x32xf32>, vector<32x1024xf32>, vector<256x1024xf32> -> vector<256x1024xf32>
      %add3A_864 = arith.addf %dot_general3A_861, %dot_general3A_863 : vector<256x1024xf32>
      %dot_general3A_865 = arith.constant dense<0.000000e+00> : vector<256x1024xf32>
      %dot_general3A_866 = tpu.matmul %get3A_4, %convert_element_type3A_858, %dot_general3A_865 {dimension_numbers = #tpu.dot_dimension_numbers<[1], [0], [0], [1], [0, 0, 1, 1], [], []>, transpose_lhs_hint = false} : vector<256x32xf32>, vector<32x1024xf32>, vector<256x1024xf32> -> vector<256x1024xf32>
      %add3A_867 = arith.addf %add3A_864, %dot_general3A_866 : vector<256x1024xf32>
      %slice3A_868 = vector.extract_strided_slice %get3A_10 {offsets = [23, 0], sizes = [1, 1024], strides = [1, 1]} : vector<32x1024xf32> to vector<1x1024xf32>
      %squeeze3A_869 = vector.shape_cast %slice3A_868 : vector<1x1024xf32> to vector<1024xf32>
      %broadcast_in_dim3A_870 = vector.shape_cast %squeeze3A_869 : vector<1024xf32> to vector<1x1024xf32>
      %sub3A_871 = vector.broadcast %broadcast_in_dim3A_870 : vector<1x1024xf32> to vector<256x1024xf32>
      %sub3A_872 = arith.subf %add3A_867, %sub3A_871 : vector<256x1024xf32>
      %max3A_873 = arith.constant 0.000000e+00 : f32
      %max3A_874 = vector.broadcast %max3A_873 : f32 to vector<256x1024xf32>
      %max3A_875 = arith.maximumf %sub3A_872, %max3A_874 : vector<256x1024xf32>
      %mul3A_876 = arith.mulf %max3A_875, %max3A_875 : vector<256x1024xf32>
      %add3A_877 = arith.addf %add3A_843, %mul3A_876 : vector<256x1024xf32>
      %slice3A_878 = vector.extract_strided_slice %get3A_13 {offsets = [24, 0], sizes = [1, 1024], strides = [1, 1]} : vector<32x1024xi32> to vector<1x1024xi32>
      %squeeze3A_879 = vector.shape_cast %slice3A_878 : vector<1x1024xi32> to vector<1024xi32>
      %broadcast_in_dim3A_880 = vector.shape_cast %squeeze3A_879 : vector<1024xi32> to vector<1x1024xi32>
      %eq3A_881 = vector.broadcast %broadcast_in_dim3A_880 : vector<1x1024xi32> to vector<32x1024xi32>
      %eq3A_882 = arith.cmpi eq, %iota3A, %eq3A_881 : vector<32x1024xi32>
      %slice3A_883 = vector.extract_strided_slice %get3A_7 {offsets = [24, 0], sizes = [1, 1024], strides = [1, 1]} : vector<32x1024xf32> to vector<1x1024xf32>
      %squeeze3A_884 = vector.shape_cast %slice3A_883 : vector<1x1024xf32> to vector<1024xf32>
      %broadcast_in_dim3A_885 = vector.shape_cast %squeeze3A_884 : vector<1024xf32> to vector<1x1024xf32>
      %jit3A_886 = arith.constant 0.000000e+00 : f32
      %broadcast_in_dim3A_887 = vector.shape_cast %broadcast_in_dim3A_885 : vector<1x1024xf32> to vector<1x1024xf32>
      %broadcast_in_dim3A_888 = vector.broadcast %broadcast_in_dim3A_887 : vector<1x1024xf32> to vector<32x1024xf32>
      %broadcast_in_dim3A_889 = vector.broadcast %jit3A_886 : f32 to vector<32x1024xf32>
      %select_n3A_890 = arith.select %eq3A_882, %broadcast_in_dim3A_888, %broadcast_in_dim3A_889 : vector<32x1024xi1>, vector<32x1024xf32>
      %convert_element_type3A_891 = arith.truncf %select_n3A_890 : vector<32x1024xf32> to vector<32x1024xbf16>
      %convert_element_type3A_892 = arith.extf %convert_element_type3A_891 : vector<32x1024xbf16> to vector<32x1024xf32>
      %sub3A_893 = arith.subf %select_n3A_890, %convert_element_type3A_892 : vector<32x1024xf32>
      %dot_general3A_894 = arith.constant dense<0.000000e+00> : vector<256x1024xf32>
      %dot_general3A_895 = tpu.matmul %get3A_1, %convert_element_type3A_892, %dot_general3A_894 {dimension_numbers = #tpu.dot_dimension_numbers<[1], [0], [0], [1], [0, 0, 1, 1], [], []>, transpose_lhs_hint = false} : vector<256x32xf32>, vector<32x1024xf32>, vector<256x1024xf32> -> vector<256x1024xf32>
      %dot_general3A_896 = arith.constant dense<0.000000e+00> : vector<256x1024xf32>
      %dot_general3A_897 = tpu.matmul %get3A_1, %sub3A_893, %dot_general3A_896 {dimension_numbers = #tpu.dot_dimension_numbers<[1], [0], [0], [1], [0, 0, 1, 1], [], []>, transpose_lhs_hint = false} : vector<256x32xf32>, vector<32x1024xf32>, vector<256x1024xf32> -> vector<256x1024xf32>
      %add3A_898 = arith.addf %dot_general3A_895, %dot_general3A_897 : vector<256x1024xf32>
      %dot_general3A_899 = arith.constant dense<0.000000e+00> : vector<256x1024xf32>
      %dot_general3A_900 = tpu.matmul %get3A_4, %convert_element_type3A_892, %dot_general3A_899 {dimension_numbers = #tpu.dot_dimension_numbers<[1], [0], [0], [1], [0, 0, 1, 1], [], []>, transpose_lhs_hint = false} : vector<256x32xf32>, vector<32x1024xf32>, vector<256x1024xf32> -> vector<256x1024xf32>
      %add3A_901 = arith.addf %add3A_898, %dot_general3A_900 : vector<256x1024xf32>
      %slice3A_902 = vector.extract_strided_slice %get3A_10 {offsets = [24, 0], sizes = [1, 1024], strides = [1, 1]} : vector<32x1024xf32> to vector<1x1024xf32>
      %squeeze3A_903 = vector.shape_cast %slice3A_902 : vector<1x1024xf32> to vector<1024xf32>
      %broadcast_in_dim3A_904 = vector.shape_cast %squeeze3A_903 : vector<1024xf32> to vector<1x1024xf32>
      %sub3A_905 = vector.broadcast %broadcast_in_dim3A_904 : vector<1x1024xf32> to vector<256x1024xf32>
      %sub3A_906 = arith.subf %add3A_901, %sub3A_905 : vector<256x1024xf32>
      %max3A_907 = arith.constant 0.000000e+00 : f32
      %max3A_908 = vector.broadcast %max3A_907 : f32 to vector<256x1024xf32>
      %max3A_909 = arith.maximumf %sub3A_906, %max3A_908 : vector<256x1024xf32>
      %mul3A_910 = arith.mulf %max3A_909, %max3A_909 : vector<256x1024xf32>
      %add3A_911 = arith.addf %add3A_877, %mul3A_910 : vector<256x1024xf32>
      %slice3A_912 = vector.extract_strided_slice %get3A_13 {offsets = [25, 0], sizes = [1, 1024], strides = [1, 1]} : vector<32x1024xi32> to vector<1x1024xi32>
      %squeeze3A_913 = vector.shape_cast %slice3A_912 : vector<1x1024xi32> to vector<1024xi32>
      %broadcast_in_dim3A_914 = vector.shape_cast %squeeze3A_913 : vector<1024xi32> to vector<1x1024xi32>
      %eq3A_915 = vector.broadcast %broadcast_in_dim3A_914 : vector<1x1024xi32> to vector<32x1024xi32>
      %eq3A_916 = arith.cmpi eq, %iota3A, %eq3A_915 : vector<32x1024xi32>
      %slice3A_917 = vector.extract_strided_slice %get3A_7 {offsets = [25, 0], sizes = [1, 1024], strides = [1, 1]} : vector<32x1024xf32> to vector<1x1024xf32>
      %squeeze3A_918 = vector.shape_cast %slice3A_917 : vector<1x1024xf32> to vector<1024xf32>
      %broadcast_in_dim3A_919 = vector.shape_cast %squeeze3A_918 : vector<1024xf32> to vector<1x1024xf32>
      %jit3A_920 = arith.constant 0.000000e+00 : f32
      %broadcast_in_dim3A_921 = vector.shape_cast %broadcast_in_dim3A_919 : vector<1x1024xf32> to vector<1x1024xf32>
      %broadcast_in_dim3A_922 = vector.broadcast %broadcast_in_dim3A_921 : vector<1x1024xf32> to vector<32x1024xf32>
      %broadcast_in_dim3A_923 = vector.broadcast %jit3A_920 : f32 to vector<32x1024xf32>
      %select_n3A_924 = arith.select %eq3A_916, %broadcast_in_dim3A_922, %broadcast_in_dim3A_923 : vector<32x1024xi1>, vector<32x1024xf32>
      %convert_element_type3A_925 = arith.truncf %select_n3A_924 : vector<32x1024xf32> to vector<32x1024xbf16>
      %convert_element_type3A_926 = arith.extf %convert_element_type3A_925 : vector<32x1024xbf16> to vector<32x1024xf32>
      %sub3A_927 = arith.subf %select_n3A_924, %convert_element_type3A_926 : vector<32x1024xf32>
      %dot_general3A_928 = arith.constant dense<0.000000e+00> : vector<256x1024xf32>
      %dot_general3A_929 = tpu.matmul %get3A_1, %convert_element_type3A_926, %dot_general3A_928 {dimension_numbers = #tpu.dot_dimension_numbers<[1], [0], [0], [1], [0, 0, 1, 1], [], []>, transpose_lhs_hint = false} : vector<256x32xf32>, vector<32x1024xf32>, vector<256x1024xf32> -> vector<256x1024xf32>
      %dot_general3A_930 = arith.constant dense<0.000000e+00> : vector<256x1024xf32>
      %dot_general3A_931 = tpu.matmul %get3A_1, %sub3A_927, %dot_general3A_930 {dimension_numbers = #tpu.dot_dimension_numbers<[1], [0], [0], [1], [0, 0, 1, 1], [], []>, transpose_lhs_hint = false} : vector<256x32xf32>, vector<32x1024xf32>, vector<256x1024xf32> -> vector<256x1024xf32>
      %add3A_932 = arith.addf %dot_general3A_929, %dot_general3A_931 : vector<256x1024xf32>
      %dot_general3A_933 = arith.constant dense<0.000000e+00> : vector<256x1024xf32>
      %dot_general3A_934 = tpu.matmul %get3A_4, %convert_element_type3A_926, %dot_general3A_933 {dimension_numbers = #tpu.dot_dimension_numbers<[1], [0], [0], [1], [0, 0, 1, 1], [], []>, transpose_lhs_hint = false} : vector<256x32xf32>, vector<32x1024xf32>, vector<256x1024xf32> -> vector<256x1024xf32>
      %add3A_935 = arith.addf %add3A_932, %dot_general3A_934 : vector<256x1024xf32>
      %slice3A_936 = vector.extract_strided_slice %get3A_10 {offsets = [25, 0], sizes = [1, 1024], strides = [1, 1]} : vector<32x1024xf32> to vector<1x1024xf32>
      %squeeze3A_937 = vector.shape_cast %slice3A_936 : vector<1x1024xf32> to vector<1024xf32>
      %broadcast_in_dim3A_938 = vector.shape_cast %squeeze3A_937 : vector<1024xf32> to vector<1x1024xf32>
      %sub3A_939 = vector.broadcast %broadcast_in_dim3A_938 : vector<1x1024xf32> to vector<256x1024xf32>
      %sub3A_940 = arith.subf %add3A_935, %sub3A_939 : vector<256x1024xf32>
      %max3A_941 = arith.constant 0.000000e+00 : f32
      %max3A_942 = vector.broadcast %max3A_941 : f32 to vector<256x1024xf32>
      %max3A_943 = arith.maximumf %sub3A_940, %max3A_942 : vector<256x1024xf32>
      %mul3A_944 = arith.mulf %max3A_943, %max3A_943 : vector<256x1024xf32>
      %add3A_945 = arith.addf %add3A_911, %mul3A_944 : vector<256x1024xf32>
      %slice3A_946 = vector.extract_strided_slice %get3A_13 {offsets = [26, 0], sizes = [1, 1024], strides = [1, 1]} : vector<32x1024xi32> to vector<1x1024xi32>
      %squeeze3A_947 = vector.shape_cast %slice3A_946 : vector<1x1024xi32> to vector<1024xi32>
      %broadcast_in_dim3A_948 = vector.shape_cast %squeeze3A_947 : vector<1024xi32> to vector<1x1024xi32>
      %eq3A_949 = vector.broadcast %broadcast_in_dim3A_948 : vector<1x1024xi32> to vector<32x1024xi32>
      %eq3A_950 = arith.cmpi eq, %iota3A, %eq3A_949 : vector<32x1024xi32>
      %slice3A_951 = vector.extract_strided_slice %get3A_7 {offsets = [26, 0], sizes = [1, 1024], strides = [1, 1]} : vector<32x1024xf32> to vector<1x1024xf32>
      %squeeze3A_952 = vector.shape_cast %slice3A_951 : vector<1x1024xf32> to vector<1024xf32>
      %broadcast_in_dim3A_953 = vector.shape_cast %squeeze3A_952 : vector<1024xf32> to vector<1x1024xf32>
      %jit3A_954 = arith.constant 0.000000e+00 : f32
      %broadcast_in_dim3A_955 = vector.shape_cast %broadcast_in_dim3A_953 : vector<1x1024xf32> to vector<1x1024xf32>
      %broadcast_in_dim3A_956 = vector.broadcast %broadcast_in_dim3A_955 : vector<1x1024xf32> to vector<32x1024xf32>
      %broadcast_in_dim3A_957 = vector.broadcast %jit3A_954 : f32 to vector<32x1024xf32>
      %select_n3A_958 = arith.select %eq3A_950, %broadcast_in_dim3A_956, %broadcast_in_dim3A_957 : vector<32x1024xi1>, vector<32x1024xf32>
      %convert_element_type3A_959 = arith.truncf %select_n3A_958 : vector<32x1024xf32> to vector<32x1024xbf16>
      %convert_element_type3A_960 = arith.extf %convert_element_type3A_959 : vector<32x1024xbf16> to vector<32x1024xf32>
      %sub3A_961 = arith.subf %select_n3A_958, %convert_element_type3A_960 : vector<32x1024xf32>
      %dot_general3A_962 = arith.constant dense<0.000000e+00> : vector<256x1024xf32>
      %dot_general3A_963 = tpu.matmul %get3A_1, %convert_element_type3A_960, %dot_general3A_962 {dimension_numbers = #tpu.dot_dimension_numbers<[1], [0], [0], [1], [0, 0, 1, 1], [], []>, transpose_lhs_hint = false} : vector<256x32xf32>, vector<32x1024xf32>, vector<256x1024xf32> -> vector<256x1024xf32>
      %dot_general3A_964 = arith.constant dense<0.000000e+00> : vector<256x1024xf32>
      %dot_general3A_965 = tpu.matmul %get3A_1, %sub3A_961, %dot_general3A_964 {dimension_numbers = #tpu.dot_dimension_numbers<[1], [0], [0], [1], [0, 0, 1, 1], [], []>, transpose_lhs_hint = false} : vector<256x32xf32>, vector<32x1024xf32>, vector<256x1024xf32> -> vector<256x1024xf32>
      %add3A_966 = arith.addf %dot_general3A_963, %dot_general3A_965 : vector<256x1024xf32>
      %dot_general3A_967 = arith.constant dense<0.000000e+00> : vector<256x1024xf32>
      %dot_general3A_968 = tpu.matmul %get3A_4, %convert_element_type3A_960, %dot_general3A_967 {dimension_numbers = #tpu.dot_dimension_numbers<[1], [0], [0], [1], [0, 0, 1, 1], [], []>, transpose_lhs_hint = false} : vector<256x32xf32>, vector<32x1024xf32>, vector<256x1024xf32> -> vector<256x1024xf32>
      %add3A_969 = arith.addf %add3A_966, %dot_general3A_968 : vector<256x1024xf32>
      %slice3A_970 = vector.extract_strided_slice %get3A_10 {offsets = [26, 0], sizes = [1, 1024], strides = [1, 1]} : vector<32x1024xf32> to vector<1x1024xf32>
      %squeeze3A_971 = vector.shape_cast %slice3A_970 : vector<1x1024xf32> to vector<1024xf32>
      %broadcast_in_dim3A_972 = vector.shape_cast %squeeze3A_971 : vector<1024xf32> to vector<1x1024xf32>
      %sub3A_973 = vector.broadcast %broadcast_in_dim3A_972 : vector<1x1024xf32> to vector<256x1024xf32>
      %sub3A_974 = arith.subf %add3A_969, %sub3A_973 : vector<256x1024xf32>
      %max3A_975 = arith.constant 0.000000e+00 : f32
      %max3A_976 = vector.broadcast %max3A_975 : f32 to vector<256x1024xf32>
      %max3A_977 = arith.maximumf %sub3A_974, %max3A_976 : vector<256x1024xf32>
      %mul3A_978 = arith.mulf %max3A_977, %max3A_977 : vector<256x1024xf32>
      %add3A_979 = arith.addf %add3A_945, %mul3A_978 : vector<256x1024xf32>
      %slice3A_980 = vector.extract_strided_slice %get3A_13 {offsets = [27, 0], sizes = [1, 1024], strides = [1, 1]} : vector<32x1024xi32> to vector<1x1024xi32>
      %squeeze3A_981 = vector.shape_cast %slice3A_980 : vector<1x1024xi32> to vector<1024xi32>
      %broadcast_in_dim3A_982 = vector.shape_cast %squeeze3A_981 : vector<1024xi32> to vector<1x1024xi32>
      %eq3A_983 = vector.broadcast %broadcast_in_dim3A_982 : vector<1x1024xi32> to vector<32x1024xi32>
      %eq3A_984 = arith.cmpi eq, %iota3A, %eq3A_983 : vector<32x1024xi32>
      %slice3A_985 = vector.extract_strided_slice %get3A_7 {offsets = [27, 0], sizes = [1, 1024], strides = [1, 1]} : vector<32x1024xf32> to vector<1x1024xf32>
      %squeeze3A_986 = vector.shape_cast %slice3A_985 : vector<1x1024xf32> to vector<1024xf32>
      %broadcast_in_dim3A_987 = vector.shape_cast %squeeze3A_986 : vector<1024xf32> to vector<1x1024xf32>
      %jit3A_988 = arith.constant 0.000000e+00 : f32
      %broadcast_in_dim3A_989 = vector.shape_cast %broadcast_in_dim3A_987 : vector<1x1024xf32> to vector<1x1024xf32>
      %broadcast_in_dim3A_990 = vector.broadcast %broadcast_in_dim3A_989 : vector<1x1024xf32> to vector<32x1024xf32>
      %broadcast_in_dim3A_991 = vector.broadcast %jit3A_988 : f32 to vector<32x1024xf32>
      %select_n3A_992 = arith.select %eq3A_984, %broadcast_in_dim3A_990, %broadcast_in_dim3A_991 : vector<32x1024xi1>, vector<32x1024xf32>
      %convert_element_type3A_993 = arith.truncf %select_n3A_992 : vector<32x1024xf32> to vector<32x1024xbf16>
      %convert_element_type3A_994 = arith.extf %convert_element_type3A_993 : vector<32x1024xbf16> to vector<32x1024xf32>
      %sub3A_995 = arith.subf %select_n3A_992, %convert_element_type3A_994 : vector<32x1024xf32>
      %dot_general3A_996 = arith.constant dense<0.000000e+00> : vector<256x1024xf32>
      %dot_general3A_997 = tpu.matmul %get3A_1, %convert_element_type3A_994, %dot_general3A_996 {dimension_numbers = #tpu.dot_dimension_numbers<[1], [0], [0], [1], [0, 0, 1, 1], [], []>, transpose_lhs_hint = false} : vector<256x32xf32>, vector<32x1024xf32>, vector<256x1024xf32> -> vector<256x1024xf32>
      %dot_general3A_998 = arith.constant dense<0.000000e+00> : vector<256x1024xf32>
      %dot_general3A_999 = tpu.matmul %get3A_1, %sub3A_995, %dot_general3A_998 {dimension_numbers = #tpu.dot_dimension_numbers<[1], [0], [0], [1], [0, 0, 1, 1], [], []>, transpose_lhs_hint = false} : vector<256x32xf32>, vector<32x1024xf32>, vector<256x1024xf32> -> vector<256x1024xf32>
      %add3A_1000 = arith.addf %dot_general3A_997, %dot_general3A_999 : vector<256x1024xf32>
      %dot_general3A_1001 = arith.constant dense<0.000000e+00> : vector<256x1024xf32>
      %dot_general3A_1002 = tpu.matmul %get3A_4, %convert_element_type3A_994, %dot_general3A_1001 {dimension_numbers = #tpu.dot_dimension_numbers<[1], [0], [0], [1], [0, 0, 1, 1], [], []>, transpose_lhs_hint = false} : vector<256x32xf32>, vector<32x1024xf32>, vector<256x1024xf32> -> vector<256x1024xf32>
      %add3A_1003 = arith.addf %add3A_1000, %dot_general3A_1002 : vector<256x1024xf32>
      %slice3A_1004 = vector.extract_strided_slice %get3A_10 {offsets = [27, 0], sizes = [1, 1024], strides = [1, 1]} : vector<32x1024xf32> to vector<1x1024xf32>
      %squeeze3A_1005 = vector.shape_cast %slice3A_1004 : vector<1x1024xf32> to vector<1024xf32>
      %broadcast_in_dim3A_1006 = vector.shape_cast %squeeze3A_1005 : vector<1024xf32> to vector<1x1024xf32>
      %sub3A_1007 = vector.broadcast %broadcast_in_dim3A_1006 : vector<1x1024xf32> to vector<256x1024xf32>
      %sub3A_1008 = arith.subf %add3A_1003, %sub3A_1007 : vector<256x1024xf32>
      %max3A_1009 = arith.constant 0.000000e+00 : f32
      %max3A_1010 = vector.broadcast %max3A_1009 : f32 to vector<256x1024xf32>
      %max3A_1011 = arith.maximumf %sub3A_1008, %max3A_1010 : vector<256x1024xf32>
      %mul3A_1012 = arith.mulf %max3A_1011, %max3A_1011 : vector<256x1024xf32>
      %add3A_1013 = arith.addf %add3A_979, %mul3A_1012 : vector<256x1024xf32>
      %slice3A_1014 = vector.extract_strided_slice %get3A_13 {offsets = [28, 0], sizes = [1, 1024], strides = [1, 1]} : vector<32x1024xi32> to vector<1x1024xi32>
      %squeeze3A_1015 = vector.shape_cast %slice3A_1014 : vector<1x1024xi32> to vector<1024xi32>
      %broadcast_in_dim3A_1016 = vector.shape_cast %squeeze3A_1015 : vector<1024xi32> to vector<1x1024xi32>
      %eq3A_1017 = vector.broadcast %broadcast_in_dim3A_1016 : vector<1x1024xi32> to vector<32x1024xi32>
      %eq3A_1018 = arith.cmpi eq, %iota3A, %eq3A_1017 : vector<32x1024xi32>
      %slice3A_1019 = vector.extract_strided_slice %get3A_7 {offsets = [28, 0], sizes = [1, 1024], strides = [1, 1]} : vector<32x1024xf32> to vector<1x1024xf32>
      %squeeze3A_1020 = vector.shape_cast %slice3A_1019 : vector<1x1024xf32> to vector<1024xf32>
      %broadcast_in_dim3A_1021 = vector.shape_cast %squeeze3A_1020 : vector<1024xf32> to vector<1x1024xf32>
      %jit3A_1022 = arith.constant 0.000000e+00 : f32
      %broadcast_in_dim3A_1023 = vector.shape_cast %broadcast_in_dim3A_1021 : vector<1x1024xf32> to vector<1x1024xf32>
      %broadcast_in_dim3A_1024 = vector.broadcast %broadcast_in_dim3A_1023 : vector<1x1024xf32> to vector<32x1024xf32>
      %broadcast_in_dim3A_1025 = vector.broadcast %jit3A_1022 : f32 to vector<32x1024xf32>
      %select_n3A_1026 = arith.select %eq3A_1018, %broadcast_in_dim3A_1024, %broadcast_in_dim3A_1025 : vector<32x1024xi1>, vector<32x1024xf32>
      %convert_element_type3A_1027 = arith.truncf %select_n3A_1026 : vector<32x1024xf32> to vector<32x1024xbf16>
      %convert_element_type3A_1028 = arith.extf %convert_element_type3A_1027 : vector<32x1024xbf16> to vector<32x1024xf32>
      %sub3A_1029 = arith.subf %select_n3A_1026, %convert_element_type3A_1028 : vector<32x1024xf32>
      %dot_general3A_1030 = arith.constant dense<0.000000e+00> : vector<256x1024xf32>
      %dot_general3A_1031 = tpu.matmul %get3A_1, %convert_element_type3A_1028, %dot_general3A_1030 {dimension_numbers = #tpu.dot_dimension_numbers<[1], [0], [0], [1], [0, 0, 1, 1], [], []>, transpose_lhs_hint = false} : vector<256x32xf32>, vector<32x1024xf32>, vector<256x1024xf32> -> vector<256x1024xf32>
      %dot_general3A_1032 = arith.constant dense<0.000000e+00> : vector<256x1024xf32>
      %dot_general3A_1033 = tpu.matmul %get3A_1, %sub3A_1029, %dot_general3A_1032 {dimension_numbers = #tpu.dot_dimension_numbers<[1], [0], [0], [1], [0, 0, 1, 1], [], []>, transpose_lhs_hint = false} : vector<256x32xf32>, vector<32x1024xf32>, vector<256x1024xf32> -> vector<256x1024xf32>
      %add3A_1034 = arith.addf %dot_general3A_1031, %dot_general3A_1033 : vector<256x1024xf32>
      %dot_general3A_1035 = arith.constant dense<0.000000e+00> : vector<256x1024xf32>
      %dot_general3A_1036 = tpu.matmul %get3A_4, %convert_element_type3A_1028, %dot_general3A_1035 {dimension_numbers = #tpu.dot_dimension_numbers<[1], [0], [0], [1], [0, 0, 1, 1], [], []>, transpose_lhs_hint = false} : vector<256x32xf32>, vector<32x1024xf32>, vector<256x1024xf32> -> vector<256x1024xf32>
      %add3A_1037 = arith.addf %add3A_1034, %dot_general3A_1036 : vector<256x1024xf32>
      %slice3A_1038 = vector.extract_strided_slice %get3A_10 {offsets = [28, 0], sizes = [1, 1024], strides = [1, 1]} : vector<32x1024xf32> to vector<1x1024xf32>
      %squeeze3A_1039 = vector.shape_cast %slice3A_1038 : vector<1x1024xf32> to vector<1024xf32>
      %broadcast_in_dim3A_1040 = vector.shape_cast %squeeze3A_1039 : vector<1024xf32> to vector<1x1024xf32>
      %sub3A_1041 = vector.broadcast %broadcast_in_dim3A_1040 : vector<1x1024xf32> to vector<256x1024xf32>
      %sub3A_1042 = arith.subf %add3A_1037, %sub3A_1041 : vector<256x1024xf32>
      %max3A_1043 = arith.constant 0.000000e+00 : f32
      %max3A_1044 = vector.broadcast %max3A_1043 : f32 to vector<256x1024xf32>
      %max3A_1045 = arith.maximumf %sub3A_1042, %max3A_1044 : vector<256x1024xf32>
      %mul3A_1046 = arith.mulf %max3A_1045, %max3A_1045 : vector<256x1024xf32>
      %add3A_1047 = arith.addf %add3A_1013, %mul3A_1046 : vector<256x1024xf32>
      %slice3A_1048 = vector.extract_strided_slice %get3A_13 {offsets = [29, 0], sizes = [1, 1024], strides = [1, 1]} : vector<32x1024xi32> to vector<1x1024xi32>
      %squeeze3A_1049 = vector.shape_cast %slice3A_1048 : vector<1x1024xi32> to vector<1024xi32>
      %broadcast_in_dim3A_1050 = vector.shape_cast %squeeze3A_1049 : vector<1024xi32> to vector<1x1024xi32>
      %eq3A_1051 = vector.broadcast %broadcast_in_dim3A_1050 : vector<1x1024xi32> to vector<32x1024xi32>
      %eq3A_1052 = arith.cmpi eq, %iota3A, %eq3A_1051 : vector<32x1024xi32>
      %slice3A_1053 = vector.extract_strided_slice %get3A_7 {offsets = [29, 0], sizes = [1, 1024], strides = [1, 1]} : vector<32x1024xf32> to vector<1x1024xf32>
      %squeeze3A_1054 = vector.shape_cast %slice3A_1053 : vector<1x1024xf32> to vector<1024xf32>
      %broadcast_in_dim3A_1055 = vector.shape_cast %squeeze3A_1054 : vector<1024xf32> to vector<1x1024xf32>
      %jit3A_1056 = arith.constant 0.000000e+00 : f32
      %broadcast_in_dim3A_1057 = vector.shape_cast %broadcast_in_dim3A_1055 : vector<1x1024xf32> to vector<1x1024xf32>
      %broadcast_in_dim3A_1058 = vector.broadcast %broadcast_in_dim3A_1057 : vector<1x1024xf32> to vector<32x1024xf32>
      %broadcast_in_dim3A_1059 = vector.broadcast %jit3A_1056 : f32 to vector<32x1024xf32>
      %select_n3A_1060 = arith.select %eq3A_1052, %broadcast_in_dim3A_1058, %broadcast_in_dim3A_1059 : vector<32x1024xi1>, vector<32x1024xf32>
      %convert_element_type3A_1061 = arith.truncf %select_n3A_1060 : vector<32x1024xf32> to vector<32x1024xbf16>
      %convert_element_type3A_1062 = arith.extf %convert_element_type3A_1061 : vector<32x1024xbf16> to vector<32x1024xf32>
      %sub3A_1063 = arith.subf %select_n3A_1060, %convert_element_type3A_1062 : vector<32x1024xf32>
      %dot_general3A_1064 = arith.constant dense<0.000000e+00> : vector<256x1024xf32>
      %dot_general3A_1065 = tpu.matmul %get3A_1, %convert_element_type3A_1062, %dot_general3A_1064 {dimension_numbers = #tpu.dot_dimension_numbers<[1], [0], [0], [1], [0, 0, 1, 1], [], []>, transpose_lhs_hint = false} : vector<256x32xf32>, vector<32x1024xf32>, vector<256x1024xf32> -> vector<256x1024xf32>
      %dot_general3A_1066 = arith.constant dense<0.000000e+00> : vector<256x1024xf32>
      %dot_general3A_1067 = tpu.matmul %get3A_1, %sub3A_1063, %dot_general3A_1066 {dimension_numbers = #tpu.dot_dimension_numbers<[1], [0], [0], [1], [0, 0, 1, 1], [], []>, transpose_lhs_hint = false} : vector<256x32xf32>, vector<32x1024xf32>, vector<256x1024xf32> -> vector<256x1024xf32>
      %add3A_1068 = arith.addf %dot_general3A_1065, %dot_general3A_1067 : vector<256x1024xf32>
      %dot_general3A_1069 = arith.constant dense<0.000000e+00> : vector<256x1024xf32>
      %dot_general3A_1070 = tpu.matmul %get3A_4, %convert_element_type3A_1062, %dot_general3A_1069 {dimension_numbers = #tpu.dot_dimension_numbers<[1], [0], [0], [1], [0, 0, 1, 1], [], []>, transpose_lhs_hint = false} : vector<256x32xf32>, vector<32x1024xf32>, vector<256x1024xf32> -> vector<256x1024xf32>
      %add3A_1071 = arith.addf %add3A_1068, %dot_general3A_1070 : vector<256x1024xf32>
      %slice3A_1072 = vector.extract_strided_slice %get3A_10 {offsets = [29, 0], sizes = [1, 1024], strides = [1, 1]} : vector<32x1024xf32> to vector<1x1024xf32>
      %squeeze3A_1073 = vector.shape_cast %slice3A_1072 : vector<1x1024xf32> to vector<1024xf32>
      %broadcast_in_dim3A_1074 = vector.shape_cast %squeeze3A_1073 : vector<1024xf32> to vector<1x1024xf32>
      %sub3A_1075 = vector.broadcast %broadcast_in_dim3A_1074 : vector<1x1024xf32> to vector<256x1024xf32>
      %sub3A_1076 = arith.subf %add3A_1071, %sub3A_1075 : vector<256x1024xf32>
      %max3A_1077 = arith.constant 0.000000e+00 : f32
      %max3A_1078 = vector.broadcast %max3A_1077 : f32 to vector<256x1024xf32>
      %max3A_1079 = arith.maximumf %sub3A_1076, %max3A_1078 : vector<256x1024xf32>
      %mul3A_1080 = arith.mulf %max3A_1079, %max3A_1079 : vector<256x1024xf32>
      %add3A_1081 = arith.addf %add3A_1047, %mul3A_1080 : vector<256x1024xf32>
      %slice3A_1082 = vector.extract_strided_slice %get3A_13 {offsets = [30, 0], sizes = [1, 1024], strides = [1, 1]} : vector<32x1024xi32> to vector<1x1024xi32>
      %squeeze3A_1083 = vector.shape_cast %slice3A_1082 : vector<1x1024xi32> to vector<1024xi32>
      %broadcast_in_dim3A_1084 = vector.shape_cast %squeeze3A_1083 : vector<1024xi32> to vector<1x1024xi32>
      %eq3A_1085 = vector.broadcast %broadcast_in_dim3A_1084 : vector<1x1024xi32> to vector<32x1024xi32>
      %eq3A_1086 = arith.cmpi eq, %iota3A, %eq3A_1085 : vector<32x1024xi32>
      %slice3A_1087 = vector.extract_strided_slice %get3A_7 {offsets = [30, 0], sizes = [1, 1024], strides = [1, 1]} : vector<32x1024xf32> to vector<1x1024xf32>
      %squeeze3A_1088 = vector.shape_cast %slice3A_1087 : vector<1x1024xf32> to vector<1024xf32>
      %broadcast_in_dim3A_1089 = vector.shape_cast %squeeze3A_1088 : vector<1024xf32> to vector<1x1024xf32>
      %jit3A_1090 = arith.constant 0.000000e+00 : f32
      %broadcast_in_dim3A_1091 = vector.shape_cast %broadcast_in_dim3A_1089 : vector<1x1024xf32> to vector<1x1024xf32>
      %broadcast_in_dim3A_1092 = vector.broadcast %broadcast_in_dim3A_1091 : vector<1x1024xf32> to vector<32x1024xf32>
      %broadcast_in_dim3A_1093 = vector.broadcast %jit3A_1090 : f32 to vector<32x1024xf32>
      %select_n3A_1094 = arith.select %eq3A_1086, %broadcast_in_dim3A_1092, %broadcast_in_dim3A_1093 : vector<32x1024xi1>, vector<32x1024xf32>
      %convert_element_type3A_1095 = arith.truncf %select_n3A_1094 : vector<32x1024xf32> to vector<32x1024xbf16>
      %convert_element_type3A_1096 = arith.extf %convert_element_type3A_1095 : vector<32x1024xbf16> to vector<32x1024xf32>
      %sub3A_1097 = arith.subf %select_n3A_1094, %convert_element_type3A_1096 : vector<32x1024xf32>
      %dot_general3A_1098 = arith.constant dense<0.000000e+00> : vector<256x1024xf32>
      %dot_general3A_1099 = tpu.matmul %get3A_1, %convert_element_type3A_1096, %dot_general3A_1098 {dimension_numbers = #tpu.dot_dimension_numbers<[1], [0], [0], [1], [0, 0, 1, 1], [], []>, transpose_lhs_hint = false} : vector<256x32xf32>, vector<32x1024xf32>, vector<256x1024xf32> -> vector<256x1024xf32>
      %dot_general3A_1100 = arith.constant dense<0.000000e+00> : vector<256x1024xf32>
      %dot_general3A_1101 = tpu.matmul %get3A_1, %sub3A_1097, %dot_general3A_1100 {dimension_numbers = #tpu.dot_dimension_numbers<[1], [0], [0], [1], [0, 0, 1, 1], [], []>, transpose_lhs_hint = false} : vector<256x32xf32>, vector<32x1024xf32>, vector<256x1024xf32> -> vector<256x1024xf32>
      %add3A_1102 = arith.addf %dot_general3A_1099, %dot_general3A_1101 : vector<256x1024xf32>
      %dot_general3A_1103 = arith.constant dense<0.000000e+00> : vector<256x1024xf32>
      %dot_general3A_1104 = tpu.matmul %get3A_4, %convert_element_type3A_1096, %dot_general3A_1103 {dimension_numbers = #tpu.dot_dimension_numbers<[1], [0], [0], [1], [0, 0, 1, 1], [], []>, transpose_lhs_hint = false} : vector<256x32xf32>, vector<32x1024xf32>, vector<256x1024xf32> -> vector<256x1024xf32>
      %add3A_1105 = arith.addf %add3A_1102, %dot_general3A_1104 : vector<256x1024xf32>
      %slice3A_1106 = vector.extract_strided_slice %get3A_10 {offsets = [30, 0], sizes = [1, 1024], strides = [1, 1]} : vector<32x1024xf32> to vector<1x1024xf32>
      %squeeze3A_1107 = vector.shape_cast %slice3A_1106 : vector<1x1024xf32> to vector<1024xf32>
      %broadcast_in_dim3A_1108 = vector.shape_cast %squeeze3A_1107 : vector<1024xf32> to vector<1x1024xf32>
      %sub3A_1109 = vector.broadcast %broadcast_in_dim3A_1108 : vector<1x1024xf32> to vector<256x1024xf32>
      %sub3A_1110 = arith.subf %add3A_1105, %sub3A_1109 : vector<256x1024xf32>
      %max3A_1111 = arith.constant 0.000000e+00 : f32
      %max3A_1112 = vector.broadcast %max3A_1111 : f32 to vector<256x1024xf32>
      %max3A_1113 = arith.maximumf %sub3A_1110, %max3A_1112 : vector<256x1024xf32>
      %mul3A_1114 = arith.mulf %max3A_1113, %max3A_1113 : vector<256x1024xf32>
      %add3A_1115 = arith.addf %add3A_1081, %mul3A_1114 : vector<256x1024xf32>
      %slice3A_1116 = vector.extract_strided_slice %get3A_13 {offsets = [31, 0], sizes = [1, 1024], strides = [1, 1]} : vector<32x1024xi32> to vector<1x1024xi32>
      %squeeze3A_1117 = vector.shape_cast %slice3A_1116 : vector<1x1024xi32> to vector<1024xi32>
      %broadcast_in_dim3A_1118 = vector.shape_cast %squeeze3A_1117 : vector<1024xi32> to vector<1x1024xi32>
      %eq3A_1119 = vector.broadcast %broadcast_in_dim3A_1118 : vector<1x1024xi32> to vector<32x1024xi32>
      %eq3A_1120 = arith.cmpi eq, %iota3A, %eq3A_1119 : vector<32x1024xi32>
      %slice3A_1121 = vector.extract_strided_slice %get3A_7 {offsets = [31, 0], sizes = [1, 1024], strides = [1, 1]} : vector<32x1024xf32> to vector<1x1024xf32>
      %squeeze3A_1122 = vector.shape_cast %slice3A_1121 : vector<1x1024xf32> to vector<1024xf32>
      %broadcast_in_dim3A_1123 = vector.shape_cast %squeeze3A_1122 : vector<1024xf32> to vector<1x1024xf32>
      %jit3A_1124 = arith.constant 0.000000e+00 : f32
      %broadcast_in_dim3A_1125 = vector.shape_cast %broadcast_in_dim3A_1123 : vector<1x1024xf32> to vector<1x1024xf32>
      %broadcast_in_dim3A_1126 = vector.broadcast %broadcast_in_dim3A_1125 : vector<1x1024xf32> to vector<32x1024xf32>
      %broadcast_in_dim3A_1127 = vector.broadcast %jit3A_1124 : f32 to vector<32x1024xf32>
      %select_n3A_1128 = arith.select %eq3A_1120, %broadcast_in_dim3A_1126, %broadcast_in_dim3A_1127 : vector<32x1024xi1>, vector<32x1024xf32>
      %convert_element_type3A_1129 = arith.truncf %select_n3A_1128 : vector<32x1024xf32> to vector<32x1024xbf16>
      %convert_element_type3A_1130 = arith.extf %convert_element_type3A_1129 : vector<32x1024xbf16> to vector<32x1024xf32>
      %sub3A_1131 = arith.subf %select_n3A_1128, %convert_element_type3A_1130 : vector<32x1024xf32>
      %dot_general3A_1132 = arith.constant dense<0.000000e+00> : vector<256x1024xf32>
      %dot_general3A_1133 = tpu.matmul %get3A_1, %convert_element_type3A_1130, %dot_general3A_1132 {dimension_numbers = #tpu.dot_dimension_numbers<[1], [0], [0], [1], [0, 0, 1, 1], [], []>, transpose_lhs_hint = false} : vector<256x32xf32>, vector<32x1024xf32>, vector<256x1024xf32> -> vector<256x1024xf32>
      %dot_general3A_1134 = arith.constant dense<0.000000e+00> : vector<256x1024xf32>
      %dot_general3A_1135 = tpu.matmul %get3A_1, %sub3A_1131, %dot_general3A_1134 {dimension_numbers = #tpu.dot_dimension_numbers<[1], [0], [0], [1], [0, 0, 1, 1], [], []>, transpose_lhs_hint = false} : vector<256x32xf32>, vector<32x1024xf32>, vector<256x1024xf32> -> vector<256x1024xf32>
      %add3A_1136 = arith.addf %dot_general3A_1133, %dot_general3A_1135 : vector<256x1024xf32>
      %dot_general3A_1137 = arith.constant dense<0.000000e+00> : vector<256x1024xf32>
      %dot_general3A_1138 = tpu.matmul %get3A_4, %convert_element_type3A_1130, %dot_general3A_1137 {dimension_numbers = #tpu.dot_dimension_numbers<[1], [0], [0], [1], [0, 0, 1, 1], [], []>, transpose_lhs_hint = false} : vector<256x32xf32>, vector<32x1024xf32>, vector<256x1024xf32> -> vector<256x1024xf32>
      %add3A_1139 = arith.addf %add3A_1136, %dot_general3A_1138 : vector<256x1024xf32>
      %slice3A_1140 = vector.extract_strided_slice %get3A_10 {offsets = [31, 0], sizes = [1, 1024], strides = [1, 1]} : vector<32x1024xf32> to vector<1x1024xf32>
      %squeeze3A_1141 = vector.shape_cast %slice3A_1140 : vector<1x1024xf32> to vector<1024xf32>
      %broadcast_in_dim3A_1142 = vector.shape_cast %squeeze3A_1141 : vector<1024xf32> to vector<1x1024xf32>
      %sub3A_1143 = vector.broadcast %broadcast_in_dim3A_1142 : vector<1x1024xf32> to vector<256x1024xf32>
      %sub3A_1144 = arith.subf %add3A_1139, %sub3A_1143 : vector<256x1024xf32>
      %max3A_1145 = arith.constant 0.000000e+00 : f32
      %max3A_1146 = vector.broadcast %max3A_1145 : f32 to vector<256x1024xf32>
      %max3A_1147 = arith.maximumf %sub3A_1144, %max3A_1146 : vector<256x1024xf32>
      %mul3A_1148 = arith.mulf %max3A_1147, %max3A_1147 : vector<256x1024xf32>
      %add3A_1149 = arith.addf %add3A_1115, %mul3A_1148 : vector<256x1024xf32>
      %add3A_1150 = arith.addf %get3A_470, %add3A_1149 : vector<256x1024xf32>
      %swap3A_1151 = arith.constant 0 : index
      %swap3A_1152 = arith.constant 0 : index
      %swap3A_1153 = vector.load %arg9[%swap3A_1151, %swap3A_1152] : memref<256x1024xf32, #tpu.memory_space<vmem>>, vector<256x1024xf32>
      tpu.vector_store %arg9[%swap3A_1151, %swap3A_1152], %add3A_1150 {strides = array<i32>} : memref<256x1024xf32, #tpu.memory_space<vmem>>, vector<256x1024xf32>,
    } else {
    }
    %get3A_447 = arith.constant 0 : index
    %get3A_448 = arith.constant 0 : index
    %get3A_449 = vector.load %arg9[%get3A_447, %get3A_448] : memref<256x1024xf32, #tpu.memory_space<vmem>>, vector<256x1024xf32>
    %neg3A = arith.constant 0.000000e+00 : f32
    %neg3A_450 = vector.broadcast %neg3A : f32 to vector<256x1024xf32>
    %neg3A_451 = arith.subf %neg3A_450, %get3A_449 : vector<256x1024xf32>
    %exp3A = math.exp %neg3A_451 : vector<256x1024xf32>
    %get3A_452 = arith.constant 0 : index
    %get3A_453 = vector.load %arg7[%get3A_452] : memref<1024xf32, #tpu.memory_space<vmem>>, vector<1024xf32>
    %broadcast_in_dim3A_454 = vector.shape_cast %get3A_453 : vector<1024xf32> to vector<1x1024xf32>
    %mul3A_455 = vector.broadcast %broadcast_in_dim3A_454 : vector<1x1024xf32> to vector<256x1024xf32>
    %mul3A_456 = arith.mulf %exp3A, %mul3A_455 : vector<256x1024xf32>
    %reduce_sum3A = arith.constant dense<0.000000e+00> : vector<256xf32>
    %reduce_sum3A_457 = vector.multi_reduction <add>, %mul3A_456, %reduce_sum3A [1] : vector<256x1024xf32> to vector<256xf32>
    %eq3A_458 = arith.constant 0 : i32
    %eq3A_459 = arith.cmpi eq, %arg0, %eq3A_458 : i32
    %convert_element_type3A_460 = arith.extui %eq3A_459 : i1 to i32
    %cond3A_461 = arith.constant 0 : i32
    %cond3A_462 = arith.cmpi ne, %convert_element_type3A_460, %cond3A_461 : i32
    scf.if %cond3A_462 {
      %broadcast_in_dim3A_468 = arith.constant 0.000000e+00 : f32
      %broadcast_in_dim3A_469 = vector.broadcast %broadcast_in_dim3A_468 : f32 to vector<256xf32>
      %swap3A_470 = arith.constant 0 : index
      %swap3A_471 = vector.load %arg8[%swap3A_470] : memref<256xf32, #tpu.memory_space<vmem>>, vector<256xf32>
      tpu.vector_store %arg8[%swap3A_470], %broadcast_in_dim3A_469 {strides = array<i32>} : memref<256xf32, #tpu.memory_space<vmem>>, vector<256xf32>,
    } else {
    }
    %get3A_463 = arith.constant 0 : index
    %get3A_464 = vector.load %arg8[%get3A_463] : memref<256xf32, #tpu.memory_space<vmem>>, vector<256xf32>
    %add3A_465 = arith.addf %get3A_464, %reduce_sum3A_457 : vector<256xf32>
    %swap3A_466 = arith.constant 0 : index
    %swap3A_467 = vector.load %arg8[%swap3A_466] : memref<256xf32, #tpu.memory_space<vmem>>, vector<256xf32>
    tpu.vector_store %arg8[%swap3A_466], %add3A_465 {strides = array<i32>} : memref<256xf32, #tpu.memory_space<vmem>>, vector<256xf32>,
    return
  }
  func.func @transform_0(%arg0: i32) -> i32 {
    %c0_i32 = arith.constant 0 : i32
    %c0_i32_0 = arith.constant 0 : i32
    return %c0_i32 : i32
  }
  func.func @transform_1(%arg0: i32) -> (i32, i32) {
    %c0_i32 = arith.constant 0 : i32
    %c0_i32_0 = arith.constant 0 : i32
    %c0_i32_1 = arith.constant 0 : i32
    return %c0_i32, %c0_i32_0 : i32, i32
  }
  func.func @transform_2(%arg0: i32) -> (i32, i32) {
    %c0_i32 = arith.constant 0 : i32
    %c0_i32_0 = arith.constant 0 : i32
    %c0_i32_1 = arith.constant 0 : i32
    return %c0_i32, %c0_i32_0 : i32, i32
  }
  func.func @transform_3(%arg0: i32) -> (i32, i32) {
    %c0_i32 = arith.constant 0 : i32
    %c0_i32_0 = arith.constant 0 : i32
    return %c0_i32, %arg0 : i32, i32
  }
  func.func @transform_4(%arg0: i32) -> (i32, i32) {
    %c0_i32 = arith.constant 0 : i32
    %c0_i32_0 = arith.constant 0 : i32
    return %c0_i32, %arg0 : i32, i32
  }
  func.func @transform_5(%arg0: i32) -> (i32, i32) {
    %c0_i32 = arith.constant 0 : i32
    %c0_i32_0 = arith.constant 0 : i32
    return %c0_i32, %arg0 : i32, i32
  }
  func.func @transform_6(%arg0: i32) -> i32 {
    %c0_i32 = arith.constant 0 : i32
    return %arg0 : i32
  }
  func.func @transform_7(%arg0: i32) -> i32 {
    %c0_i32 = arith.constant 0 : i32
    %c0_i32_0 = arith.constant 0 : i32
    return %c0_i32 : i32
  }
}

</mosaic_0001>

<sc_bundles>
// kernel: kernel.4.cloned.1.call-start
scs
__scs_entry_jumppad:
0x0: {  	(pc) =	sbr.rel $0x88, $3  }
0x1: {  	(tag) =	ssettag $0x0;
	lr =	simm.s32 $0x1  }
0x2: {  	[smem:$0x3F9A] =	sst lr;
	_ =	strace $0xD0000000  }
0x3: {  	_ = 	snop  }
0x4: {  	_ = 	snop  }
0x5: {  	_ = 	snop  }
0x6: {  	_ = 	snop  }
0x7: {  	_ = 	snop  }
__scs_overlays_trampoline_lowered:
0x8: {  	[smem:$0x3FA9] =	sst s0  }
0x9: {  	[smem:$0x3FAA] =	sst s1  }
0xa: {  	[smem:$0x3FAB] =	sst s2  }
0xb: {  	[smem:$0x3FAC] =	sst s3  }
0xc: {  	[smem:$0x3FAD] =	sst s4  }
0xd: {  	[smem:$0x3FAE] =	sst s5  }
0xe: {  	[smem:$0x3FAF] =	sst s6  }
0xf: {  	[smem:$0x3FB0] =	sst s7  }
0x10: {  	[smem:$0x3FB1] =	sst s8  }
0x11: {  	[smem:$0x3FB2] =	sst s9;
	s0 =	simm.s32 @!p0 $0x0  }
0x12: {  	s1 =	sld [smem:$0x3F98];
	s0 =	simm.s32 @p0 $0x1  }
0x13: {  	[smem:$0x3FB3] =	sst s0;
	s0 =	simm.s32 @!p1 $0x0  }
0x14: {  	s2 =	sld [smem:$0x3F97];
	s0 =	simm.s32 @p1 $0x1  }
0x15: {  	[smem:$0x3FB4] =	sst s0;
	s0 =	simm.s32 @!p2 $0x0  }
0x16: {  	s3 =	sld [smem:$0x3FDB];
	s0 =	simm.s32 @p2 $0x1  }
0x17: {  	s4 =	simm.s32 $0x1BF5;
	[smem:$0x3FB6] =	sst s0  }
0x18: {  	s0 =	sld [smem:$0x3F99];
	_ =	swait.ge [sflag:s4], $0x0  }
0x19: {  	s7 =	sld [smem:$0x3F9A]  }
0x1a: {  	s8 =	sadd.s32 $0xFFFFE003, lr  }
0x1b: {  	s9 =	sadd.s32 $0xFFFFFEF7, lr;
	s5 =	simm.s32 $0xFFFFFFFF;
	p2 =	slt.u32 s8, $0xFFFFF086  }
0x1c: {  	p1 =	slt.u32 s9, $0xF7A;
	s5 =	simm.s32 @!p2 $0x0  }
0x1d: {  	s5 =	simm.s32 @p1 $0x1;
	p0 =	seq.s32 s7, s2  }
0x1e: {  	s7 =	smul.u32 @!p0 $0xF7A, s2;
	p2 =	seq.s32 @!p0 s5, $0x0  }
0x1f: {  	s9 =	smul.u32 $0xF7A, s1;
	s8 =	simm.s32 @!p0 $0x1BF5;
	p2 =	por !p2, p0  }
0x20: {  	[sflag:s8] =	ssyncset.s32 @!p0 $0xFFFFF086;
	s6 =	sadd.s32 @!p0 s3, s7;
	s7 =	simm.s32 @!p0 $0x108  }
0x21: {  	s3 =	sadd.s32 s3, s9;
	s6 =	sadd.s32 @!p0 $0x88, s6;
	s7 =	simm.s32 @p2 $0x1082  }
0x22: {  	[simem:s7], [sflag:s8] =	dma.local @!p0 [hbm:s6], $0xF7A  }
0x23: {  	s9 =	sor.u32 $0xD0000000, s2;
	s6 =	simm.s32 $0x108;
	_ =	swait.ge @!p0 [sflag:s8], $0x0  }
0x24: {  	s3 =	sadd.s32 $0x88, s3;
	s6 =	simm.s32 @!p1 $0x1082;
	[sflag:s4] =	ssyncset.s32 $0xFFFFF086  }
0x25: {  	[simem:s6], [sflag:s4] =	dma.local [hbm:s3], $0xF7A  }
0x26: {  	[smem:$0x3F9A] =	sst s1;
	(tag) =	ssettag s2;
	_ =	strace s9  }
0x27: {  	s1 =	sld [smem:$0x3FAA]  }
0x28: {  	s2 =	sld [smem:$0x3FAB]  }
0x29: {  	s4 =	sld [smem:$0x3FAD]  }
0x2a: {  	p0 =	seq.s32 s5, $0x0;
	s5 =	sld [smem:$0x3FAE]  }
0x2b: {  	s6 =	sld [smem:$0x3FAF]  }
0x2c: {  	s7 =	sld [smem:$0x3FB0]  }
0x2d: {  	s3 =	simm.s32 $0x108;
	s8 =	sld [smem:$0x3FB1]  }
0x2e: {  	s3 =	simm.s32 @!p0 $0x1082;
	s9 =	sld [smem:$0x3FB2]  }
0x2f: {  	lr =	sadd.s32 s0, s3;
	s0 =	sld [smem:$0x3FA9]  }
0x30: {  	s3 =	sld [smem:$0x3FAC]  }
0x31: {  	[smem:$0x3FB5] =	sst s10  }
0x32: {  	s10 =	sld [smem:$0x3FB3];
	_ =	sdelay $0x3  }
0x33: {  	p0 =	seq.s32 s10, $0x1;
	s10 =	sld [smem:$0x3FB5];
	_ =	sdelay $0x3  }
0x34: {  	[smem:$0x3FB5] =	sst s10  }
0x35: {  	s10 =	sld [smem:$0x3FB4];
	_ =	sdelay $0x3  }
0x36: {  	p1 =	seq.s32 s10, $0x1;
	s10 =	sld [smem:$0x3FB5];
	_ =	sdelay $0x3  }
0x37: {  	[smem:$0x3FB5] =	sst s10  }
0x38: {  	s10 =	sld [smem:$0x3FB6]  }
0x39: {  	_ = 	snop;
	(pc) =	sbr.ind lr, $3  }
0x3a: {  	_ = 	snop  }
0x3b: {  	_ = 	snop  }
0x3c: {  	p2 =	seq.s32 s10, $0x1;
	s10 =	sld [smem:$0x3FB5]  }
0x3d: {  	_ =	shalt  }
0x3e: {  	_ =	shalt  }
0x3f: {  	_ =	shalt  }
0x40: {  	_ =	shalt  }
0x41: {  	_ =	shalt  }
0x42: {  	_ =	shalt  }
0x43: {  	_ =	shalt  }
0x44: {  	_ =	shalt  }
0x45: {  	_ =	shalt  }
0x46: {  	_ =	shalt  }
0x47: {  	_ =	shalt  }
0x48: {  	_ =	shalt  }
0x49: {  	_ =	shalt  }
0x4a: {  	_ =	shalt  }
0x4b: {  	_ =	shalt  }
0x4c: {  	_ =	shalt  }
0x4d: {  	_ =	shalt  }
0x4e: {  	_ =	shalt  }
0x4f: {  	_ =	shalt  }
0x50: {  	_ =	shalt  }
0x51: {  	_ =	shalt  }
0x52: {  	_ =	shalt  }
0x53: {  	_ =	shalt  }
0x54: {  	_ =	shalt  }
0x55: {  	_ =	shalt  }
0x56: {  	_ =	shalt  }
0x57: {  	_ =	shalt  }
0x58: {  	_ =	shalt  }
0x59: {  	_ =	shalt  }
0x5a: {  	_ =	shalt  }
0x5b: {  	_ =	shalt  }
0x5c: {  	_ =	shalt  }
0x5d: {  	_ =	shalt  }
0x5e: {  	_ =	shalt  }
0x5f: {  	_ =	shalt  }
0x60: {  	_ =	shalt  }
0x61: {  	_ =	shalt  }
0x62: {  	_ =	shalt  }
0x63: {  	_ =	shalt  }
0x64: {  	_ =	shalt  }
0x65: {  	_ =	shalt  }
0x66: {  	_ =	shalt  }
0x67: {  	_ =	shalt  }
0x68: {  	_ =	shalt  }
0x69: {  	_ =	shalt  }
0x6a: {  	_ =	shalt  }
0x6b: {  	_ =	shalt  }
0x6c: {  	_ =	shalt  }
0x6d: {  	_ =	shalt  }
0x6e: {  	_ =	shalt  }
0x6f: {  	_ =	shalt  }
0x70: {  	_ =	shalt  }
0x71: {  	_ =	shalt  }
0x72: {  	_ =	shalt  }
0x73: {  	_ =	shalt  }
0x74: {  	_ =	shalt  }
0x75: {  	_ =	shalt  }
0x76: {  	_ =	shalt  }
0x77: {  	_ =	shalt  }
0x78: {  	_ =	shalt  }
0x79: {  	_ =	shalt  }
0x7a: {  	_ =	shalt  }
0x7b: {  	_ =	shalt  }
0x7c: {  	_ =	shalt  }
0x7d: {  	_ =	shalt  }
0x7e: {  	_ =	shalt  }
0x7f: {  	_ =	shalt  }
0x80: {  	_ =	shalt  }
0x81: {  	_ =	shalt  }
0x82: {  	_ =	shalt  }
0x83: {  	_ =	shalt  }
0x84: {  	_ =	shalt  }
0x85: {  	_ =	shalt  }
0x86: {  	_ =	shalt  }
0x87: {  	_ =	shalt  }
.Lfunc_end0:
.L_simem_size_0:
called_computation_lowered:
.L_overlay_start_0:
0x88: {  	s2 =	sld [smem:$0x3FD9]  }
0x89: {  	s3 =	sld [smem:$0x3FFE];
	_ =	sdelay $0x1  }
0x8a: {  	s1 =	srdreg.scid  }
0x8b: {  	s0 =	sand.u32 $0x1, s1  }
0x8c: {  	s17 =	sshll.u32 s0, $0xA;
	s2 =	sadd.s32 s3, s2  }
0x8d: {  	s2 =	sadd.s32 s2, s17  }
0x8e: {  	[smem:$0x3FC1] =	sst s2  }
0x8f: {  	_ = 	snop  }
0x90: {  	s2 =	sld [smem:$0x3FD0];
	(tm) =	ssettm $0x1  }
0x91: {  	s18 =	sld [smem:$0x3FFB];
	_ =	sdelay $0x3  }
0x92: {  	_ =	strace s18  }
0x93: {  	s3 =	sld [smem:$0x3FFC];
	_ =	sdelay $0x3  }
0x94: {  	_ =	strace s3  }
0x95: {  	s3 =	sld [smem:$0x3FFD];
	_ =	sdelay $0x3  }
0x96: {  	_ =	strace s3  }
0x97: {  	_ =	strace $0x8FFFFFFF  }
0x98: {  	s19 =	sld [smem:$0x3FDB];
	_ =	sdelay $0x1  }
0x99: {  	s4 =	simm.s32 $_scs_section_size  }
0x9a: {  	s5 =	simm.s32 $_size__tile_overlayer_lowered;
	s6 =	simm.s32 $_tile_overlayer_lowered  }
0x9b: {  	s22 =	simm.s32 $0x1BFF;
	s21 =	sshll.u32 s6, $0x1;
	s3 =	sadd.s32 s4, s19  }
0x9c: {  	s7 =	simm.s32 $0x0;
	s20 =	sshll.u32 s5, $0x1;
	s5 =	sadd.s32 s21, s3  }
0x9d: {  	[timem:s7], [sflag:s22] =	dma.local [hbm:s5], s20  }
0x9e: {  	_ =	swait.ge [sflag:s22], s20  }
0x9f: {  	s4 =	ssub.s32 $0x0, s20;
	[sflag:s22] =	ssyncset.done $0x0  }
0xa0: {  	[sflag:s22] =	ssyncadd.s32 s4;
	_ =	sdelay $0x1  }
0xa1: {  	s23 =	simm.s32 $0x1B8B  }
0xa2: {  	_ =	swait.ge [sflag:s23], $0x1  }
0xa3: {  	[sflag:s23] =	ssyncset.done $0x0  }
0xa4: {  	s25 =	simm.s32 $0x1B8E;
	s24 =	sld [smem:$0x3FFE];
	[sflag:s23] =	ssyncadd.s32 $0xFFFFFFFF  }
0xa5: {  	s26 =	simm.s32 $execute0_lowered;
	[smem:$0x3FD2] =	sst s25  }
0xa6: {  	s5 =	sshll.u32 s26, $0x1;
	_ =	strace $0x80000046;
	[dreg:$0x1] =	wrdreg $0xFFFFFFFF  }
0xa7: {  	s28 =	simm.s32 $_size_execute0_lowered;
	s3 =	sadd.s32 s3, s5;
	[dreg:$0x0] =	wrdreg $0x0  }
0xa8: {  	s5 =	sshll.u32 s28, $0x1;
	[dreg:$0x2] =	wrdreg s3  }
0xa9: {  	[dreg:$0x3] =	wrdreg s5  }
0xaa: {  	[dreg:$0x4] =	wrdreg $0xC0  }
0xab: {  	_ =	task [dreg:s7], $0x5FFFF  }
0xac: {  	[dreg:$0x1] =	wrdreg $0xFFFFFFFF  }
0xad: {  	[dreg:$0x0] =	wrdreg $0x60  }
0xae: {  	[dreg:$0x2] =	wrdreg s24  }
0xaf: {  	[dreg:$0x3] =	wrdreg s2  }
0xb0: {  	[dreg:$0x4] =	wrdreg $0x9  }
0xb1: {  	_ =	task.clear_ibuf [dreg:s7], $0x5FFFF;
	_ =	strace $0x90000046  }
0xb2: {  	s29 =	simm.s32 $0x9;
	_ =	strace $0x80000048  }
0xb3: {  	_ =	swait.ge [sflag:s29], $0x1  }
0xb4: {  	[sflag:s29] =	ssyncadd.s32 $0xFFFFFFFF  }
0xb5: {  	_ =	strace $0x90000048  }
0xb6: {  	_ =	sfence  }
0xb7: {  	s30 =	sld [smem:$0x0];
	_ =	sdelay $0x2  }
0xb8: {  	s31 =	sshll.u32 s1, $0xD;
	s1 =	sshrl.u32 s1, $0x2  }
0xb9: {  	s3 =	sand.u32 $0x4000, s31;
	s1 =	sadd.s32 s1, s30  }
0xba: {  	s0 =	sor.u32 s3, s0;
	s1 =	sshll.u32 s1, $0x11  }
0xbb: {  	s0 =	sor.u32 s1, s0  }
0xbc: {  	s0 =	sadd.s32 $0x8F2B, s0  }
0xbd: {  	[sflag:s0] =	ssyncadd.remote.s32 $0x1  }
0xbe: {  	_ =	sfence.sel $0xFFFF  }
0xbf: {  	[dreg:$0x0] =	wrdreg $0xFFFFFFFF;
	(pc) =	sbr.abs _section_cstart, $3  }
0xc0: {  	[dreg:$0x1] =	wrdreg $0xFFFFFFFF  }
0xc1: {  	_ =	task.clear_ibuf [dreg:s7], $0x2FFFF;
	_ =	strace $0x9FFFFFFF  }
0xc2: {  	(tm) =	ssettm $0x7FFFFFFF  }
0xc3: {  	_ =	shalt  }
tec
execute0_lowered:
.L_overlay_start_1:
0x0: {  	(tag) =	ssettag $0x1  }
0x1: {  	s0 =	rddreg [dreg:$0x0]  }
0x2: {  	s1 =	srdreg.scid;
	s2 =	stileid.u32  }
0x3: {  	s3 =	simm.s32 $0x0;
	s14 =	simm.s32 $0x1100;
	s15 =	simm.s32 $0x2100  }
0x4: {  	s16 =	simm.s32 $0x2;
	s17 =	simm.s32 $0x1;
	s18 =	simm.s32 $0x3  }
0x5: {  	s19 =	simm.s32 $0x3180;
	s20 =	simm.s32 $0x880;
	s21 =	simm.s32 $0x3200  }
0x6: {  	s22 =	simm.s32 $0x4200;
	s23 =	simm.s32 $0x5200;
	s24 =	simm.s32 $0x400  }
0x7: {  	s25 =	simm.s32 $0x8000;
	s26 =	simm.s32 $0x0;
	s1 =	sand.u32 $0x1, s1  }
0x8: {  	s2 =	sshll.u32 s2, $0x1;
	[smem:$0x7FF] =	sst s3;
	s5 =	sadd.s32 $0x1200, s0  }
0x9: {  	s4 =	sor.u32 s1, s2;
	_ =	strace $0x80000047;
	s1 =	ssub.s32 $0x2, s1  }
0xa: {  	s2 =	sshll.u32 s4, $0x9;
	s6 =	sshll.u32 s4, $0x7;
	s7 =	sshll.u32 s4, $0x1  }
.Ltmp0:
0xb: {  	s8 =	sshrl.u32 s1, $0x1;
	s13 =	sshll.u32 s4, $0xC;
	(pc) =	sbr.rel .LBB2_1-.Ltmp0, $4  }
0xc: {  	s2 =	sadd.s32 s2, s0;
	s6 =	sadd.s32 s6, s0;
	s0 =	sadd.s32 s7, s0  }
0xd: {  	s1 =	ssub.s32 s1, s8;
	s31 =	sadd.s32 $0x2000, s2;
	s7 =	sadd.s32 $0x6000, s2  }
0xe: {  	v1 =	vimm.f32 $0.0e+00;
	s8 =	sadd.s32 $0xA000, s6;
	s9 =	sadd.s32 $0xE000, s6;
	s10 =	sadd.s32 $0x12000, s6  }
0xf: {  	v2 =	vimm.s32 $0x0;
	v3 =	vlaneseq.u32;
	v0 =	vmov s13;
	s11 =	sadd.s32 $0x16000, s0;
	s12 =	smax.u32 s1, $0x1;
	[dreg:$0x3] =	wrdreg s31  }
.LBB2_18:
0x10: {  	v4 =	vxor.u32 $0x80000000, v4  }
.LBB2_20:
0x11: {  	(xrf0) =	vmax.scan.msk.u32 $0xffff, v4;
	_ =	sdelay $0x5  }
0x12: {  	v4, _, _ =	vpop (xrf0)  }
0x13: {  	(v2sf) =	vpush v4, $0xF;
	_ =	sdelay $0xe  }
0x14: {  	s0 =	spop (v2sf)  }
0x15: {  	s0 =	sxor.u32 $0x80000000, s0  }
0x16: {  	v4 =	vmov s0  }
0x17: {  	[tilespmem:$0x3180] =	vst v4  }
0x18: {  	[hbm4b:s8+s24] =	stream.strided.scatter [tilespmem:s21], [sflag:$0x1], $0x1000, s25, s24, $0x38;
	[tilespmem:$0x6200] =	vst v63  }
0x19: {  	_ = 	snop  }
0x1a: {  	[hbm4b:s9+s24] =	stream.strided.scatter [tilespmem:s22], [sflag:$0x1], $0x1000, s25, s24, $0x38;
	[tilespmem:$0x6200] =	vst v63  }
0x1b: {  	_ = 	snop  }
0x1c: {  	[hbm4b:s10+s24] =	stream.strided.scatter [tilespmem:s23], [sflag:$0x1], $0x1000, s25, s24, $0x38;
	[tilespmem:$0x6200] =	vst v63  }
0x1d: {  	_ = 	snop  }
0x1e: {  	[hbm4b:s11+s3] =	stream.linear.scatter [tilespmem:s19], [sflag:$0x1], $0x10, $0x38;
	[tilespmem:$0x6200] =	vst v63  }
0x1f: {  	_ =	swait.ge [sflag:s17], $0x1000  }
0x20: {  	[sflag:s17] =	ssyncset.done $0x0  }
0x21: {  	[sflag:s17] =	ssyncadd.s32 $0xFFFFF000  }
0x22: {  	_ =	swait.ge [sflag:s17], $0x1000  }
0x23: {  	[sflag:s17] =	ssyncset.done $0x0  }
0x24: {  	s26 =	sadd.s32 $0x1, s26;
	[sflag:s17] =	ssyncadd.s32 $0xFFFFF000  }
0x25: {  	p0 =	sne.s32 s26, s12;
	_ =	swait.ge [sflag:s17], $0x1000  }
.Ltmp1:
0x26: {  	[sflag:s17] =	ssyncset.done $0x0;
	(pc) =	sbr.rel @!p0 .LBB2_21-.Ltmp1, $4  }
0x27: {  	[sflag:s17] =	ssyncadd.s32 $0xFFFFF000  }
0x28: {  	_ =	swait.ge [sflag:s17], $0x10  }
0x29: {  	[sflag:s17] =	ssyncset.done $0x0  }
0x2a: {  	[sflag:s17] =	ssyncadd.s32 $0xFFFFFFF0  }
.LBB2_1:
0x2b: {  	s0 =	rddreg [dreg:$0x1];
	s1 =	simm.s32 $0x3100  }
0x2c: {  	[tilespmem:s1], [sflag:$0x2] =	stream.linear.gather [hbm4b:s0+s3], $0x80, $0x38;
	[tilespmem:$0x6200] =	vst v63  }
0x2d: {  	s31 =	rddreg [dreg:$0x3]  }
0x2e: {  	[tilespmem:s14], [sflag:$0x1] =	stream.linear.gather [hbm4b:s31+s3], $0x1000, $0x38;
	[tilespmem:$0x6200] =	vst v63  }
0x2f: {  	s0 =	simm.s32 $0x40;
	s1 =	simm.s32 $0x0  }
0x30: {  	[tilespmem:s15], [sflag:$0x1] =	stream.linear.gather [hbm4b:s7+s3], $0x1000, $0x38;
	[tilespmem:$0x6200] =	vst v63  }
.LBB2_2:
0x31: {  	p0 =	sne.s32 s0, $0x3FC0;
	[tilespmem:s1+$0x5200] =	vst v2;
	s2 =	smov.u32 s0;
	s0 =	sadd.s32 $0x40, s0  }
.Ltmp2:
0x32: {  	[tilespmem:s1+$0x3200] =	vst v1;
	(pc) =	sbr.rel @p0 .LBB2_2-.Ltmp2, $2  }
0x33: {  	[tilespmem:s1+$0x4200] =	vst v1;
	_ =	sdelay $0x2  }
0x34: {  	s1 =	sshra.s32 s2, $0x2  }
0x35: {  	[tilespmem:s1+$0x5200] =	vst v2  }
0x36: {  	[tilespmem:s1+$0x3200] =	vst v1  }
0x37: {  	[tilespmem:s1+$0x4200] =	vst v1  }
0x38: {  	_ =	swait.ge [sflag:s16], $0x80  }
0x39: {  	[sflag:s16] =	ssyncset.done $0x0  }
0x3a: {  	[sflag:s16] =	ssyncadd.s32 $0xFFFFFF80  }
0x3b: {  	v4 =	vld [tilespmem:s4+$0x3100];
	_ =	sdelay $0x4  }
0x3c: {  	(v2sf) =	vpush v4, $0x0;
	_ =	sdelay $0x6  }
0x3d: {  	(v2sf) =	vpush v4, $0x1;
	_ =	sdelay $0x7  }
0x3e: {  	s0 =	spop (v2sf)  }
0x3f: {  	s31 =	sand.u32 $0xF, s0  }
0x40: {  	s2 =	sshra.s32 s0, $0x1F;
	p0 =	slt.s32 s0, $0x1;
	p1 =	sne.s32 s31, $0x0  }
0x41: {  	s6 =	sshrl.u32 s2, $0x1C;
	p0 =	por !p0, !p1  }
0x42: {  	s1 =	simm.s32 $0x1;
	s0 =	sadd.s32 s6, s0;
	p0 =	por !p0, !p0  }
0x43: {  	s0 =	sshrl.u32 s0, $0x4;
	s1 =	simm.s32 @!p0 $0x0  }
0x44: {  	s0 =	ssub.s32 s0, s1  }
0x45: {  	s28 =	spop (v2sf);
	s0 =	sshll.u32 s0, $0x4  }
0x46: {  	s13 =	ssub.s32 s28, s0  }
0x47: {  	s1 =	sadd.s32 $0x7FF, s13  }
0x48: {  	s29 =	sand.u32 $0x7FF, s1  }
0x49: {  	s31 =	sshra.s32 s1, $0x1F;
	p6 =	slt.s32 s1, $0x1;
	p5 =	sne.s32 s29, $0x0  }
0x4a: {  	s2 =	sshrl.u32 s31, $0x15;
	p0 =	por !p6, !p5  }
0x4b: {  	s1 =	sadd.s32 s2, s1;
	s2 =	simm.s32 $0x1;
	p0 =	por !p0, !p0  }
0x4c: {  	s1 =	sshra.s32 s1, $0xB;
	s2 =	simm.s32 @!p0 $0x0  }
0x4d: {  	s30 =	ssub.s32 s1, s2  }
0x4e: {  	p0 =	slt.s32 s30, $0x1  }
.Ltmp3:
0x4f: {  	_ = 	snop;
	(pc) =	sbr.rel @p0 .LBB2_19-.Ltmp3, $1  }
0x50: {  	_ =	sdelay $0x3  }
.Ltmp4:
0x51: {  	(pc) =	sbr.rel .LBB2_5-.Ltmp4, $2  }
0x52: {  	_ =	sdelay $0x2  }
0x53: {  	s31 =	simm.s32 $0x0;
	s29 =	smov.u32 s0  }
.LBB2_19:
0x54: {  	_ =	swait.ge [sflag:s17], $0x1000  }
.Ltmp5:
0x55: {  	[sflag:s17] =	ssyncset.done $0x0;
	(pc) =	sbr.rel .LBB2_20-.Ltmp5, $4  }
0x56: {  	[sflag:s17] =	ssyncadd.s32 $0xFFFFF000  }
0x57: {  	_ =	swait.ge [sflag:s17], $0x1000  }
0x58: {  	[sflag:s17] =	ssyncset.done $0x0  }
0x59: {  	v4 =	vimm.s32 $0x80000000;
	[sflag:s17] =	ssyncadd.s32 $0xFFFFF000  }
.LBB2_7:
0x5a: {  	s1 =	smov.u32 s2  }
.LBB2_11:
0x5b: {  	v6 =	vsub.s32 v5, v0;
	v4 =	vxor.u32 v5, v4  }
0x5c: {  	vm0 =	vlt.u32 v6, $0x1000;
	vm1 =	vgt.u32 v4, $0x1F  }
0x5d: {  	v4 =	vshra.s32 v6, $0x5;
	vm1 =	vmand vm0, vm1  }
0x5e: {  	v4 =	vnsel vm0, $0x0, v4;
	_ =	sdelay $0x1  }
0x5f: {  	s1 =	sadd.s32 @p0 $0x10, s1  }
0x60: {  	s2 =	smov.u32 @p0 s1  }
0x61: {  	v5 =	vor.u32 s2, v3  }
0x62: {  	[tilespmem:v4+s19+$0x0] =	vst.idx.msk vm1, v5  }
.LBB2_12:
0x63: {  	s31 =	sadd.s32 $0x1, s31  }
0x64: {  	p0 =	sne.s32 s31, s30  }
.Ltmp6:
0x65: {  	_ = 	snop;
	(pc) =	sbr.rel @!p0 .LBB2_13-.Ltmp6, $2  }
0x66: {  	_ =	sdelay $0x2  }
0x67: {  	s29 =	sadd.s32 $0x800, s29  }
.LBB2_5:
0x68: {  	s1 =	sshll.u32 s31, $0xB  }
0x69: {  	s1 =	sadd.s32 s0, s1  }
0x6a: {  	p0 =	slt.s32 s1, $0x2B40  }
0x6b: {  	s1 =	simm.s32 @!p0 $0x2B40  }
0x6c: {  	s2 =	sshrl.u32 s1, $0x3;
	s1 =	ssub.s32 s28, s1  }
0x6d: {  	s2 =	sadd.s32 s5, s2;
	s1 =	sadd.s32 $0xF, s1  }
0x6e: {  	[tilespmem:s3], [sflag:$0x3] =	stream.linear.gather [hbm4b:s2+s3], $0x810, $0x38;
	[tilespmem:$0x6200] =	vst v63  }
0x6f: {  	s6 =	sand.u32 $0xF, s1  }
0x70: {  	s13 =	sshra.s32 s1, $0x1F;
	p1 =	slt.s32 s1, $0x1;
	p6 =	sne.s32 s6, $0x0  }
0x71: {  	s2 =	sshrl.u32 s13, $0x1C;
	p0 =	por !p1, !p6  }
0x72: {  	s1 =	sadd.s32 s2, s1;
	s2 =	simm.s32 $0x1;
	p0 =	por !p0, !p0  }
0x73: {  	s1 =	sshra.s32 s1, $0x4;
	s2 =	simm.s32 @!p0 $0x0  }
0x74: {  	s1 =	ssub.s32 s1, s2  }
0x75: {  	p0 =	slt.s32 s1, $0x1  }
.Ltmp7:
0x76: {  	_ = 	snop;
	(pc) =	sbr.rel @p0 .LBB2_12-.Ltmp7, $4  }
0x77: {  	_ = 	snop  }
0x78: {  	_ =	swait.ge [sflag:s18], $0x810  }
0x79: {  	[sflag:s18] =	ssyncset.done $0x0  }
0x7a: {  	[sflag:s18] =	ssyncadd.s32 $0xFFFFF7F0  }
0x7b: {  	s1 =	smin.u32 s1, $0x80;
	s6 =	simm.s32 $0x10  }
0x7c: {  	p1 =	sne.s32 s1, $0x1;
	v4 =	vld [tilespmem:s6+$0xFFFFFFFF]  }
.Ltmp8:
0x7d: {  	v5 =	vld [tilespmem:s6+$0x0];
	(pc) =	sbr.rel @!p1 .LBB2_7-.Ltmp8, $3  }
0x7e: {  	_ =	sdelay $0x1  }
0x7f: {  	p0 =	slt.s32 s29, $0x2B40;
	s2 =	smov.u32 s29  }
0x80: {  	s2 =	simm.s32 @!p0 $0x2B40;
	s1 =	sadd.s32 $0xFFFFFFFF, s1;
	p0 =	por $0x0, $0x0  }
0x81: {  	v6 =	vsub.s32 v5, v0;
	v4 =	vxor.u32 v5, v4  }
0x82: {  	vm0 =	vlt.u32 v6, $0x1000;
	vm1 =	vgt.u32 v4, $0x1F  }
0x83: {  	v4 =	vshra.s32 v6, $0x5;
	vm1 =	vmand vm0, vm1  }
0x84: {  	v4 =	vnsel vm0, $0x0, v4;
	_ =	sdelay $0x3  }
0x85: {  	v5 =	vor.u32 s2, v3  }
0x86: {  	s13 =	simm.s32 $0x20;
	[tilespmem:v4+s19+$0x0] =	vst.idx.msk vm1, v5  }
0x87: {  	p1 =	sne.s32 s1, $0x1;
	v4 =	vld [tilespmem:s13+$0xFFFFFFFF]  }
.Ltmp9:
0x88: {  	v5 =	vld [tilespmem:s13+$0x0];
	(pc) =	sbr.rel @!p1 .LBB2_9-.Ltmp9, $2  }
0x89: {  	_ =	sdelay $0x2  }
0x8a: {  	s6 =	sadd.s32 $0xFFFFFFFF, s1;
	p0 =	por $0x1, $0x1;
	s1 =	smov.u32 s2  }
.LBB2_10:
0x8b: {  	p1 =	sne.s32 s6, $0x1;
	_ =	sdelay $0x3  }
0x8c: {  	v6 =	vsub.s32 v5, v0;
	v4 =	vxor.u32 v5, v4  }
0x8d: {  	vm0 =	vlt.u32 v6, $0x1000;
	vm1 =	vgt.u32 v4, $0x1F  }
0x8e: {  	v4 =	vshra.s32 v6, $0x5;
	vm1 =	vmand vm0, vm1  }
0x8f: {  	v4 =	vnsel vm0, $0x0, v4;
	_ =	sdelay $0x2  }
.Ltmp10:
0x90: {  	s1 =	sadd.s32 $0x10, s1;
	(pc) =	sbr.rel @p1 .LBB2_10-.Ltmp10, $4  }
0x91: {  	v5 =	vor.u32 s1, v3  }
0x92: {  	s13 =	sadd.s32 $0x10, s13;
	[tilespmem:v4+s19+$0x0] =	vst.idx.msk vm1, v5  }
0x93: {  	v4 =	vld [tilespmem:s13+$0xFFFFFFFF]  }
0x94: {  	s6 =	sadd.s32 $0xFFFFFFFF, s6;
	v5 =	vld [tilespmem:s13+$0x0]  }
.Ltmp11:
0x95: {  	_ = 	snop;
	(pc) =	sbr.rel .LBB2_11-.Ltmp11, $1  }
0x96: {  	_ =	sdelay $0x3  }
.LBB2_9:
.Ltmp12:
0x97: {  	(pc) =	sbr.rel .LBB2_11-.Ltmp12, $2  }
0x98: {  	_ =	sdelay $0x2  }
0x99: {  	s1 =	smov.u32 s2  }
.LBB2_13:
0x9a: {  	_ =	swait.ge [sflag:s17], $0x1000  }
.Ltmp13:
0x9b: {  	[sflag:s17] =	ssyncset.done $0x0;
	(pc) =	sbr.rel .LBB2_14-.Ltmp13, $4  }
0x9c: {  	[sflag:s17] =	ssyncadd.s32 $0xFFFFF000  }
0x9d: {  	_ =	swait.ge [sflag:s17], $0x1000  }
0x9e: {  	s29 =	simm.s32 $0x0;
	[sflag:s17] =	ssyncset.done $0x0  }
0x9f: {  	v4 =	vimm.s32 $0x0;
	p0 =	seq.s32 s30, $0x1;
	s31 =	smov.u32 s0;
	[sflag:s17] =	ssyncadd.s32 $0xFFFFF000  }
.LBB2_17:
0xa0: {  	s29 =	sadd.s32 $0x1, s29  }
0xa1: {  	p1 =	sne.s32 s29, s30  }
.Ltmp14:
0xa2: {  	_ = 	snop;
	(pc) =	sbr.rel @!p1 .LBB2_18-.Ltmp14, $2  }
0xa3: {  	_ =	sdelay $0x2  }
0xa4: {  	s31 =	sadd.s32 $0x800, s31  }
.LBB2_14:
0xa5: {  	s1 =	sshll.u32 s29, $0xB  }
0xa6: {  	s1 =	sadd.s32 s0, s1  }
0xa7: {  	p1 =	slt.s32 s1, $0x2B40  }
0xa8: {  	s1 =	simm.s32 @!p1 $0x2B40  }
0xa9: {  	s2 =	sshrl.u32 @!p0 s1, $0x3  }
0xaa: {  	s6 =	simm.s32 @!p0 $0x0;
	s2 =	sadd.s32 @!p0 s5, s2  }
0xab: {  	[tilespmem:s6], [sflag:$0x3] =	stream.linear.gather @!p0 [hbm4b:s2+s6], $0x810, $0x38;
	[tilespmem:$0x6200] =	vst v63  }
0xac: {  	s2 =	simm.s32 @!p0 $0x3  }
0xad: {  	s13 =	sadd.s32 $0x3350, s1;
	s1 =	ssub.s32 s28, s1;
	_ =	swait.ge @!p0 [sflag:s2], $0x810  }
0xae: {  	s1 =	sadd.s32 $0xF, s1;
	s6 =	sshrl.u32 s13, $0x3;
	[sflag:s2] =	ssyncset.done @!p0 $0x0  }
0xaf: {  	s13 =	sadd.s32 s5, s6;
	s6 =	sand.u32 $0xF, s1;
	[sflag:s2] =	ssyncadd.s32 @!p0 $0xFFFFF7F0  }
0xb0: {  	[tilespmem:s20], [sflag:$0x3] =	stream.linear.gather [hbm4b:s13+s3], $0x810, $0x38;
	[tilespmem:$0x6200] =	vst v63  }
0xb1: {  	p6 =	slt.s32 s1, $0x1;
	p2 =	sne.s32 s6, $0x0;
	s13 =	sshra.s32 s1, $0x1F  }
0xb2: {  	p1 =	por !p6, !p2;
	s13 =	sshrl.u32 s13, $0x1C  }
0xb3: {  	s2 =	simm.s32 $0x1;
	p1 =	por !p1, !p1;
	s1 =	sadd.s32 s13, s1  }
0xb4: {  	s2 =	simm.s32 @!p1 $0x0;
	s1 =	sshra.s32 s1, $0x4  }
0xb5: {  	s2 =	ssub.s32 s1, s2  }
0xb6: {  	p1 =	slt.s32 s2, $0x1  }
.Ltmp15:
0xb7: {  	_ = 	snop;
	(pc) =	sbr.rel @p1 .LBB2_17-.Ltmp15, $4  }
0xb8: {  	_ = 	snop  }
0xb9: {  	_ =	swait.ge [sflag:s18], $0x810  }
0xba: {  	[sflag:s18] =	ssyncset.done $0x0  }
0xbb: {  	[sflag:s18] =	ssyncadd.s32 $0xFFFFF7F0  }
0xbc: {  	p1 =	slt.s32 s31, $0x2B40;
	s1 =	smov.u32 s31;
	s2 =	smin.u32 s2, $0x80  }
0xbd: {  	s13 =	simm.s32 $0x10;
	s6 =	simm.s32 $0x890;
	s1 =	simm.s32 @!p1 $0x2B40  }
.LBB2_16:
0xbe: {  	v5 =	vld [tilespmem:s13+$0x0];
	_ =	sdelay $0x4  }
0xbf: {  	v5 =	vsub.s32 v5, v0  }
0xc0: {  	vm0 =	vlt.u32 v5, $0x1000  }
0xc1: {  	v5 =	vnsel vm0, $0x0, v5  }
0xc2: {  	v6 =	vshra.s32 v5, $0x5;
	_ =	sdelay $0x4  }
0xc3: {  	v7 =	vld.idx.msk [tilespmem:v6+s19+$0x0], vm0;
	_ =	sdelay $0x3  }
0xc4: {  	v8 =	vor.u32 s1, v3  }
0xc5: {  	v7 =	vsub.s32 v8, v7  }
0xc6: {  	v63 =	vld [tilespmem:s6+$0x0];
	v7 =	vnsel vm0, $0x0, v7  }
0xc7: {  	v10 =	vand.u32 $0xFFFFFF80, v6;
	v9 =	vld.idx.msk [tilespmem:v5+s14+$0x0], vm0;
	v11 =	vshll.u32 v7, $0x7  }
0xc8: {  	v12 =	vld.idx.msk [tilespmem:v5+s15+$0x0], vm0;
	v6 =	vand.u32 $0x7F, v6;
	v10 =	vadd.s32 v10, v11  }
0xc9: {  	v6 =	vor.u32 v6, v10;
	_ =	sdelay $0x1  }
0xca: {  	p1 =	sne.s32 s2, $0x1  }
.Ltmp16:
0xcb: {  	v8 =	vmul.f32 v9, v63;
	(pc) =	sbr.rel @p1 .LBB2_16-.Ltmp16, $4  }
0xcc: {  	v9 =	vmul.f32 v12, v9;
	vm1 =	vgt.s32 v7, $0xB  }
0xcd: {  	v5 =	vshrl.u32 v5, $0x1;
	vm1 =	vmand vm0, vm1;
	[tilespmem:v6+s21+$0x0] =	vst.idx.msk vm0, v8  }
0xce: {  	s13 =	sadd.s32 $0x10, s13;
	v5 =	vand.u32 $0xF, v5;
	v7 =	vsel vm1, $0x1, v2;
	[tilespmem:v6+s22+$0x0] =	vst.idx.msk vm0, v9  }
0xcf: {  	s6 =	sadd.s32 $0x10, s6;
	s1 =	sadd.s32 $0x10, s1;
	s2 =	sadd.s32 $0xFFFFFFFF, s2;
	v4 =	vor.u32 v7, v4;
	[tilespmem:v6+s23+$0x0] =	vst.idx.msk vm0, v5  }
.Ltmp17:
0xd0: {  	_ = 	snop;
	(pc) =	sbr.rel .LBB2_17-.Ltmp17, $1  }
0xd1: {  	_ =	sdelay $0x3  }
.LBB2_21:
0xd2: {  	_ =	sfence.sel $0x180000  }
0xd3: {  	[bflag:$0x0] =	sbarrier.arrive $0xFFFF  }
0xd4: {  	_ =	strace $0x90000047  }
0xd5: {  	s0 =	stileid.u32;
	[bflag:$0x2] =	sbarrier.arrive $0xFFFF  }
0xd6: {  	p0 =	sne.s32 s0, $0x0;
	s0 =	rddreg [dreg:$0x2]  }
0xd7: {  	s0 =	sadd.s32 @!p0 $0x100000, s0  }
0xd8: {  	[sflag:s0] =	ssyncadd.tile.s32 @!p0 $0x1;
	_ =	shalt  }
.Lfunc_end2:
_tile_overlayer_lowered:
.L_overlay_start_2:
0xd9: {  	(tag) =	ssettag $0x2  }
0xda: {  	s0 =	rddreg [dreg:$0x0];
	s2 =	stileid.u32  }
0xdb: {  	s1 =	rddreg [dreg:$0x1];
	p0 =	sne.s32 s2, $0x0  }
0xdc: {  	s3 =	rddreg [dreg:$0x2];
	[bflag:$0x3] =	sbarrier.arrive $0xFFFF;
	s2 =	simm.s32 @!p0 $0x1C03  }
0xdd: {  	[timem:s3], [sflag:s2] =	dma.local @!p0 [hbm:s0], s1  }
0xde: {  	s0 =	simm.s32 @!p0 $0x3  }
0xdf: {  	_ =	swait.ge @!p0 [sflag:s0], s1  }
0xe0: {  	s1 =	ssub.s32 @!p0 $0x0, s1;
	[sflag:s0] =	ssyncset.done @!p0 $0x0  }
0xe1: {  	[sflag:s0] =	ssyncadd.s32 @!p0 s1  }
0xe2: {  	[bflag:$0x3] =	sbarrier.arrive $0xFFFF  }
0xe3: {  	_ =	shalt  }

</sc_bundles>
